<compile_context>
chip_gen: v7x
topology: tpu7x:2x2x1
jax: 0.10.2.dev20260603
libtpu: 0.0.44.dev20260713+nightly
codegen_flags: <defaults>
</compile_context>

<pallas_src>
import jax
import jax.numpy as jnp
from jax import lax
from jax.experimental import pallas as pl
from jax.experimental.pallas import tpu as pltpu
from jax.experimental.pallas import tpu_sc as plsc

_B = 1024
_D = 128
_P = 4
_NNEG = 64
_KI = 72
_KG = 68
_KS = 80
_NC = 2
_NS = 16
_NW = _NC * _NS
_BW = _B // _NW
_INV_T = 1.0 / 0.07
_LANES = 16
_DC = _D // _LANES
_NBUF = 4


def _rsqrt16(x):
    xi = plsc.bitcast(x, jnp.int32)
    y = plsc.bitcast(jnp.int32(0x5F3759DF) - (xi >> 1), jnp.float32)
    for _ in range(3):
        y = y * (1.5 - 0.5 * x * y * y)
    return y


def _sc_sims_body(anch_hbm, idx_hbm, emb_hbm, out_hbm,
                  idx_v, anch_v, rb0, rb1, rb2, rb3,
                  dots_v, norms_v, sims_v, sem0, sem1, sem2, sem3):
    wid = lax.axis_index("s") * _NC + lax.axis_index("c")
    base = wid * _BW
    pltpu.sync_copy(idx_hbm.at[pl.ds(base, _BW)], idx_v)
    pltpu.sync_copy(anch_hbm.at[pl.ds(base, _BW)], anch_v)
    ones = jnp.ones((_LANES,), jnp.float32)
    dots_v[pl.ds(64, _LANES)] = ones
    norms_v[pl.ds(64, _LANES)] = ones
    lane15 = lax.iota(jnp.int32, _LANES) == (_LANES - 1)

    bufs = (rb0, rb1, rb2, rb3)
    sems = (sem0, sem1, sem2, sem3)

    for b in range(_NBUF - 1):
        pltpu.async_copy(emb_hbm.at[idx_v.at[b, pl.ds(0, _KG)]], bufs[b], sems[b])

    def compute_anchor(a, rows_v):
        ach = [anch_v[a, pl.ds(c * _LANES, _LANES)] for c in range(_DC)]
        an = ach[0] * ach[0]
        for c in range(1, _DC):
            an = an + ach[c] * ach[c]
        a_scale = _rsqrt16(jnp.full((_LANES,), jnp.sum(an), jnp.float32)) * _INV_T

        @plsc.parallel_loop(0, _KG, 1, unroll=4)
        def row_body(r):
            vs = [rows_v[r, pl.ds(c * _LANES, _LANES)] for c in range(_DC)]
            dterms = [vs[c] * ach[c] for c in range(_DC)]
            nterms = [vs[c] * vs[c] for c in range(_DC)]
            while len(dterms) > 1:
                dterms = [dterms[i] + dterms[i + 1] for i in range(0, len(dterms), 2)]
                nterms = [nterms[i] + nterms[i + 1] for i in range(0, len(nterms), 2)]
            accd, accn = dterms[0], nterms[0]
            ridx = jnp.full((_LANES,), r, jnp.int32)
            plsc.store_scatter(dots_v, [ridx], plsc.cumsum(accd), mask=lane15)
            plsc.store_scatter(norms_v, [ridx], plsc.cumsum(accn), mask=lane15)

        for g in range(_KS // _LANES):
            dv = dots_v[pl.ds(g * _LANES, _LANES)]
            nv = norms_v[pl.ds(g * _LANES, _LANES)]
            sims_v[a, pl.ds(g * _LANES, _LANES)] = dv * _rsqrt16(nv) * a_scale

    def outer(g, carry):
        for b in range(_NBUF):
            a = g * _NBUF + b
            pltpu.make_async_copy(emb_hbm.at[idx_v.at[a, pl.ds(0, _KG)]], bufs[b], sems[b]).wait()
            nxt = a + (_NBUF - 1)
            nb = (b + _NBUF - 1) % _NBUF

            @pl.when(nxt < _BW)
            def _():
                pltpu.async_copy(emb_hbm.at[idx_v.at[nxt, pl.ds(0, _KG)]], bufs[nb], sems[nb])

            compute_anchor(a, bufs[b])
        return carry

    lax.fori_loop(0, _BW // _NBUF, outer, 0)
    pltpu.sync_copy(sims_v, out_hbm.at[pl.ds(base, _BW)])


_sc_sims = pl.kernel(
    _sc_sims_body,
    out_type=jax.ShapeDtypeStruct((_B, _KS), jnp.float32),
    mesh=plsc.VectorSubcoreMesh(core_axis_name="c", subcore_axis_name="s",
                                num_cores=_NC, num_subcores=_NS),
    compiler_params=pltpu.CompilerParams(needs_layout_passes=False),
    scratch_types=[
        pltpu.VMEM((_BW, _KI), jnp.int32),
        pltpu.VMEM((_BW, _D), jnp.float32),
        pltpu.VMEM((_KG, _D), jnp.float32),
        pltpu.VMEM((_KG, _D), jnp.float32),
        pltpu.VMEM((_KG, _D), jnp.float32),
        pltpu.VMEM((_KG, _D), jnp.float32),
        pltpu.VMEM((_KS,), jnp.float32),
        pltpu.VMEM((_KS,), jnp.float32),
        pltpu.VMEM((_BW, _KS), jnp.float32),
        pltpu.SemaphoreType.DMA,
        pltpu.SemaphoreType.DMA,
        pltpu.SemaphoreType.DMA,
        pltpu.SemaphoreType.DMA,
    ],
)


def _tc_loss_body(sims_ref, out_ref):
    s = sims_ref[:]
    col = lax.broadcasted_iota(jnp.int32, (_B, _KS), 1)
    is_neg = col < _NNEG
    is_pos = (col >= _NNEG) & (col < _NNEG + _P)
    m = jnp.max(jnp.where(is_neg, s, jnp.float32(-3.0e38)), axis=1, keepdims=True)
    ssum = jnp.sum(jnp.where(is_neg, jnp.exp(s - m), 0.0), axis=1, keepdims=True)
    big = jnp.maximum(m, s)
    lse = big + jnp.log(jnp.exp(s - big) + ssum * jnp.exp(m - big))
    out_ref[0, 0] = jnp.sum(jnp.where(is_pos, lse - s, 0.0)) / (_B * _P)


_tc_loss = pl.pallas_call(
    _tc_loss_body,
    out_shape=jax.ShapeDtypeStruct((1, 1), jnp.float32),
    out_specs=pl.BlockSpec(memory_space=pltpu.SMEM),
)


def kernel(anchor_embeddings, positive_indices, negative_indices, all_embeddings):
    pad = jnp.zeros((_B, _KI - _NNEG - _P), jnp.int32)
    idx = jnp.concatenate(
        [negative_indices.astype(jnp.int32), positive_indices.astype(jnp.int32), pad],
        axis=1)
    sims = _sc_sims(anchor_embeddings, idx, all_embeddings)
    return _tc_loss(sims)[0, 0]

# --- scband reference (transcript-rebuilt; emitter-appended) ---
"""Pipeline reference for scband-supervised-contrastive-loss-48533130445659 (READ-ONLY COPY).

The authoritative reference and input builder live on the scoring server;
editing this copy changes nothing except your own understanding.
"""

import jax, jax.numpy as jnp
import numpy as np


def setup_inputs(seed: int = 0) -> dict:
    key = jax.random.key(seed)
    k1, k2, k3, k4 = jax.random.split(key, 4)
    anchor_embeddings = jax.random.normal(k1, (1024, 128), dtype=jnp.float32)
    all_embeddings = jax.random.normal(k2, (100000, 128), dtype=jnp.float32)
    positive_indices = jax.random.randint(k3, (1024, 4), 0, 100000)
    negative_indices = jax.random.randint(k4, (1024, 64), 0, 100000)
    return {
        "anchor_embeddings": anchor_embeddings,
        "positive_indices": positive_indices,
        "negative_indices": negative_indices,
        "all_embeddings": all_embeddings,
    }


def _l2_normalize(x):
    # matches torch F.normalize(p=2, dim=1) with eps=1e-12
    norm = jnp.linalg.norm(x, ord=2, axis=1, keepdims=True)
    return x / jnp.maximum(norm, 1e-12)


def reference(anchor_embeddings, positive_indices, negative_indices, all_embeddings):
    temperature = 0.07
    a = _l2_normalize(anchor_embeddings)              # [B, d]
    e = _l2_normalize(all_embeddings)                 # [N, d]
    pos_embs = jnp.take(e, positive_indices, axis=0)  # [B, P, d]
    neg_embs = jnp.take(e, negative_indices, axis=0)  # [B, Nn, d]
    pos_sim = jnp.einsum('bpd,bd->bp', pos_embs, a) / temperature  # [B, P]
    neg_sim = jnp.einsum('bnd,bd->bn', neg_embs, a) / temperature  # [B, Nn]
    B, P = pos_sim.shape
    Nn = neg_sim.shape[1]
    # For each (i, p): logits = [pos_sim[i,p], neg_sim[i,:]]
    logits = jnp.concatenate(
        [pos_sim[:, :, None], jnp.broadcast_to(neg_sim[:, None, :], (B, P, Nn))],
        axis=-1,
    )  # [B, P, Nn+1]
    lse = jax.scipy.special.logsumexp(logits, axis=-1)  # [B, P]
    losses = -pos_sim + lse
    return jnp.mean(losses)

if __name__ == "__main__":
    import jax
    _d = setup_inputs()
    print(jax.jit(kernel)(*tuple(_d.values())))

</pallas_src>

<mosaic_0001>
#map = affine_map<(d0, d1) -> (0, 0)>
module attributes {stable_mosaic.version = 14 : i64} {
  func.func @_sc_sims_body(%arg0: i32, %arg1: i32, %arg2: memref<1024x128xf32, #tpu.memory_space<hbm>>, %arg3: memref<1024x72xi32, #tpu.memory_space<hbm>>, %arg4: memref<100000x128xf32, #tpu.memory_space<hbm>>, %arg5: memref<1024x80xf32, #tpu.memory_space<hbm>>, %arg6: memref<32x72xi32, #tpu.memory_space<vmem>>, %arg7: memref<32x128xf32, #tpu.memory_space<vmem>>, %arg8: memref<68x128xf32, #tpu.memory_space<vmem>>, %arg9: memref<68x128xf32, #tpu.memory_space<vmem>>, %arg10: memref<68x128xf32, #tpu.memory_space<vmem>>, %arg11: memref<68x128xf32, #tpu.memory_space<vmem>>, %arg12: memref<80xf32, #tpu.memory_space<vmem>>, %arg13: memref<80xf32, #tpu.memory_space<vmem>>, %arg14: memref<32x80xf32, #tpu.memory_space<vmem>>, %arg15: memref<!tpu.dma_semaphore, #tpu.memory_space<semaphore_mem>>, %arg16: memref<!tpu.dma_semaphore, #tpu.memory_space<semaphore_mem>>, %arg17: memref<!tpu.dma_semaphore, #tpu.memory_space<semaphore_mem>>, %arg18: memref<!tpu.dma_semaphore, #tpu.memory_space<semaphore_mem>>) attributes {dimension_semantics = [#tpu.dimension_semantics<core_parallel>, #tpu.dimension_semantics<subcore_parallel>], iteration_bounds = array<i64: 2, 16>, scalar_prefetch = 0 : i64, scratch_operands = 13 : i64, tpu.core_type = #tpu.core_type<sc_vector_subcore>, window_params = [{transform_indices = #map}, {transform_indices = #map}, {transform_indices = #map}, {transform_indices = #map}]} {
    %mul3A = arith.constant 2 : i32
    %mul3A_0 = arith.muli %arg1, %mul3A : i32
    %add3A = arith.addi %mul3A_0, %arg0 : i32
    %mul3A_1 = arith.constant 32 : i32
    %mul3A_2 = arith.muli %add3A, %mul3A_1 : i32
    "tpu.region"() ({
      %run_scoped3A = tpu.sem_alloc : memref<!tpu.dma_semaphore, #tpu.memory_space<semaphore_mem>>
      %dma_start3A_34 = arith.constant 0 : i32
      %dma_start3A_35 = tpu.memref_slice %arg3[%mul3A_2, %dma_start3A_34] : memref<1024x72xi32, #tpu.memory_space<hbm>> -> memref<32x72xi32, #tpu.memory_space<hbm>>
      %dma_start3A_36 = arith.constant 0 : i32
      %dma_start3A_37 = tpu.memref_slice %arg3[%mul3A_2, %dma_start3A_36] : memref<1024x72xi32, #tpu.memory_space<hbm>> -> memref<32x72xi32, #tpu.memory_space<hbm>>
      tpu.enqueue_dma source(%dma_start3A_37 : memref<32x72xi32, #tpu.memory_space<hbm>>) target(%arg6 : memref<32x72xi32, #tpu.memory_space<vmem>>) target_semaphore(%run_scoped3A : memref<!tpu.dma_semaphore, #tpu.memory_space<semaphore_mem>>)
      %dma_wait3A = arith.constant 0 : i32
      %dma_wait3A_38 = tpu.memref_slice %arg3[%mul3A_2, %dma_wait3A] : memref<1024x72xi32, #tpu.memory_space<hbm>> -> memref<32x72xi32, #tpu.memory_space<hbm>>
      %dma_wait3A_39 = arith.constant 0 : i32
      %dma_wait3A_40 = tpu.memref_slice %arg3[%mul3A_2, %dma_wait3A_39] : memref<1024x72xi32, #tpu.memory_space<hbm>> -> memref<32x72xi32, #tpu.memory_space<hbm>>
      tpu.wait_dma2 semaphore(%run_scoped3A : memref<!tpu.dma_semaphore, #tpu.memory_space<semaphore_mem>>) src(%dma_wait3A_40 : memref<32x72xi32, #tpu.memory_space<hbm>>) dst(%arg6 : memref<32x72xi32, #tpu.memory_space<vmem>>)
      tpu.yield
    }) : () -> ()
    "tpu.region"() ({
      %run_scoped3A = tpu.sem_alloc : memref<!tpu.dma_semaphore, #tpu.memory_space<semaphore_mem>>
      %dma_start3A_34 = arith.constant 0 : i32
      %dma_start3A_35 = tpu.memref_slice %arg2[%mul3A_2, %dma_start3A_34] : memref<1024x128xf32, #tpu.memory_space<hbm>> -> memref<32x128xf32, #tpu.memory_space<hbm>>
      %dma_start3A_36 = arith.constant 0 : i32
      %dma_start3A_37 = tpu.memref_slice %arg2[%mul3A_2, %dma_start3A_36] : memref<1024x128xf32, #tpu.memory_space<hbm>> -> memref<32x128xf32, #tpu.memory_space<hbm>>
      tpu.enqueue_dma source(%dma_start3A_37 : memref<32x128xf32, #tpu.memory_space<hbm>>) target(%arg7 : memref<32x128xf32, #tpu.memory_space<vmem>>) target_semaphore(%run_scoped3A : memref<!tpu.dma_semaphore, #tpu.memory_space<semaphore_mem>>)
      %dma_wait3A = arith.constant 0 : i32
      %dma_wait3A_38 = tpu.memref_slice %arg2[%mul3A_2, %dma_wait3A] : memref<1024x128xf32, #tpu.memory_space<hbm>> -> memref<32x128xf32, #tpu.memory_space<hbm>>
      %dma_wait3A_39 = arith.constant 0 : i32
      %dma_wait3A_40 = tpu.memref_slice %arg2[%mul3A_2, %dma_wait3A_39] : memref<1024x128xf32, #tpu.memory_space<hbm>> -> memref<32x128xf32, #tpu.memory_space<hbm>>
      tpu.wait_dma2 semaphore(%run_scoped3A : memref<!tpu.dma_semaphore, #tpu.memory_space<semaphore_mem>>) src(%dma_wait3A_40 : memref<32x128xf32, #tpu.memory_space<hbm>>) dst(%arg7 : memref<32x128xf32, #tpu.memory_space<vmem>>)
      tpu.yield
    }) : () -> ()
    %broadcast_in_dim3A = arith.constant 1.000000e+00 : f32
    %broadcast_in_dim3A_3 = vector.broadcast %broadcast_in_dim3A : f32 to vector<16xf32>
    %swap3A = arith.constant 64 : index
    %swap3A_4 = tpu.vector_load %arg12[%swap3A] {strides = array<i32>} : memref<80xf32, #tpu.memory_space<vmem>>, vector<16xf32>,
    tpu.vector_store %arg12[%swap3A], %broadcast_in_dim3A_3 {strides = array<i32>} : memref<80xf32, #tpu.memory_space<vmem>>, vector<16xf32>,
    %swap3A_5 = arith.constant 64 : index
    %swap3A_6 = tpu.vector_load %arg13[%swap3A_5] {strides = array<i32>} : memref<80xf32, #tpu.memory_space<vmem>>, vector<16xf32>,
    tpu.vector_store %arg13[%swap3A_5], %broadcast_in_dim3A_3 {strides = array<i32>} : memref<80xf32, #tpu.memory_space<vmem>>, vector<16xf32>,
    %iota3A = tpu.iota {dimensions = array<i32: 0>} : vector<16xi32>
    %eq3A = arith.constant 15 : i32
    %eq3A_7 = vector.broadcast %eq3A : i32 to vector<16xi32>
    %eq3A_8 = arith.cmpi eq, %iota3A, %eq3A_7 : vector<16xi32>
    %dma_start3A = arith.constant 0 : i32
    %dma_start3A_9 = arith.constant 0 : i32
    %dma_start3A_10 = tpu.memref_slice %arg6[%dma_start3A, %dma_start3A_9] : memref<32x72xi32, #tpu.memory_space<vmem>> -> memref<1x68xi32, #tpu.memory_space<vmem>>
    %dma_start3A_11 = tpu.memref_squeeze %dma_start3A_10 : memref<1x68xi32, #tpu.memory_space<vmem>> -> memref<68xi32, #tpu.memory_space<vmem>>
    %dma_start3A_12 = arith.constant 0 : i32
    %dma_start3A_13 = arith.constant 0 : i32
    %dma_start3A_14 = tpu.memref_slice %arg4[%dma_start3A_12, %dma_start3A_13] : memref<100000x128xf32, #tpu.memory_space<hbm>> -> memref<100000x128xf32, #tpu.memory_space<hbm>>
    tpu.enqueue_indirect_dma source(%dma_start3A_14 : memref<100000x128xf32, #tpu.memory_space<hbm>>) target(%arg8 : memref<68x128xf32, #tpu.memory_space<vmem>>) offsets(%dma_start3A_11 : memref<68xi32, #tpu.memory_space<vmem>>) semaphore(%arg15 : memref<!tpu.dma_semaphore, #tpu.memory_space<semaphore_mem>>)
    %dma_start3A_15 = arith.constant 1 : i32
    %dma_start3A_16 = arith.constant 0 : i32
    %dma_start3A_17 = tpu.memref_slice %arg6[%dma_start3A_15, %dma_start3A_16] : memref<32x72xi32, #tpu.memory_space<vmem>> -> memref<1x68xi32, #tpu.memory_space<vmem>>
    %dma_start3A_18 = tpu.memref_squeeze %dma_start3A_17 : memref<1x68xi32, #tpu.memory_space<vmem>> -> memref<68xi32, #tpu.memory_space<vmem>>
    %dma_start3A_19 = arith.constant 0 : i32
    %dma_start3A_20 = arith.constant 0 : i32
    %dma_start3A_21 = tpu.memref_slice %arg4[%dma_start3A_19, %dma_start3A_20] : memref<100000x128xf32, #tpu.memory_space<hbm>> -> memref<100000x128xf32, #tpu.memory_space<hbm>>
    tpu.enqueue_indirect_dma source(%dma_start3A_21 : memref<100000x128xf32, #tpu.memory_space<hbm>>) target(%arg9 : memref<68x128xf32, #tpu.memory_space<vmem>>) offsets(%dma_start3A_18 : memref<68xi32, #tpu.memory_space<vmem>>) semaphore(%arg16 : memref<!tpu.dma_semaphore, #tpu.memory_space<semaphore_mem>>)
    %dma_start3A_22 = arith.constant 2 : i32
    %dma_start3A_23 = arith.constant 0 : i32
    %dma_start3A_24 = tpu.memref_slice %arg6[%dma_start3A_22, %dma_start3A_23] : memref<32x72xi32, #tpu.memory_space<vmem>> -> memref<1x68xi32, #tpu.memory_space<vmem>>
    %dma_start3A_25 = tpu.memref_squeeze %dma_start3A_24 : memref<1x68xi32, #tpu.memory_space<vmem>> -> memref<68xi32, #tpu.memory_space<vmem>>
    %dma_start3A_26 = arith.constant 0 : i32
    %dma_start3A_27 = arith.constant 0 : i32
    %dma_start3A_28 = tpu.memref_slice %arg4[%dma_start3A_26, %dma_start3A_27] : memref<100000x128xf32, #tpu.memory_space<hbm>> -> memref<100000x128xf32, #tpu.memory_space<hbm>>
    tpu.enqueue_indirect_dma source(%dma_start3A_28 : memref<100000x128xf32, #tpu.memory_space<hbm>>) target(%arg10 : memref<68x128xf32, #tpu.memory_space<vmem>>) offsets(%dma_start3A_25 : memref<68xi32, #tpu.memory_space<vmem>>) semaphore(%arg17 : memref<!tpu.dma_semaphore, #tpu.memory_space<semaphore_mem>>)
    %scan3A = arith.constant 0 : i32
    %scan3A_29 = arith.constant 0 : i32
    %scan3A_30 = arith.constant 8 : i32
    %scan3A_31 = arith.addi %scan3A_29, %scan3A_30 : i32
    %scan3A_32 = arith.constant 1 : i32
    scf.for %scan3A_34 = %scan3A_29 to %scan3A_31 step %scan3A_32  : i32 {
      %mul3A_35 = arith.constant 4 : i32
      %mul3A_36 = arith.muli %scan3A_34, %mul3A_35 : i32
      %add3A_37 = arith.constant 0 : i32
      %add3A_38 = arith.addi %mul3A_36, %add3A_37 : i32
      %dma_wait3A = arith.constant 0 : i32
      %dma_wait3A_39 = tpu.memref_slice %arg6[%add3A_38, %dma_wait3A] : memref<32x72xi32, #tpu.memory_space<vmem>> -> memref<1x68xi32, #tpu.memory_space<vmem>>
      %dma_wait3A_40 = tpu.memref_squeeze %dma_wait3A_39 : memref<1x68xi32, #tpu.memory_space<vmem>> -> memref<68xi32, #tpu.memory_space<vmem>>
      %dma_wait3A_41 = arith.constant 0 : i32
      %dma_wait3A_42 = arith.constant 0 : i32
      %dma_wait3A_43 = tpu.memref_slice %arg4[%dma_wait3A_41, %dma_wait3A_42] : memref<100000x128xf32, #tpu.memory_space<hbm>> -> memref<100000x128xf32, #tpu.memory_space<hbm>>
      tpu.wait_indirect_dma semaphore(%arg15 : memref<!tpu.dma_semaphore, #tpu.memory_space<semaphore_mem>>) src(%dma_wait3A_43 : memref<100000x128xf32, #tpu.memory_space<hbm>>) dst(%arg8 : memref<68x128xf32, #tpu.memory_space<vmem>>)
      %add3A_44 = arith.constant 3 : i32
      %add3A_45 = arith.addi %add3A_38, %add3A_44 : i32
      %lt3A = arith.constant 32 : i32
      %lt3A_46 = arith.cmpi slt, %add3A_45, %lt3A : i32
      %convert_element_type3A = arith.extui %lt3A_46 : i1 to i32
      %cond3A = arith.constant 0 : i32
      %cond3A_47 = arith.cmpi ne, %convert_element_type3A, %cond3A : i32
      scf.if %cond3A_47 {
        %dma_start3A_1313 = arith.constant 0 : i32
        %dma_start3A_1314 = tpu.memref_slice %arg6[%add3A_45, %dma_start3A_1313] : memref<32x72xi32, #tpu.memory_space<vmem>> -> memref<1x68xi32, #tpu.memory_space<vmem>>
        %dma_start3A_1315 = tpu.memref_squeeze %dma_start3A_1314 : memref<1x68xi32, #tpu.memory_space<vmem>> -> memref<68xi32, #tpu.memory_space<vmem>>
        %dma_start3A_1316 = arith.constant 0 : i32
        %dma_start3A_1317 = arith.constant 0 : i32
        %dma_start3A_1318 = tpu.memref_slice %arg4[%dma_start3A_1316, %dma_start3A_1317] : memref<100000x128xf32, #tpu.memory_space<hbm>> -> memref<100000x128xf32, #tpu.memory_space<hbm>>
        tpu.enqueue_indirect_dma source(%dma_start3A_1318 : memref<100000x128xf32, #tpu.memory_space<hbm>>) target(%arg11 : memref<68x128xf32, #tpu.memory_space<vmem>>) offsets(%dma_start3A_1315 : memref<68xi32, #tpu.memory_space<vmem>>) semaphore(%arg18 : memref<!tpu.dma_semaphore, #tpu.memory_space<semaphore_mem>>)
      } else {
      }
      %get3A = arith.index_cast %add3A_38 : i32 to index
      %get3A_48 = arith.constant 0 : index
      %get3A_49 = tpu.vector_load %arg7[%get3A, %get3A_48] {strides = array<i32>} : memref<32x128xf32, #tpu.memory_space<vmem>>, vector<16xf32>,
      %get3A_50 = arith.index_cast %add3A_38 : i32 to index
      %get3A_51 = arith.constant 16 : index
      %get3A_52 = tpu.vector_load %arg7[%get3A_50, %get3A_51] {strides = array<i32>} : memref<32x128xf32, #tpu.memory_space<vmem>>, vector<16xf32>,
      %get3A_53 = arith.index_cast %add3A_38 : i32 to index
      %get3A_54 = arith.constant 32 : index
      %get3A_55 = tpu.vector_load %arg7[%get3A_53, %get3A_54] {strides = array<i32>} : memref<32x128xf32, #tpu.memory_space<vmem>>, vector<16xf32>,
      %get3A_56 = arith.index_cast %add3A_38 : i32 to index
      %get3A_57 = arith.constant 48 : index
      %get3A_58 = tpu.vector_load %arg7[%get3A_56, %get3A_57] {strides = array<i32>} : memref<32x128xf32, #tpu.memory_space<vmem>>, vector<16xf32>,
      %get3A_59 = arith.index_cast %add3A_38 : i32 to index
      %get3A_60 = arith.constant 64 : index
      %get3A_61 = tpu.vector_load %arg7[%get3A_59, %get3A_60] {strides = array<i32>} : memref<32x128xf32, #tpu.memory_space<vmem>>, vector<16xf32>,
      %get3A_62 = arith.index_cast %add3A_38 : i32 to index
      %get3A_63 = arith.constant 80 : index
      %get3A_64 = tpu.vector_load %arg7[%get3A_62, %get3A_63] {strides = array<i32>} : memref<32x128xf32, #tpu.memory_space<vmem>>, vector<16xf32>,
      %get3A_65 = arith.index_cast %add3A_38 : i32 to index
      %get3A_66 = arith.constant 96 : index
      %get3A_67 = tpu.vector_load %arg7[%get3A_65, %get3A_66] {strides = array<i32>} : memref<32x128xf32, #tpu.memory_space<vmem>>, vector<16xf32>,
      %get3A_68 = arith.index_cast %add3A_38 : i32 to index
      %get3A_69 = arith.constant 112 : index
      %get3A_70 = tpu.vector_load %arg7[%get3A_68, %get3A_69] {strides = array<i32>} : memref<32x128xf32, #tpu.memory_space<vmem>>, vector<16xf32>,
      %mul3A_71 = arith.mulf %get3A_49, %get3A_49 : vector<16xf32>
      %mul3A_72 = arith.mulf %get3A_52, %get3A_52 : vector<16xf32>
      %add3A_73 = arith.addf %mul3A_71, %mul3A_72 : vector<16xf32>
      %mul3A_74 = arith.mulf %get3A_55, %get3A_55 : vector<16xf32>
      %add3A_75 = arith.addf %add3A_73, %mul3A_74 : vector<16xf32>
      %mul3A_76 = arith.mulf %get3A_58, %get3A_58 : vector<16xf32>
      %add3A_77 = arith.addf %add3A_75, %mul3A_76 : vector<16xf32>
      %mul3A_78 = arith.mulf %get3A_61, %get3A_61 : vector<16xf32>
      %add3A_79 = arith.addf %add3A_77, %mul3A_78 : vector<16xf32>
      %mul3A_80 = arith.mulf %get3A_64, %get3A_64 : vector<16xf32>
      %add3A_81 = arith.addf %add3A_79, %mul3A_80 : vector<16xf32>
      %mul3A_82 = arith.mulf %get3A_67, %get3A_67 : vector<16xf32>
      %add3A_83 = arith.addf %add3A_81, %mul3A_82 : vector<16xf32>
      %mul3A_84 = arith.mulf %get3A_70, %get3A_70 : vector<16xf32>
      %add3A_85 = arith.addf %add3A_83, %mul3A_84 : vector<16xf32>
      %reduce_sum3A = arith.constant true
      %reduce_sum3A_86 = vector.broadcast %reduce_sum3A : i1 to vector<16xi1>
      %reduce_sum3A_87 = tpu.scan <sum>, %add3A_85 masked %reduce_sum3A_86 : vector<16xf32>, vector<16xi1> -> vector<16xf32>
      %reduce_sum3A_88 = vector.extract %reduce_sum3A_87[15] : f32 from vector<16xf32>
      %broadcast_in_dim3A_89 = vector.broadcast %reduce_sum3A_88 : f32 to vector<16xf32>
      %bitcast3A = vector.bitcast %broadcast_in_dim3A_89 : vector<16xf32> to vector<16xi32>
      %shift_right_arithmetic3A = arith.constant 1 : i32
      %shift_right_arithmetic3A_90 = vector.broadcast %shift_right_arithmetic3A : i32 to vector<16xi32>
      %shift_right_arithmetic3A_91 = arith.shrsi %bitcast3A, %shift_right_arithmetic3A_90 : vector<16xi32>
      %sub3A = arith.constant 1597463007 : i32
      %sub3A_92 = vector.broadcast %sub3A : i32 to vector<16xi32>
      %sub3A_93 = arith.subi %sub3A_92, %shift_right_arithmetic3A_91 : vector<16xi32>
      %bitcast3A_94 = vector.bitcast %sub3A_93 : vector<16xi32> to vector<16xf32>
      %mul3A_95 = arith.constant 5.000000e-01 : f32
      %mul3A_96 = vector.broadcast %mul3A_95 : f32 to vector<16xf32>
      %mul3A_97 = arith.mulf %mul3A_96, %broadcast_in_dim3A_89 : vector<16xf32>
      %mul3A_98 = arith.mulf %mul3A_97, %bitcast3A_94 : vector<16xf32>
      %mul3A_99 = arith.mulf %mul3A_98, %bitcast3A_94 : vector<16xf32>
      %sub3A_100 = arith.constant 1.500000e+00 : f32
      %sub3A_101 = vector.broadcast %sub3A_100 : f32 to vector<16xf32>
      %sub3A_102 = arith.subf %sub3A_101, %mul3A_99 : vector<16xf32>
      %mul3A_103 = arith.mulf %bitcast3A_94, %sub3A_102 : vector<16xf32>
      %mul3A_104 = arith.constant 5.000000e-01 : f32
      %mul3A_105 = vector.broadcast %mul3A_104 : f32 to vector<16xf32>
      %mul3A_106 = arith.mulf %mul3A_105, %broadcast_in_dim3A_89 : vector<16xf32>
      %mul3A_107 = arith.mulf %mul3A_106, %mul3A_103 : vector<16xf32>
      %mul3A_108 = arith.mulf %mul3A_107, %mul3A_103 : vector<16xf32>
      %sub3A_109 = arith.constant 1.500000e+00 : f32
      %sub3A_110 = vector.broadcast %sub3A_109 : f32 to vector<16xf32>
      %sub3A_111 = arith.subf %sub3A_110, %mul3A_108 : vector<16xf32>
      %mul3A_112 = arith.mulf %mul3A_103, %sub3A_111 : vector<16xf32>
      %mul3A_113 = arith.constant 5.000000e-01 : f32
      %mul3A_114 = vector.broadcast %mul3A_113 : f32 to vector<16xf32>
      %mul3A_115 = arith.mulf %mul3A_114, %broadcast_in_dim3A_89 : vector<16xf32>
      %mul3A_116 = arith.mulf %mul3A_115, %mul3A_112 : vector<16xf32>
      %mul3A_117 = arith.mulf %mul3A_116, %mul3A_112 : vector<16xf32>
      %sub3A_118 = arith.constant 1.500000e+00 : f32
      %sub3A_119 = vector.broadcast %sub3A_118 : f32 to vector<16xf32>
      %sub3A_120 = arith.subf %sub3A_119, %mul3A_117 : vector<16xf32>
      %mul3A_121 = arith.mulf %mul3A_112, %sub3A_120 : vector<16xf32>
      %mul3A_122 = arith.constant 14.2857141 : f32
      %mul3A_123 = vector.broadcast %mul3A_122 : f32 to vector<16xf32>
      %mul3A_124 = arith.mulf %mul3A_121, %mul3A_123 : vector<16xf32>
      %parallel_loop3A = arith.constant 0 : i32
      %parallel_loop3A_125 = arith.constant 68 : i32
      %parallel_loop3A_126 = arith.constant 1 : i32
      scf.for %parallel_loop3A_1313 = %parallel_loop3A to %parallel_loop3A_125 step %parallel_loop3A_126  : i32 {
        %parallel_loop3A_1314 = arith.index_cast %parallel_loop3A_1313 : i32 to index
        %parallel_loop3A_1315 = arith.constant 0 : index
        %parallel_loop3A_1316 = tpu.vector_load %arg8[%parallel_loop3A_1314, %parallel_loop3A_1315] {strides = array<i32>} : memref<68x128xf32, #tpu.memory_space<vmem>>, vector<16xf32>,
        %parallel_loop3A_1317 = arith.index_cast %parallel_loop3A_1313 : i32 to index
        %parallel_loop3A_1318 = arith.constant 16 : index
        %parallel_loop3A_1319 = tpu.vector_load %arg8[%parallel_loop3A_1317, %parallel_loop3A_1318] {strides = array<i32>} : memref<68x128xf32, #tpu.memory_space<vmem>>, vector<16xf32>,
        %parallel_loop3A_1320 = arith.index_cast %parallel_loop3A_1313 : i32 to index
        %parallel_loop3A_1321 = arith.constant 32 : index
        %parallel_loop3A_1322 = tpu.vector_load %arg8[%parallel_loop3A_1320, %parallel_loop3A_1321] {strides = array<i32>} : memref<68x128xf32, #tpu.memory_space<vmem>>, vector<16xf32>,
        %parallel_loop3A_1323 = arith.index_cast %parallel_loop3A_1313 : i32 to index
        %parallel_loop3A_1324 = arith.constant 48 : index
        %parallel_loop3A_1325 = tpu.vector_load %arg8[%parallel_loop3A_1323, %parallel_loop3A_1324] {strides = array<i32>} : memref<68x128xf32, #tpu.memory_space<vmem>>, vector<16xf32>,
        %parallel_loop3A_1326 = arith.index_cast %parallel_loop3A_1313 : i32 to index
        %parallel_loop3A_1327 = arith.constant 64 : index
        %parallel_loop3A_1328 = tpu.vector_load %arg8[%parallel_loop3A_1326, %parallel_loop3A_1327] {strides = array<i32>} : memref<68x128xf32, #tpu.memory_space<vmem>>, vector<16xf32>,
        %parallel_loop3A_1329 = arith.index_cast %parallel_loop3A_1313 : i32 to index
        %parallel_loop3A_1330 = arith.constant 80 : index
        %parallel_loop3A_1331 = tpu.vector_load %arg8[%parallel_loop3A_1329, %parallel_loop3A_1330] {strides = array<i32>} : memref<68x128xf32, #tpu.memory_space<vmem>>, vector<16xf32>,
        %parallel_loop3A_1332 = arith.index_cast %parallel_loop3A_1313 : i32 to index
        %parallel_loop3A_1333 = arith.constant 96 : index
        %parallel_loop3A_1334 = tpu.vector_load %arg8[%parallel_loop3A_1332, %parallel_loop3A_1333] {strides = array<i32>} : memref<68x128xf32, #tpu.memory_space<vmem>>, vector<16xf32>,
        %parallel_loop3A_1335 = arith.index_cast %parallel_loop3A_1313 : i32 to index
        %parallel_loop3A_1336 = arith.constant 112 : index
        %parallel_loop3A_1337 = tpu.vector_load %arg8[%parallel_loop3A_1335, %parallel_loop3A_1336] {strides = array<i32>} : memref<68x128xf32, #tpu.memory_space<vmem>>, vector<16xf32>,
        %parallel_loop3A_1338 = arith.mulf %parallel_loop3A_1316, %get3A_49 : vector<16xf32>
        %parallel_loop3A_1339 = arith.mulf %parallel_loop3A_1319, %get3A_52 : vector<16xf32>
        %parallel_loop3A_1340 = arith.mulf %parallel_loop3A_1322, %get3A_55 : vector<16xf32>
        %parallel_loop3A_1341 = arith.mulf %parallel_loop3A_1325, %get3A_58 : vector<16xf32>
        %parallel_loop3A_1342 = arith.mulf %parallel_loop3A_1328, %get3A_61 : vector<16xf32>
        %parallel_loop3A_1343 = arith.mulf %parallel_loop3A_1331, %get3A_64 : vector<16xf32>
        %parallel_loop3A_1344 = arith.mulf %parallel_loop3A_1334, %get3A_67 : vector<16xf32>
        %parallel_loop3A_1345 = arith.mulf %parallel_loop3A_1337, %get3A_70 : vector<16xf32>
        %parallel_loop3A_1346 = arith.mulf %parallel_loop3A_1316, %parallel_loop3A_1316 : vector<16xf32>
        %parallel_loop3A_1347 = arith.mulf %parallel_loop3A_1319, %parallel_loop3A_1319 : vector<16xf32>
        %parallel_loop3A_1348 = arith.mulf %parallel_loop3A_1322, %parallel_loop3A_1322 : vector<16xf32>
        %parallel_loop3A_1349 = arith.mulf %parallel_loop3A_1325, %parallel_loop3A_1325 : vector<16xf32>
        %parallel_loop3A_1350 = arith.mulf %parallel_loop3A_1328, %parallel_loop3A_1328 : vector<16xf32>
        %parallel_loop3A_1351 = arith.mulf %parallel_loop3A_1331, %parallel_loop3A_1331 : vector<16xf32>
        %parallel_loop3A_1352 = arith.mulf %parallel_loop3A_1334, %parallel_loop3A_1334 : vector<16xf32>
        %parallel_loop3A_1353 = arith.mulf %parallel_loop3A_1337, %parallel_loop3A_1337 : vector<16xf32>
        %parallel_loop3A_1354 = arith.addf %parallel_loop3A_1338, %parallel_loop3A_1339 : vector<16xf32>
        %parallel_loop3A_1355 = arith.addf %parallel_loop3A_1340, %parallel_loop3A_1341 : vector<16xf32>
        %parallel_loop3A_1356 = arith.addf %parallel_loop3A_1342, %parallel_loop3A_1343 : vector<16xf32>
        %parallel_loop3A_1357 = arith.addf %parallel_loop3A_1344, %parallel_loop3A_1345 : vector<16xf32>
        %parallel_loop3A_1358 = arith.addf %parallel_loop3A_1346, %parallel_loop3A_1347 : vector<16xf32>
        %parallel_loop3A_1359 = arith.addf %parallel_loop3A_1348, %parallel_loop3A_1349 : vector<16xf32>
        %parallel_loop3A_1360 = arith.addf %parallel_loop3A_1350, %parallel_loop3A_1351 : vector<16xf32>
        %parallel_loop3A_1361 = arith.addf %parallel_loop3A_1352, %parallel_loop3A_1353 : vector<16xf32>
        %parallel_loop3A_1362 = arith.addf %parallel_loop3A_1354, %parallel_loop3A_1355 : vector<16xf32>
        %parallel_loop3A_1363 = arith.addf %parallel_loop3A_1356, %parallel_loop3A_1357 : vector<16xf32>
        %parallel_loop3A_1364 = arith.addf %parallel_loop3A_1358, %parallel_loop3A_1359 : vector<16xf32>
        %parallel_loop3A_1365 = arith.addf %parallel_loop3A_1360, %parallel_loop3A_1361 : vector<16xf32>
        %parallel_loop3A_1366 = arith.addf %parallel_loop3A_1362, %parallel_loop3A_1363 : vector<16xf32>
        %parallel_loop3A_1367 = arith.addf %parallel_loop3A_1364, %parallel_loop3A_1365 : vector<16xf32>
        %parallel_loop3A_1368 = vector.broadcast %parallel_loop3A_1313 : i32 to vector<16xi32>
        %parallel_loop3A_1369 = arith.constant true
        %parallel_loop3A_1370 = vector.broadcast %parallel_loop3A_1369 : i1 to vector<16xi1>
        %parallel_loop3A_1371 = tpu.scan <sum>, %parallel_loop3A_1366 masked %parallel_loop3A_1370 : vector<16xf32>, vector<16xi1> -> vector<16xf32>
        tpu.vector_store_idx %arg12[%parallel_loop3A_1368], %parallel_loop3A_1371 masked %eq3A_8 : memref<80xf32, #tpu.memory_space<vmem>>[vector<16xi32>], vector<16xf32>, vector<16xi1>
        %parallel_loop3A_1372 = arith.constant true
        %parallel_loop3A_1373 = vector.broadcast %parallel_loop3A_1372 : i1 to vector<16xi1>
        %parallel_loop3A_1374 = tpu.scan <sum>, %parallel_loop3A_1367 masked %parallel_loop3A_1373 : vector<16xf32>, vector<16xi1> -> vector<16xf32>
        tpu.vector_store_idx %arg13[%parallel_loop3A_1368], %parallel_loop3A_1374 masked %eq3A_8 : memref<80xf32, #tpu.memory_space<vmem>>[vector<16xi32>], vector<16xf32>, vector<16xi1>
      } {sc.loop_unroll_factor = 4 : i64, sc.parallel_access}
      %get3A_127 = arith.constant 0 : index
      %get3A_128 = tpu.vector_load %arg12[%get3A_127] {strides = array<i32>} : memref<80xf32, #tpu.memory_space<vmem>>, vector<16xf32>,
      %get3A_129 = arith.constant 0 : index
      %get3A_130 = tpu.vector_load %arg13[%get3A_129] {strides = array<i32>} : memref<80xf32, #tpu.memory_space<vmem>>, vector<16xf32>,
      %bitcast3A_131 = vector.bitcast %get3A_130 : vector<16xf32> to vector<16xi32>
      %shift_right_arithmetic3A_132 = arith.constant 1 : i32
      %shift_right_arithmetic3A_133 = vector.broadcast %shift_right_arithmetic3A_132 : i32 to vector<16xi32>
      %shift_right_arithmetic3A_134 = arith.shrsi %bitcast3A_131, %shift_right_arithmetic3A_133 : vector<16xi32>
      %sub3A_135 = arith.constant 1597463007 : i32
      %sub3A_136 = vector.broadcast %sub3A_135 : i32 to vector<16xi32>
      %sub3A_137 = arith.subi %sub3A_136, %shift_right_arithmetic3A_134 : vector<16xi32>
      %bitcast3A_138 = vector.bitcast %sub3A_137 : vector<16xi32> to vector<16xf32>
      %mul3A_139 = arith.constant 5.000000e-01 : f32
      %mul3A_140 = vector.broadcast %mul3A_139 : f32 to vector<16xf32>
      %mul3A_141 = arith.mulf %mul3A_140, %get3A_130 : vector<16xf32>
      %mul3A_142 = arith.mulf %mul3A_141, %bitcast3A_138 : vector<16xf32>
      %mul3A_143 = arith.mulf %mul3A_142, %bitcast3A_138 : vector<16xf32>
      %sub3A_144 = arith.constant 1.500000e+00 : f32
      %sub3A_145 = vector.broadcast %sub3A_144 : f32 to vector<16xf32>
      %sub3A_146 = arith.subf %sub3A_145, %mul3A_143 : vector<16xf32>
      %mul3A_147 = arith.mulf %bitcast3A_138, %sub3A_146 : vector<16xf32>
      %mul3A_148 = arith.constant 5.000000e-01 : f32
      %mul3A_149 = vector.broadcast %mul3A_148 : f32 to vector<16xf32>
      %mul3A_150 = arith.mulf %mul3A_149, %get3A_130 : vector<16xf32>
      %mul3A_151 = arith.mulf %mul3A_150, %mul3A_147 : vector<16xf32>
      %mul3A_152 = arith.mulf %mul3A_151, %mul3A_147 : vector<16xf32>
      %sub3A_153 = arith.constant 1.500000e+00 : f32
      %sub3A_154 = vector.broadcast %sub3A_153 : f32 to vector<16xf32>
      %sub3A_155 = arith.subf %sub3A_154, %mul3A_152 : vector<16xf32>
      %mul3A_156 = arith.mulf %mul3A_147, %sub3A_155 : vector<16xf32>
      %mul3A_157 = arith.constant 5.000000e-01 : f32
      %mul3A_158 = vector.broadcast %mul3A_157 : f32 to vector<16xf32>
      %mul3A_159 = arith.mulf %mul3A_158, %get3A_130 : vector<16xf32>
      %mul3A_160 = arith.mulf %mul3A_159, %mul3A_156 : vector<16xf32>
      %mul3A_161 = arith.mulf %mul3A_160, %mul3A_156 : vector<16xf32>
      %sub3A_162 = arith.constant 1.500000e+00 : f32
      %sub3A_163 = vector.broadcast %sub3A_162 : f32 to vector<16xf32>
      %sub3A_164 = arith.subf %sub3A_163, %mul3A_161 : vector<16xf32>
      %mul3A_165 = arith.mulf %mul3A_156, %sub3A_164 : vector<16xf32>
      %mul3A_166 = arith.mulf %get3A_128, %mul3A_165 : vector<16xf32>
      %mul3A_167 = arith.mulf %mul3A_166, %mul3A_124 : vector<16xf32>
      %swap3A_168 = arith.index_cast %add3A_38 : i32 to index
      %swap3A_169 = arith.constant 0 : index
      %swap3A_170 = tpu.vector_load %arg14[%swap3A_168, %swap3A_169] {strides = array<i32>} : memref<32x80xf32, #tpu.memory_space<vmem>>, vector<16xf32>,
      tpu.vector_store %arg14[%swap3A_168, %swap3A_169], %mul3A_167 {strides = array<i32>} : memref<32x80xf32, #tpu.memory_space<vmem>>, vector<16xf32>,
      %get3A_171 = arith.constant 16 : index
      %get3A_172 = tpu.vector_load %arg12[%get3A_171] {strides = array<i32>} : memref<80xf32, #tpu.memory_space<vmem>>, vector<16xf32>,
      %get3A_173 = arith.constant 16 : index
      %get3A_174 = tpu.vector_load %arg13[%get3A_173] {strides = array<i32>} : memref<80xf32, #tpu.memory_space<vmem>>, vector<16xf32>,
      %bitcast3A_175 = vector.bitcast %get3A_174 : vector<16xf32> to vector<16xi32>
      %shift_right_arithmetic3A_176 = arith.constant 1 : i32
      %shift_right_arithmetic3A_177 = vector.broadcast %shift_right_arithmetic3A_176 : i32 to vector<16xi32>
      %shift_right_arithmetic3A_178 = arith.shrsi %bitcast3A_175, %shift_right_arithmetic3A_177 : vector<16xi32>
      %sub3A_179 = arith.constant 1597463007 : i32
      %sub3A_180 = vector.broadcast %sub3A_179 : i32 to vector<16xi32>
      %sub3A_181 = arith.subi %sub3A_180, %shift_right_arithmetic3A_178 : vector<16xi32>
      %bitcast3A_182 = vector.bitcast %sub3A_181 : vector<16xi32> to vector<16xf32>
      %mul3A_183 = arith.constant 5.000000e-01 : f32
      %mul3A_184 = vector.broadcast %mul3A_183 : f32 to vector<16xf32>
      %mul3A_185 = arith.mulf %mul3A_184, %get3A_174 : vector<16xf32>
      %mul3A_186 = arith.mulf %mul3A_185, %bitcast3A_182 : vector<16xf32>
      %mul3A_187 = arith.mulf %mul3A_186, %bitcast3A_182 : vector<16xf32>
      %sub3A_188 = arith.constant 1.500000e+00 : f32
      %sub3A_189 = vector.broadcast %sub3A_188 : f32 to vector<16xf32>
      %sub3A_190 = arith.subf %sub3A_189, %mul3A_187 : vector<16xf32>
      %mul3A_191 = arith.mulf %bitcast3A_182, %sub3A_190 : vector<16xf32>
      %mul3A_192 = arith.constant 5.000000e-01 : f32
      %mul3A_193 = vector.broadcast %mul3A_192 : f32 to vector<16xf32>
      %mul3A_194 = arith.mulf %mul3A_193, %get3A_174 : vector<16xf32>
      %mul3A_195 = arith.mulf %mul3A_194, %mul3A_191 : vector<16xf32>
      %mul3A_196 = arith.mulf %mul3A_195, %mul3A_191 : vector<16xf32>
      %sub3A_197 = arith.constant 1.500000e+00 : f32
      %sub3A_198 = vector.broadcast %sub3A_197 : f32 to vector<16xf32>
      %sub3A_199 = arith.subf %sub3A_198, %mul3A_196 : vector<16xf32>
      %mul3A_200 = arith.mulf %mul3A_191, %sub3A_199 : vector<16xf32>
      %mul3A_201 = arith.constant 5.000000e-01 : f32
      %mul3A_202 = vector.broadcast %mul3A_201 : f32 to vector<16xf32>
      %mul3A_203 = arith.mulf %mul3A_202, %get3A_174 : vector<16xf32>
      %mul3A_204 = arith.mulf %mul3A_203, %mul3A_200 : vector<16xf32>
      %mul3A_205 = arith.mulf %mul3A_204, %mul3A_200 : vector<16xf32>
      %sub3A_206 = arith.constant 1.500000e+00 : f32
      %sub3A_207 = vector.broadcast %sub3A_206 : f32 to vector<16xf32>
      %sub3A_208 = arith.subf %sub3A_207, %mul3A_205 : vector<16xf32>
      %mul3A_209 = arith.mulf %mul3A_200, %sub3A_208 : vector<16xf32>
      %mul3A_210 = arith.mulf %get3A_172, %mul3A_209 : vector<16xf32>
      %mul3A_211 = arith.mulf %mul3A_210, %mul3A_124 : vector<16xf32>
      %swap3A_212 = arith.index_cast %add3A_38 : i32 to index
      %swap3A_213 = arith.constant 16 : index
      %swap3A_214 = tpu.vector_load %arg14[%swap3A_212, %swap3A_213] {strides = array<i32>} : memref<32x80xf32, #tpu.memory_space<vmem>>, vector<16xf32>,
      tpu.vector_store %arg14[%swap3A_212, %swap3A_213], %mul3A_211 {strides = array<i32>} : memref<32x80xf32, #tpu.memory_space<vmem>>, vector<16xf32>,
      %get3A_215 = arith.constant 32 : index
      %get3A_216 = tpu.vector_load %arg12[%get3A_215] {strides = array<i32>} : memref<80xf32, #tpu.memory_space<vmem>>, vector<16xf32>,
      %get3A_217 = arith.constant 32 : index
      %get3A_218 = tpu.vector_load %arg13[%get3A_217] {strides = array<i32>} : memref<80xf32, #tpu.memory_space<vmem>>, vector<16xf32>,
      %bitcast3A_219 = vector.bitcast %get3A_218 : vector<16xf32> to vector<16xi32>
      %shift_right_arithmetic3A_220 = arith.constant 1 : i32
      %shift_right_arithmetic3A_221 = vector.broadcast %shift_right_arithmetic3A_220 : i32 to vector<16xi32>
      %shift_right_arithmetic3A_222 = arith.shrsi %bitcast3A_219, %shift_right_arithmetic3A_221 : vector<16xi32>
      %sub3A_223 = arith.constant 1597463007 : i32
      %sub3A_224 = vector.broadcast %sub3A_223 : i32 to vector<16xi32>
      %sub3A_225 = arith.subi %sub3A_224, %shift_right_arithmetic3A_222 : vector<16xi32>
      %bitcast3A_226 = vector.bitcast %sub3A_225 : vector<16xi32> to vector<16xf32>
      %mul3A_227 = arith.constant 5.000000e-01 : f32
      %mul3A_228 = vector.broadcast %mul3A_227 : f32 to vector<16xf32>
      %mul3A_229 = arith.mulf %mul3A_228, %get3A_218 : vector<16xf32>
      %mul3A_230 = arith.mulf %mul3A_229, %bitcast3A_226 : vector<16xf32>
      %mul3A_231 = arith.mulf %mul3A_230, %bitcast3A_226 : vector<16xf32>
      %sub3A_232 = arith.constant 1.500000e+00 : f32
      %sub3A_233 = vector.broadcast %sub3A_232 : f32 to vector<16xf32>
      %sub3A_234 = arith.subf %sub3A_233, %mul3A_231 : vector<16xf32>
      %mul3A_235 = arith.mulf %bitcast3A_226, %sub3A_234 : vector<16xf32>
      %mul3A_236 = arith.constant 5.000000e-01 : f32
      %mul3A_237 = vector.broadcast %mul3A_236 : f32 to vector<16xf32>
      %mul3A_238 = arith.mulf %mul3A_237, %get3A_218 : vector<16xf32>
      %mul3A_239 = arith.mulf %mul3A_238, %mul3A_235 : vector<16xf32>
      %mul3A_240 = arith.mulf %mul3A_239, %mul3A_235 : vector<16xf32>
      %sub3A_241 = arith.constant 1.500000e+00 : f32
      %sub3A_242 = vector.broadcast %sub3A_241 : f32 to vector<16xf32>
      %sub3A_243 = arith.subf %sub3A_242, %mul3A_240 : vector<16xf32>
      %mul3A_244 = arith.mulf %mul3A_235, %sub3A_243 : vector<16xf32>
      %mul3A_245 = arith.constant 5.000000e-01 : f32
      %mul3A_246 = vector.broadcast %mul3A_245 : f32 to vector<16xf32>
      %mul3A_247 = arith.mulf %mul3A_246, %get3A_218 : vector<16xf32>
      %mul3A_248 = arith.mulf %mul3A_247, %mul3A_244 : vector<16xf32>
      %mul3A_249 = arith.mulf %mul3A_248, %mul3A_244 : vector<16xf32>
      %sub3A_250 = arith.constant 1.500000e+00 : f32
      %sub3A_251 = vector.broadcast %sub3A_250 : f32 to vector<16xf32>
      %sub3A_252 = arith.subf %sub3A_251, %mul3A_249 : vector<16xf32>
      %mul3A_253 = arith.mulf %mul3A_244, %sub3A_252 : vector<16xf32>
      %mul3A_254 = arith.mulf %get3A_216, %mul3A_253 : vector<16xf32>
      %mul3A_255 = arith.mulf %mul3A_254, %mul3A_124 : vector<16xf32>
      %swap3A_256 = arith.index_cast %add3A_38 : i32 to index
      %swap3A_257 = arith.constant 32 : index
      %swap3A_258 = tpu.vector_load %arg14[%swap3A_256, %swap3A_257] {strides = array<i32>} : memref<32x80xf32, #tpu.memory_space<vmem>>, vector<16xf32>,
      tpu.vector_store %arg14[%swap3A_256, %swap3A_257], %mul3A_255 {strides = array<i32>} : memref<32x80xf32, #tpu.memory_space<vmem>>, vector<16xf32>,
      %get3A_259 = arith.constant 48 : index
      %get3A_260 = tpu.vector_load %arg12[%get3A_259] {strides = array<i32>} : memref<80xf32, #tpu.memory_space<vmem>>, vector<16xf32>,
      %get3A_261 = arith.constant 48 : index
      %get3A_262 = tpu.vector_load %arg13[%get3A_261] {strides = array<i32>} : memref<80xf32, #tpu.memory_space<vmem>>, vector<16xf32>,
      %bitcast3A_263 = vector.bitcast %get3A_262 : vector<16xf32> to vector<16xi32>
      %shift_right_arithmetic3A_264 = arith.constant 1 : i32
      %shift_right_arithmetic3A_265 = vector.broadcast %shift_right_arithmetic3A_264 : i32 to vector<16xi32>
      %shift_right_arithmetic3A_266 = arith.shrsi %bitcast3A_263, %shift_right_arithmetic3A_265 : vector<16xi32>
      %sub3A_267 = arith.constant 1597463007 : i32
      %sub3A_268 = vector.broadcast %sub3A_267 : i32 to vector<16xi32>
      %sub3A_269 = arith.subi %sub3A_268, %shift_right_arithmetic3A_266 : vector<16xi32>
      %bitcast3A_270 = vector.bitcast %sub3A_269 : vector<16xi32> to vector<16xf32>
      %mul3A_271 = arith.constant 5.000000e-01 : f32
      %mul3A_272 = vector.broadcast %mul3A_271 : f32 to vector<16xf32>
      %mul3A_273 = arith.mulf %mul3A_272, %get3A_262 : vector<16xf32>
      %mul3A_274 = arith.mulf %mul3A_273, %bitcast3A_270 : vector<16xf32>
      %mul3A_275 = arith.mulf %mul3A_274, %bitcast3A_270 : vector<16xf32>
      %sub3A_276 = arith.constant 1.500000e+00 : f32
      %sub3A_277 = vector.broadcast %sub3A_276 : f32 to vector<16xf32>
      %sub3A_278 = arith.subf %sub3A_277, %mul3A_275 : vector<16xf32>
      %mul3A_279 = arith.mulf %bitcast3A_270, %sub3A_278 : vector<16xf32>
      %mul3A_280 = arith.constant 5.000000e-01 : f32
      %mul3A_281 = vector.broadcast %mul3A_280 : f32 to vector<16xf32>
      %mul3A_282 = arith.mulf %mul3A_281, %get3A_262 : vector<16xf32>
      %mul3A_283 = arith.mulf %mul3A_282, %mul3A_279 : vector<16xf32>
      %mul3A_284 = arith.mulf %mul3A_283, %mul3A_279 : vector<16xf32>
      %sub3A_285 = arith.constant 1.500000e+00 : f32
      %sub3A_286 = vector.broadcast %sub3A_285 : f32 to vector<16xf32>
      %sub3A_287 = arith.subf %sub3A_286, %mul3A_284 : vector<16xf32>
      %mul3A_288 = arith.mulf %mul3A_279, %sub3A_287 : vector<16xf32>
      %mul3A_289 = arith.constant 5.000000e-01 : f32
      %mul3A_290 = vector.broadcast %mul3A_289 : f32 to vector<16xf32>
      %mul3A_291 = arith.mulf %mul3A_290, %get3A_262 : vector<16xf32>
      %mul3A_292 = arith.mulf %mul3A_291, %mul3A_288 : vector<16xf32>
      %mul3A_293 = arith.mulf %mul3A_292, %mul3A_288 : vector<16xf32>
      %sub3A_294 = arith.constant 1.500000e+00 : f32
      %sub3A_295 = vector.broadcast %sub3A_294 : f32 to vector<16xf32>
      %sub3A_296 = arith.subf %sub3A_295, %mul3A_293 : vector<16xf32>
      %mul3A_297 = arith.mulf %mul3A_288, %sub3A_296 : vector<16xf32>
      %mul3A_298 = arith.mulf %get3A_260, %mul3A_297 : vector<16xf32>
      %mul3A_299 = arith.mulf %mul3A_298, %mul3A_124 : vector<16xf32>
      %swap3A_300 = arith.index_cast %add3A_38 : i32 to index
      %swap3A_301 = arith.constant 48 : index
      %swap3A_302 = tpu.vector_load %arg14[%swap3A_300, %swap3A_301] {strides = array<i32>} : memref<32x80xf32, #tpu.memory_space<vmem>>, vector<16xf32>,
      tpu.vector_store %arg14[%swap3A_300, %swap3A_301], %mul3A_299 {strides = array<i32>} : memref<32x80xf32, #tpu.memory_space<vmem>>, vector<16xf32>,
      %get3A_303 = arith.constant 64 : index
      %get3A_304 = tpu.vector_load %arg12[%get3A_303] {strides = array<i32>} : memref<80xf32, #tpu.memory_space<vmem>>, vector<16xf32>,
      %get3A_305 = arith.constant 64 : index
      %get3A_306 = tpu.vector_load %arg13[%get3A_305] {strides = array<i32>} : memref<80xf32, #tpu.memory_space<vmem>>, vector<16xf32>,
      %bitcast3A_307 = vector.bitcast %get3A_306 : vector<16xf32> to vector<16xi32>
      %shift_right_arithmetic3A_308 = arith.constant 1 : i32
      %shift_right_arithmetic3A_309 = vector.broadcast %shift_right_arithmetic3A_308 : i32 to vector<16xi32>
      %shift_right_arithmetic3A_310 = arith.shrsi %bitcast3A_307, %shift_right_arithmetic3A_309 : vector<16xi32>
      %sub3A_311 = arith.constant 1597463007 : i32
      %sub3A_312 = vector.broadcast %sub3A_311 : i32 to vector<16xi32>
      %sub3A_313 = arith.subi %sub3A_312, %shift_right_arithmetic3A_310 : vector<16xi32>
      %bitcast3A_314 = vector.bitcast %sub3A_313 : vector<16xi32> to vector<16xf32>
      %mul3A_315 = arith.constant 5.000000e-01 : f32
      %mul3A_316 = vector.broadcast %mul3A_315 : f32 to vector<16xf32>
      %mul3A_317 = arith.mulf %mul3A_316, %get3A_306 : vector<16xf32>
      %mul3A_318 = arith.mulf %mul3A_317, %bitcast3A_314 : vector<16xf32>
      %mul3A_319 = arith.mulf %mul3A_318, %bitcast3A_314 : vector<16xf32>
      %sub3A_320 = arith.constant 1.500000e+00 : f32
      %sub3A_321 = vector.broadcast %sub3A_320 : f32 to vector<16xf32>
      %sub3A_322 = arith.subf %sub3A_321, %mul3A_319 : vector<16xf32>
      %mul3A_323 = arith.mulf %bitcast3A_314, %sub3A_322 : vector<16xf32>
      %mul3A_324 = arith.constant 5.000000e-01 : f32
      %mul3A_325 = vector.broadcast %mul3A_324 : f32 to vector<16xf32>
      %mul3A_326 = arith.mulf %mul3A_325, %get3A_306 : vector<16xf32>
      %mul3A_327 = arith.mulf %mul3A_326, %mul3A_323 : vector<16xf32>
      %mul3A_328 = arith.mulf %mul3A_327, %mul3A_323 : vector<16xf32>
      %sub3A_329 = arith.constant 1.500000e+00 : f32
      %sub3A_330 = vector.broadcast %sub3A_329 : f32 to vector<16xf32>
      %sub3A_331 = arith.subf %sub3A_330, %mul3A_328 : vector<16xf32>
      %mul3A_332 = arith.mulf %mul3A_323, %sub3A_331 : vector<16xf32>
      %mul3A_333 = arith.constant 5.000000e-01 : f32
      %mul3A_334 = vector.broadcast %mul3A_333 : f32 to vector<16xf32>
      %mul3A_335 = arith.mulf %mul3A_334, %get3A_306 : vector<16xf32>
      %mul3A_336 = arith.mulf %mul3A_335, %mul3A_332 : vector<16xf32>
      %mul3A_337 = arith.mulf %mul3A_336, %mul3A_332 : vector<16xf32>
      %sub3A_338 = arith.constant 1.500000e+00 : f32
      %sub3A_339 = vector.broadcast %sub3A_338 : f32 to vector<16xf32>
      %sub3A_340 = arith.subf %sub3A_339, %mul3A_337 : vector<16xf32>
      %mul3A_341 = arith.mulf %mul3A_332, %sub3A_340 : vector<16xf32>
      %mul3A_342 = arith.mulf %get3A_304, %mul3A_341 : vector<16xf32>
      %mul3A_343 = arith.mulf %mul3A_342, %mul3A_124 : vector<16xf32>
      %swap3A_344 = arith.index_cast %add3A_38 : i32 to index
      %swap3A_345 = arith.constant 64 : index
      %swap3A_346 = tpu.vector_load %arg14[%swap3A_344, %swap3A_345] {strides = array<i32>} : memref<32x80xf32, #tpu.memory_space<vmem>>, vector<16xf32>,
      tpu.vector_store %arg14[%swap3A_344, %swap3A_345], %mul3A_343 {strides = array<i32>} : memref<32x80xf32, #tpu.memory_space<vmem>>, vector<16xf32>,
      %mul3A_347 = arith.constant 4 : i32
      %mul3A_348 = arith.muli %scan3A_34, %mul3A_347 : i32
      %add3A_349 = arith.constant 1 : i32
      %add3A_350 = arith.addi %mul3A_348, %add3A_349 : i32
      %dma_wait3A_351 = arith.constant 0 : i32
      %dma_wait3A_352 = tpu.memref_slice %arg6[%add3A_350, %dma_wait3A_351] : memref<32x72xi32, #tpu.memory_space<vmem>> -> memref<1x68xi32, #tpu.memory_space<vmem>>
      %dma_wait3A_353 = tpu.memref_squeeze %dma_wait3A_352 : memref<1x68xi32, #tpu.memory_space<vmem>> -> memref<68xi32, #tpu.memory_space<vmem>>
      %dma_wait3A_354 = arith.constant 0 : i32
      %dma_wait3A_355 = arith.constant 0 : i32
      %dma_wait3A_356 = tpu.memref_slice %arg4[%dma_wait3A_354, %dma_wait3A_355] : memref<100000x128xf32, #tpu.memory_space<hbm>> -> memref<100000x128xf32, #tpu.memory_space<hbm>>
      tpu.wait_indirect_dma semaphore(%arg16 : memref<!tpu.dma_semaphore, #tpu.memory_space<semaphore_mem>>) src(%dma_wait3A_356 : memref<100000x128xf32, #tpu.memory_space<hbm>>) dst(%arg9 : memref<68x128xf32, #tpu.memory_space<vmem>>)
      %add3A_357 = arith.constant 3 : i32
      %add3A_358 = arith.addi %add3A_350, %add3A_357 : i32
      %lt3A_359 = arith.constant 32 : i32
      %lt3A_360 = arith.cmpi slt, %add3A_358, %lt3A_359 : i32
      %convert_element_type3A_361 = arith.extui %lt3A_360 : i1 to i32
      %cond3A_362 = arith.constant 0 : i32
      %cond3A_363 = arith.cmpi ne, %convert_element_type3A_361, %cond3A_362 : i32
      scf.if %cond3A_363 {
        %dma_start3A_1313 = arith.constant 0 : i32
        %dma_start3A_1314 = tpu.memref_slice %arg6[%add3A_358, %dma_start3A_1313] : memref<32x72xi32, #tpu.memory_space<vmem>> -> memref<1x68xi32, #tpu.memory_space<vmem>>
        %dma_start3A_1315 = tpu.memref_squeeze %dma_start3A_1314 : memref<1x68xi32, #tpu.memory_space<vmem>> -> memref<68xi32, #tpu.memory_space<vmem>>
        %dma_start3A_1316 = arith.constant 0 : i32
        %dma_start3A_1317 = arith.constant 0 : i32
        %dma_start3A_1318 = tpu.memref_slice %arg4[%dma_start3A_1316, %dma_start3A_1317] : memref<100000x128xf32, #tpu.memory_space<hbm>> -> memref<100000x128xf32, #tpu.memory_space<hbm>>
        tpu.enqueue_indirect_dma source(%dma_start3A_1318 : memref<100000x128xf32, #tpu.memory_space<hbm>>) target(%arg8 : memref<68x128xf32, #tpu.memory_space<vmem>>) offsets(%dma_start3A_1315 : memref<68xi32, #tpu.memory_space<vmem>>) semaphore(%arg15 : memref<!tpu.dma_semaphore, #tpu.memory_space<semaphore_mem>>)
      } else {
      }
      %get3A_364 = arith.index_cast %add3A_350 : i32 to index
      %get3A_365 = arith.constant 0 : index
      %get3A_366 = tpu.vector_load %arg7[%get3A_364, %get3A_365] {strides = array<i32>} : memref<32x128xf32, #tpu.memory_space<vmem>>, vector<16xf32>,
      %get3A_367 = arith.index_cast %add3A_350 : i32 to index
      %get3A_368 = arith.constant 16 : index
      %get3A_369 = tpu.vector_load %arg7[%get3A_367, %get3A_368] {strides = array<i32>} : memref<32x128xf32, #tpu.memory_space<vmem>>, vector<16xf32>,
      %get3A_370 = arith.index_cast %add3A_350 : i32 to index
      %get3A_371 = arith.constant 32 : index
      %get3A_372 = tpu.vector_load %arg7[%get3A_370, %get3A_371] {strides = array<i32>} : memref<32x128xf32, #tpu.memory_space<vmem>>, vector<16xf32>,
      %get3A_373 = arith.index_cast %add3A_350 : i32 to index
      %get3A_374 = arith.constant 48 : index
      %get3A_375 = tpu.vector_load %arg7[%get3A_373, %get3A_374] {strides = array<i32>} : memref<32x128xf32, #tpu.memory_space<vmem>>, vector<16xf32>,
      %get3A_376 = arith.index_cast %add3A_350 : i32 to index
      %get3A_377 = arith.constant 64 : index
      %get3A_378 = tpu.vector_load %arg7[%get3A_376, %get3A_377] {strides = array<i32>} : memref<32x128xf32, #tpu.memory_space<vmem>>, vector<16xf32>,
      %get3A_379 = arith.index_cast %add3A_350 : i32 to index
      %get3A_380 = arith.constant 80 : index
      %get3A_381 = tpu.vector_load %arg7[%get3A_379, %get3A_380] {strides = array<i32>} : memref<32x128xf32, #tpu.memory_space<vmem>>, vector<16xf32>,
      %get3A_382 = arith.index_cast %add3A_350 : i32 to index
      %get3A_383 = arith.constant 96 : index
      %get3A_384 = tpu.vector_load %arg7[%get3A_382, %get3A_383] {strides = array<i32>} : memref<32x128xf32, #tpu.memory_space<vmem>>, vector<16xf32>,
      %get3A_385 = arith.index_cast %add3A_350 : i32 to index
      %get3A_386 = arith.constant 112 : index
      %get3A_387 = tpu.vector_load %arg7[%get3A_385, %get3A_386] {strides = array<i32>} : memref<32x128xf32, #tpu.memory_space<vmem>>, vector<16xf32>,
      %mul3A_388 = arith.mulf %get3A_366, %get3A_366 : vector<16xf32>
      %mul3A_389 = arith.mulf %get3A_369, %get3A_369 : vector<16xf32>
      %add3A_390 = arith.addf %mul3A_388, %mul3A_389 : vector<16xf32>
      %mul3A_391 = arith.mulf %get3A_372, %get3A_372 : vector<16xf32>
      %add3A_392 = arith.addf %add3A_390, %mul3A_391 : vector<16xf32>
      %mul3A_393 = arith.mulf %get3A_375, %get3A_375 : vector<16xf32>
      %add3A_394 = arith.addf %add3A_392, %mul3A_393 : vector<16xf32>
      %mul3A_395 = arith.mulf %get3A_378, %get3A_378 : vector<16xf32>
      %add3A_396 = arith.addf %add3A_394, %mul3A_395 : vector<16xf32>
      %mul3A_397 = arith.mulf %get3A_381, %get3A_381 : vector<16xf32>
      %add3A_398 = arith.addf %add3A_396, %mul3A_397 : vector<16xf32>
      %mul3A_399 = arith.mulf %get3A_384, %get3A_384 : vector<16xf32>
      %add3A_400 = arith.addf %add3A_398, %mul3A_399 : vector<16xf32>
      %mul3A_401 = arith.mulf %get3A_387, %get3A_387 : vector<16xf32>
      %add3A_402 = arith.addf %add3A_400, %mul3A_401 : vector<16xf32>
      %reduce_sum3A_403 = arith.constant true
      %reduce_sum3A_404 = vector.broadcast %reduce_sum3A_403 : i1 to vector<16xi1>
      %reduce_sum3A_405 = tpu.scan <sum>, %add3A_402 masked %reduce_sum3A_404 : vector<16xf32>, vector<16xi1> -> vector<16xf32>
      %reduce_sum3A_406 = vector.extract %reduce_sum3A_405[15] : f32 from vector<16xf32>
      %broadcast_in_dim3A_407 = vector.broadcast %reduce_sum3A_406 : f32 to vector<16xf32>
      %bitcast3A_408 = vector.bitcast %broadcast_in_dim3A_407 : vector<16xf32> to vector<16xi32>
      %shift_right_arithmetic3A_409 = arith.constant 1 : i32
      %shift_right_arithmetic3A_410 = vector.broadcast %shift_right_arithmetic3A_409 : i32 to vector<16xi32>
      %shift_right_arithmetic3A_411 = arith.shrsi %bitcast3A_408, %shift_right_arithmetic3A_410 : vector<16xi32>
      %sub3A_412 = arith.constant 1597463007 : i32
      %sub3A_413 = vector.broadcast %sub3A_412 : i32 to vector<16xi32>
      %sub3A_414 = arith.subi %sub3A_413, %shift_right_arithmetic3A_411 : vector<16xi32>
      %bitcast3A_415 = vector.bitcast %sub3A_414 : vector<16xi32> to vector<16xf32>
      %mul3A_416 = arith.constant 5.000000e-01 : f32
      %mul3A_417 = vector.broadcast %mul3A_416 : f32 to vector<16xf32>
      %mul3A_418 = arith.mulf %mul3A_417, %broadcast_in_dim3A_407 : vector<16xf32>
      %mul3A_419 = arith.mulf %mul3A_418, %bitcast3A_415 : vector<16xf32>
      %mul3A_420 = arith.mulf %mul3A_419, %bitcast3A_415 : vector<16xf32>
      %sub3A_421 = arith.constant 1.500000e+00 : f32
      %sub3A_422 = vector.broadcast %sub3A_421 : f32 to vector<16xf32>
      %sub3A_423 = arith.subf %sub3A_422, %mul3A_420 : vector<16xf32>
      %mul3A_424 = arith.mulf %bitcast3A_415, %sub3A_423 : vector<16xf32>
      %mul3A_425 = arith.constant 5.000000e-01 : f32
      %mul3A_426 = vector.broadcast %mul3A_425 : f32 to vector<16xf32>
      %mul3A_427 = arith.mulf %mul3A_426, %broadcast_in_dim3A_407 : vector<16xf32>
      %mul3A_428 = arith.mulf %mul3A_427, %mul3A_424 : vector<16xf32>
      %mul3A_429 = arith.mulf %mul3A_428, %mul3A_424 : vector<16xf32>
      %sub3A_430 = arith.constant 1.500000e+00 : f32
      %sub3A_431 = vector.broadcast %sub3A_430 : f32 to vector<16xf32>
      %sub3A_432 = arith.subf %sub3A_431, %mul3A_429 : vector<16xf32>
      %mul3A_433 = arith.mulf %mul3A_424, %sub3A_432 : vector<16xf32>
      %mul3A_434 = arith.constant 5.000000e-01 : f32
      %mul3A_435 = vector.broadcast %mul3A_434 : f32 to vector<16xf32>
      %mul3A_436 = arith.mulf %mul3A_435, %broadcast_in_dim3A_407 : vector<16xf32>
      %mul3A_437 = arith.mulf %mul3A_436, %mul3A_433 : vector<16xf32>
      %mul3A_438 = arith.mulf %mul3A_437, %mul3A_433 : vector<16xf32>
      %sub3A_439 = arith.constant 1.500000e+00 : f32
      %sub3A_440 = vector.broadcast %sub3A_439 : f32 to vector<16xf32>
      %sub3A_441 = arith.subf %sub3A_440, %mul3A_438 : vector<16xf32>
      %mul3A_442 = arith.mulf %mul3A_433, %sub3A_441 : vector<16xf32>
      %mul3A_443 = arith.constant 14.2857141 : f32
      %mul3A_444 = vector.broadcast %mul3A_443 : f32 to vector<16xf32>
      %mul3A_445 = arith.mulf %mul3A_442, %mul3A_444 : vector<16xf32>
      %parallel_loop3A_446 = arith.constant 0 : i32
      %parallel_loop3A_447 = arith.constant 68 : i32
      %parallel_loop3A_448 = arith.constant 1 : i32
      scf.for %parallel_loop3A_1313 = %parallel_loop3A_446 to %parallel_loop3A_447 step %parallel_loop3A_448  : i32 {
        %parallel_loop3A_1314 = arith.index_cast %parallel_loop3A_1313 : i32 to index
        %parallel_loop3A_1315 = arith.constant 0 : index
        %parallel_loop3A_1316 = tpu.vector_load %arg9[%parallel_loop3A_1314, %parallel_loop3A_1315] {strides = array<i32>} : memref<68x128xf32, #tpu.memory_space<vmem>>, vector<16xf32>,
        %parallel_loop3A_1317 = arith.index_cast %parallel_loop3A_1313 : i32 to index
        %parallel_loop3A_1318 = arith.constant 16 : index
        %parallel_loop3A_1319 = tpu.vector_load %arg9[%parallel_loop3A_1317, %parallel_loop3A_1318] {strides = array<i32>} : memref<68x128xf32, #tpu.memory_space<vmem>>, vector<16xf32>,
        %parallel_loop3A_1320 = arith.index_cast %parallel_loop3A_1313 : i32 to index
        %parallel_loop3A_1321 = arith.constant 32 : index
        %parallel_loop3A_1322 = tpu.vector_load %arg9[%parallel_loop3A_1320, %parallel_loop3A_1321] {strides = array<i32>} : memref<68x128xf32, #tpu.memory_space<vmem>>, vector<16xf32>,
        %parallel_loop3A_1323 = arith.index_cast %parallel_loop3A_1313 : i32 to index
        %parallel_loop3A_1324 = arith.constant 48 : index
        %parallel_loop3A_1325 = tpu.vector_load %arg9[%parallel_loop3A_1323, %parallel_loop3A_1324] {strides = array<i32>} : memref<68x128xf32, #tpu.memory_space<vmem>>, vector<16xf32>,
        %parallel_loop3A_1326 = arith.index_cast %parallel_loop3A_1313 : i32 to index
        %parallel_loop3A_1327 = arith.constant 64 : index
        %parallel_loop3A_1328 = tpu.vector_load %arg9[%parallel_loop3A_1326, %parallel_loop3A_1327] {strides = array<i32>} : memref<68x128xf32, #tpu.memory_space<vmem>>, vector<16xf32>,
        %parallel_loop3A_1329 = arith.index_cast %parallel_loop3A_1313 : i32 to index
        %parallel_loop3A_1330 = arith.constant 80 : index
        %parallel_loop3A_1331 = tpu.vector_load %arg9[%parallel_loop3A_1329, %parallel_loop3A_1330] {strides = array<i32>} : memref<68x128xf32, #tpu.memory_space<vmem>>, vector<16xf32>,
        %parallel_loop3A_1332 = arith.index_cast %parallel_loop3A_1313 : i32 to index
        %parallel_loop3A_1333 = arith.constant 96 : index
        %parallel_loop3A_1334 = tpu.vector_load %arg9[%parallel_loop3A_1332, %parallel_loop3A_1333] {strides = array<i32>} : memref<68x128xf32, #tpu.memory_space<vmem>>, vector<16xf32>,
        %parallel_loop3A_1335 = arith.index_cast %parallel_loop3A_1313 : i32 to index
        %parallel_loop3A_1336 = arith.constant 112 : index
        %parallel_loop3A_1337 = tpu.vector_load %arg9[%parallel_loop3A_1335, %parallel_loop3A_1336] {strides = array<i32>} : memref<68x128xf32, #tpu.memory_space<vmem>>, vector<16xf32>,
        %parallel_loop3A_1338 = arith.mulf %parallel_loop3A_1316, %get3A_366 : vector<16xf32>
        %parallel_loop3A_1339 = arith.mulf %parallel_loop3A_1319, %get3A_369 : vector<16xf32>
        %parallel_loop3A_1340 = arith.mulf %parallel_loop3A_1322, %get3A_372 : vector<16xf32>
        %parallel_loop3A_1341 = arith.mulf %parallel_loop3A_1325, %get3A_375 : vector<16xf32>
        %parallel_loop3A_1342 = arith.mulf %parallel_loop3A_1328, %get3A_378 : vector<16xf32>
        %parallel_loop3A_1343 = arith.mulf %parallel_loop3A_1331, %get3A_381 : vector<16xf32>
        %parallel_loop3A_1344 = arith.mulf %parallel_loop3A_1334, %get3A_384 : vector<16xf32>
        %parallel_loop3A_1345 = arith.mulf %parallel_loop3A_1337, %get3A_387 : vector<16xf32>
        %parallel_loop3A_1346 = arith.mulf %parallel_loop3A_1316, %parallel_loop3A_1316 : vector<16xf32>
        %parallel_loop3A_1347 = arith.mulf %parallel_loop3A_1319, %parallel_loop3A_1319 : vector<16xf32>
        %parallel_loop3A_1348 = arith.mulf %parallel_loop3A_1322, %parallel_loop3A_1322 : vector<16xf32>
        %parallel_loop3A_1349 = arith.mulf %parallel_loop3A_1325, %parallel_loop3A_1325 : vector<16xf32>
        %parallel_loop3A_1350 = arith.mulf %parallel_loop3A_1328, %parallel_loop3A_1328 : vector<16xf32>
        %parallel_loop3A_1351 = arith.mulf %parallel_loop3A_1331, %parallel_loop3A_1331 : vector<16xf32>
        %parallel_loop3A_1352 = arith.mulf %parallel_loop3A_1334, %parallel_loop3A_1334 : vector<16xf32>
        %parallel_loop3A_1353 = arith.mulf %parallel_loop3A_1337, %parallel_loop3A_1337 : vector<16xf32>
        %parallel_loop3A_1354 = arith.addf %parallel_loop3A_1338, %parallel_loop3A_1339 : vector<16xf32>
        %parallel_loop3A_1355 = arith.addf %parallel_loop3A_1340, %parallel_loop3A_1341 : vector<16xf32>
        %parallel_loop3A_1356 = arith.addf %parallel_loop3A_1342, %parallel_loop3A_1343 : vector<16xf32>
        %parallel_loop3A_1357 = arith.addf %parallel_loop3A_1344, %parallel_loop3A_1345 : vector<16xf32>
        %parallel_loop3A_1358 = arith.addf %parallel_loop3A_1346, %parallel_loop3A_1347 : vector<16xf32>
        %parallel_loop3A_1359 = arith.addf %parallel_loop3A_1348, %parallel_loop3A_1349 : vector<16xf32>
        %parallel_loop3A_1360 = arith.addf %parallel_loop3A_1350, %parallel_loop3A_1351 : vector<16xf32>
        %parallel_loop3A_1361 = arith.addf %parallel_loop3A_1352, %parallel_loop3A_1353 : vector<16xf32>
        %parallel_loop3A_1362 = arith.addf %parallel_loop3A_1354, %parallel_loop3A_1355 : vector<16xf32>
        %parallel_loop3A_1363 = arith.addf %parallel_loop3A_1356, %parallel_loop3A_1357 : vector<16xf32>
        %parallel_loop3A_1364 = arith.addf %parallel_loop3A_1358, %parallel_loop3A_1359 : vector<16xf32>
        %parallel_loop3A_1365 = arith.addf %parallel_loop3A_1360, %parallel_loop3A_1361 : vector<16xf32>
        %parallel_loop3A_1366 = arith.addf %parallel_loop3A_1362, %parallel_loop3A_1363 : vector<16xf32>
        %parallel_loop3A_1367 = arith.addf %parallel_loop3A_1364, %parallel_loop3A_1365 : vector<16xf32>
        %parallel_loop3A_1368 = vector.broadcast %parallel_loop3A_1313 : i32 to vector<16xi32>
        %parallel_loop3A_1369 = arith.constant true
        %parallel_loop3A_1370 = vector.broadcast %parallel_loop3A_1369 : i1 to vector<16xi1>
        %parallel_loop3A_1371 = tpu.scan <sum>, %parallel_loop3A_1366 masked %parallel_loop3A_1370 : vector<16xf32>, vector<16xi1> -> vector<16xf32>
        tpu.vector_store_idx %arg12[%parallel_loop3A_1368], %parallel_loop3A_1371 masked %eq3A_8 : memref<80xf32, #tpu.memory_space<vmem>>[vector<16xi32>], vector<16xf32>, vector<16xi1>
        %parallel_loop3A_1372 = arith.constant true
        %parallel_loop3A_1373 = vector.broadcast %parallel_loop3A_1372 : i1 to vector<16xi1>
        %parallel_loop3A_1374 = tpu.scan <sum>, %parallel_loop3A_1367 masked %parallel_loop3A_1373 : vector<16xf32>, vector<16xi1> -> vector<16xf32>
        tpu.vector_store_idx %arg13[%parallel_loop3A_1368], %parallel_loop3A_1374 masked %eq3A_8 : memref<80xf32, #tpu.memory_space<vmem>>[vector<16xi32>], vector<16xf32>, vector<16xi1>
      } {sc.loop_unroll_factor = 4 : i64, sc.parallel_access}
      %get3A_449 = arith.constant 0 : index
      %get3A_450 = tpu.vector_load %arg12[%get3A_449] {strides = array<i32>} : memref<80xf32, #tpu.memory_space<vmem>>, vector<16xf32>,
      %get3A_451 = arith.constant 0 : index
      %get3A_452 = tpu.vector_load %arg13[%get3A_451] {strides = array<i32>} : memref<80xf32, #tpu.memory_space<vmem>>, vector<16xf32>,
      %bitcast3A_453 = vector.bitcast %get3A_452 : vector<16xf32> to vector<16xi32>
      %shift_right_arithmetic3A_454 = arith.constant 1 : i32
      %shift_right_arithmetic3A_455 = vector.broadcast %shift_right_arithmetic3A_454 : i32 to vector<16xi32>
      %shift_right_arithmetic3A_456 = arith.shrsi %bitcast3A_453, %shift_right_arithmetic3A_455 : vector<16xi32>
      %sub3A_457 = arith.constant 1597463007 : i32
      %sub3A_458 = vector.broadcast %sub3A_457 : i32 to vector<16xi32>
      %sub3A_459 = arith.subi %sub3A_458, %shift_right_arithmetic3A_456 : vector<16xi32>
      %bitcast3A_460 = vector.bitcast %sub3A_459 : vector<16xi32> to vector<16xf32>
      %mul3A_461 = arith.constant 5.000000e-01 : f32
      %mul3A_462 = vector.broadcast %mul3A_461 : f32 to vector<16xf32>
      %mul3A_463 = arith.mulf %mul3A_462, %get3A_452 : vector<16xf32>
      %mul3A_464 = arith.mulf %mul3A_463, %bitcast3A_460 : vector<16xf32>
      %mul3A_465 = arith.mulf %mul3A_464, %bitcast3A_460 : vector<16xf32>
      %sub3A_466 = arith.constant 1.500000e+00 : f32
      %sub3A_467 = vector.broadcast %sub3A_466 : f32 to vector<16xf32>
      %sub3A_468 = arith.subf %sub3A_467, %mul3A_465 : vector<16xf32>
      %mul3A_469 = arith.mulf %bitcast3A_460, %sub3A_468 : vector<16xf32>
      %mul3A_470 = arith.constant 5.000000e-01 : f32
      %mul3A_471 = vector.broadcast %mul3A_470 : f32 to vector<16xf32>
      %mul3A_472 = arith.mulf %mul3A_471, %get3A_452 : vector<16xf32>
      %mul3A_473 = arith.mulf %mul3A_472, %mul3A_469 : vector<16xf32>
      %mul3A_474 = arith.mulf %mul3A_473, %mul3A_469 : vector<16xf32>
      %sub3A_475 = arith.constant 1.500000e+00 : f32
      %sub3A_476 = vector.broadcast %sub3A_475 : f32 to vector<16xf32>
      %sub3A_477 = arith.subf %sub3A_476, %mul3A_474 : vector<16xf32>
      %mul3A_478 = arith.mulf %mul3A_469, %sub3A_477 : vector<16xf32>
      %mul3A_479 = arith.constant 5.000000e-01 : f32
      %mul3A_480 = vector.broadcast %mul3A_479 : f32 to vector<16xf32>
      %mul3A_481 = arith.mulf %mul3A_480, %get3A_452 : vector<16xf32>
      %mul3A_482 = arith.mulf %mul3A_481, %mul3A_478 : vector<16xf32>
      %mul3A_483 = arith.mulf %mul3A_482, %mul3A_478 : vector<16xf32>
      %sub3A_484 = arith.constant 1.500000e+00 : f32
      %sub3A_485 = vector.broadcast %sub3A_484 : f32 to vector<16xf32>
      %sub3A_486 = arith.subf %sub3A_485, %mul3A_483 : vector<16xf32>
      %mul3A_487 = arith.mulf %mul3A_478, %sub3A_486 : vector<16xf32>
      %mul3A_488 = arith.mulf %get3A_450, %mul3A_487 : vector<16xf32>
      %mul3A_489 = arith.mulf %mul3A_488, %mul3A_445 : vector<16xf32>
      %swap3A_490 = arith.index_cast %add3A_350 : i32 to index
      %swap3A_491 = arith.constant 0 : index
      %swap3A_492 = tpu.vector_load %arg14[%swap3A_490, %swap3A_491] {strides = array<i32>} : memref<32x80xf32, #tpu.memory_space<vmem>>, vector<16xf32>,
      tpu.vector_store %arg14[%swap3A_490, %swap3A_491], %mul3A_489 {strides = array<i32>} : memref<32x80xf32, #tpu.memory_space<vmem>>, vector<16xf32>,
      %get3A_493 = arith.constant 16 : index
      %get3A_494 = tpu.vector_load %arg12[%get3A_493] {strides = array<i32>} : memref<80xf32, #tpu.memory_space<vmem>>, vector<16xf32>,
      %get3A_495 = arith.constant 16 : index
      %get3A_496 = tpu.vector_load %arg13[%get3A_495] {strides = array<i32>} : memref<80xf32, #tpu.memory_space<vmem>>, vector<16xf32>,
      %bitcast3A_497 = vector.bitcast %get3A_496 : vector<16xf32> to vector<16xi32>
      %shift_right_arithmetic3A_498 = arith.constant 1 : i32
      %shift_right_arithmetic3A_499 = vector.broadcast %shift_right_arithmetic3A_498 : i32 to vector<16xi32>
      %shift_right_arithmetic3A_500 = arith.shrsi %bitcast3A_497, %shift_right_arithmetic3A_499 : vector<16xi32>
      %sub3A_501 = arith.constant 1597463007 : i32
      %sub3A_502 = vector.broadcast %sub3A_501 : i32 to vector<16xi32>
      %sub3A_503 = arith.subi %sub3A_502, %shift_right_arithmetic3A_500 : vector<16xi32>
      %bitcast3A_504 = vector.bitcast %sub3A_503 : vector<16xi32> to vector<16xf32>
      %mul3A_505 = arith.constant 5.000000e-01 : f32
      %mul3A_506 = vector.broadcast %mul3A_505 : f32 to vector<16xf32>
      %mul3A_507 = arith.mulf %mul3A_506, %get3A_496 : vector<16xf32>
      %mul3A_508 = arith.mulf %mul3A_507, %bitcast3A_504 : vector<16xf32>
      %mul3A_509 = arith.mulf %mul3A_508, %bitcast3A_504 : vector<16xf32>
      %sub3A_510 = arith.constant 1.500000e+00 : f32
      %sub3A_511 = vector.broadcast %sub3A_510 : f32 to vector<16xf32>
      %sub3A_512 = arith.subf %sub3A_511, %mul3A_509 : vector<16xf32>
      %mul3A_513 = arith.mulf %bitcast3A_504, %sub3A_512 : vector<16xf32>
      %mul3A_514 = arith.constant 5.000000e-01 : f32
      %mul3A_515 = vector.broadcast %mul3A_514 : f32 to vector<16xf32>
      %mul3A_516 = arith.mulf %mul3A_515, %get3A_496 : vector<16xf32>
      %mul3A_517 = arith.mulf %mul3A_516, %mul3A_513 : vector<16xf32>
      %mul3A_518 = arith.mulf %mul3A_517, %mul3A_513 : vector<16xf32>
      %sub3A_519 = arith.constant 1.500000e+00 : f32
      %sub3A_520 = vector.broadcast %sub3A_519 : f32 to vector<16xf32>
      %sub3A_521 = arith.subf %sub3A_520, %mul3A_518 : vector<16xf32>
      %mul3A_522 = arith.mulf %mul3A_513, %sub3A_521 : vector<16xf32>
      %mul3A_523 = arith.constant 5.000000e-01 : f32
      %mul3A_524 = vector.broadcast %mul3A_523 : f32 to vector<16xf32>
      %mul3A_525 = arith.mulf %mul3A_524, %get3A_496 : vector<16xf32>
      %mul3A_526 = arith.mulf %mul3A_525, %mul3A_522 : vector<16xf32>
      %mul3A_527 = arith.mulf %mul3A_526, %mul3A_522 : vector<16xf32>
      %sub3A_528 = arith.constant 1.500000e+00 : f32
      %sub3A_529 = vector.broadcast %sub3A_528 : f32 to vector<16xf32>
      %sub3A_530 = arith.subf %sub3A_529, %mul3A_527 : vector<16xf32>
      %mul3A_531 = arith.mulf %mul3A_522, %sub3A_530 : vector<16xf32>
      %mul3A_532 = arith.mulf %get3A_494, %mul3A_531 : vector<16xf32>
      %mul3A_533 = arith.mulf %mul3A_532, %mul3A_445 : vector<16xf32>
      %swap3A_534 = arith.index_cast %add3A_350 : i32 to index
      %swap3A_535 = arith.constant 16 : index
      %swap3A_536 = tpu.vector_load %arg14[%swap3A_534, %swap3A_535] {strides = array<i32>} : memref<32x80xf32, #tpu.memory_space<vmem>>, vector<16xf32>,
      tpu.vector_store %arg14[%swap3A_534, %swap3A_535], %mul3A_533 {strides = array<i32>} : memref<32x80xf32, #tpu.memory_space<vmem>>, vector<16xf32>,
      %get3A_537 = arith.constant 32 : index
      %get3A_538 = tpu.vector_load %arg12[%get3A_537] {strides = array<i32>} : memref<80xf32, #tpu.memory_space<vmem>>, vector<16xf32>,
      %get3A_539 = arith.constant 32 : index
      %get3A_540 = tpu.vector_load %arg13[%get3A_539] {strides = array<i32>} : memref<80xf32, #tpu.memory_space<vmem>>, vector<16xf32>,
      %bitcast3A_541 = vector.bitcast %get3A_540 : vector<16xf32> to vector<16xi32>
      %shift_right_arithmetic3A_542 = arith.constant 1 : i32
      %shift_right_arithmetic3A_543 = vector.broadcast %shift_right_arithmetic3A_542 : i32 to vector<16xi32>
      %shift_right_arithmetic3A_544 = arith.shrsi %bitcast3A_541, %shift_right_arithmetic3A_543 : vector<16xi32>
      %sub3A_545 = arith.constant 1597463007 : i32
      %sub3A_546 = vector.broadcast %sub3A_545 : i32 to vector<16xi32>
      %sub3A_547 = arith.subi %sub3A_546, %shift_right_arithmetic3A_544 : vector<16xi32>
      %bitcast3A_548 = vector.bitcast %sub3A_547 : vector<16xi32> to vector<16xf32>
      %mul3A_549 = arith.constant 5.000000e-01 : f32
      %mul3A_550 = vector.broadcast %mul3A_549 : f32 to vector<16xf32>
      %mul3A_551 = arith.mulf %mul3A_550, %get3A_540 : vector<16xf32>
      %mul3A_552 = arith.mulf %mul3A_551, %bitcast3A_548 : vector<16xf32>
      %mul3A_553 = arith.mulf %mul3A_552, %bitcast3A_548 : vector<16xf32>
      %sub3A_554 = arith.constant 1.500000e+00 : f32
      %sub3A_555 = vector.broadcast %sub3A_554 : f32 to vector<16xf32>
      %sub3A_556 = arith.subf %sub3A_555, %mul3A_553 : vector<16xf32>
      %mul3A_557 = arith.mulf %bitcast3A_548, %sub3A_556 : vector<16xf32>
      %mul3A_558 = arith.constant 5.000000e-01 : f32
      %mul3A_559 = vector.broadcast %mul3A_558 : f32 to vector<16xf32>
      %mul3A_560 = arith.mulf %mul3A_559, %get3A_540 : vector<16xf32>
      %mul3A_561 = arith.mulf %mul3A_560, %mul3A_557 : vector<16xf32>
      %mul3A_562 = arith.mulf %mul3A_561, %mul3A_557 : vector<16xf32>
      %sub3A_563 = arith.constant 1.500000e+00 : f32
      %sub3A_564 = vector.broadcast %sub3A_563 : f32 to vector<16xf32>
      %sub3A_565 = arith.subf %sub3A_564, %mul3A_562 : vector<16xf32>
      %mul3A_566 = arith.mulf %mul3A_557, %sub3A_565 : vector<16xf32>
      %mul3A_567 = arith.constant 5.000000e-01 : f32
      %mul3A_568 = vector.broadcast %mul3A_567 : f32 to vector<16xf32>
      %mul3A_569 = arith.mulf %mul3A_568, %get3A_540 : vector<16xf32>
      %mul3A_570 = arith.mulf %mul3A_569, %mul3A_566 : vector<16xf32>
      %mul3A_571 = arith.mulf %mul3A_570, %mul3A_566 : vector<16xf32>
      %sub3A_572 = arith.constant 1.500000e+00 : f32
      %sub3A_573 = vector.broadcast %sub3A_572 : f32 to vector<16xf32>
      %sub3A_574 = arith.subf %sub3A_573, %mul3A_571 : vector<16xf32>
      %mul3A_575 = arith.mulf %mul3A_566, %sub3A_574 : vector<16xf32>
      %mul3A_576 = arith.mulf %get3A_538, %mul3A_575 : vector<16xf32>
      %mul3A_577 = arith.mulf %mul3A_576, %mul3A_445 : vector<16xf32>
      %swap3A_578 = arith.index_cast %add3A_350 : i32 to index
      %swap3A_579 = arith.constant 32 : index
      %swap3A_580 = tpu.vector_load %arg14[%swap3A_578, %swap3A_579] {strides = array<i32>} : memref<32x80xf32, #tpu.memory_space<vmem>>, vector<16xf32>,
      tpu.vector_store %arg14[%swap3A_578, %swap3A_579], %mul3A_577 {strides = array<i32>} : memref<32x80xf32, #tpu.memory_space<vmem>>, vector<16xf32>,
      %get3A_581 = arith.constant 48 : index
      %get3A_582 = tpu.vector_load %arg12[%get3A_581] {strides = array<i32>} : memref<80xf32, #tpu.memory_space<vmem>>, vector<16xf32>,
      %get3A_583 = arith.constant 48 : index
      %get3A_584 = tpu.vector_load %arg13[%get3A_583] {strides = array<i32>} : memref<80xf32, #tpu.memory_space<vmem>>, vector<16xf32>,
      %bitcast3A_585 = vector.bitcast %get3A_584 : vector<16xf32> to vector<16xi32>
      %shift_right_arithmetic3A_586 = arith.constant 1 : i32
      %shift_right_arithmetic3A_587 = vector.broadcast %shift_right_arithmetic3A_586 : i32 to vector<16xi32>
      %shift_right_arithmetic3A_588 = arith.shrsi %bitcast3A_585, %shift_right_arithmetic3A_587 : vector<16xi32>
      %sub3A_589 = arith.constant 1597463007 : i32
      %sub3A_590 = vector.broadcast %sub3A_589 : i32 to vector<16xi32>
      %sub3A_591 = arith.subi %sub3A_590, %shift_right_arithmetic3A_588 : vector<16xi32>
      %bitcast3A_592 = vector.bitcast %sub3A_591 : vector<16xi32> to vector<16xf32>
      %mul3A_593 = arith.constant 5.000000e-01 : f32
      %mul3A_594 = vector.broadcast %mul3A_593 : f32 to vector<16xf32>
      %mul3A_595 = arith.mulf %mul3A_594, %get3A_584 : vector<16xf32>
      %mul3A_596 = arith.mulf %mul3A_595, %bitcast3A_592 : vector<16xf32>
      %mul3A_597 = arith.mulf %mul3A_596, %bitcast3A_592 : vector<16xf32>
      %sub3A_598 = arith.constant 1.500000e+00 : f32
      %sub3A_599 = vector.broadcast %sub3A_598 : f32 to vector<16xf32>
      %sub3A_600 = arith.subf %sub3A_599, %mul3A_597 : vector<16xf32>
      %mul3A_601 = arith.mulf %bitcast3A_592, %sub3A_600 : vector<16xf32>
      %mul3A_602 = arith.constant 5.000000e-01 : f32
      %mul3A_603 = vector.broadcast %mul3A_602 : f32 to vector<16xf32>
      %mul3A_604 = arith.mulf %mul3A_603, %get3A_584 : vector<16xf32>
      %mul3A_605 = arith.mulf %mul3A_604, %mul3A_601 : vector<16xf32>
      %mul3A_606 = arith.mulf %mul3A_605, %mul3A_601 : vector<16xf32>
      %sub3A_607 = arith.constant 1.500000e+00 : f32
      %sub3A_608 = vector.broadcast %sub3A_607 : f32 to vector<16xf32>
      %sub3A_609 = arith.subf %sub3A_608, %mul3A_606 : vector<16xf32>
      %mul3A_610 = arith.mulf %mul3A_601, %sub3A_609 : vector<16xf32>
      %mul3A_611 = arith.constant 5.000000e-01 : f32
      %mul3A_612 = vector.broadcast %mul3A_611 : f32 to vector<16xf32>
      %mul3A_613 = arith.mulf %mul3A_612, %get3A_584 : vector<16xf32>
      %mul3A_614 = arith.mulf %mul3A_613, %mul3A_610 : vector<16xf32>
      %mul3A_615 = arith.mulf %mul3A_614, %mul3A_610 : vector<16xf32>
      %sub3A_616 = arith.constant 1.500000e+00 : f32
      %sub3A_617 = vector.broadcast %sub3A_616 : f32 to vector<16xf32>
      %sub3A_618 = arith.subf %sub3A_617, %mul3A_615 : vector<16xf32>
      %mul3A_619 = arith.mulf %mul3A_610, %sub3A_618 : vector<16xf32>
      %mul3A_620 = arith.mulf %get3A_582, %mul3A_619 : vector<16xf32>
      %mul3A_621 = arith.mulf %mul3A_620, %mul3A_445 : vector<16xf32>
      %swap3A_622 = arith.index_cast %add3A_350 : i32 to index
      %swap3A_623 = arith.constant 48 : index
      %swap3A_624 = tpu.vector_load %arg14[%swap3A_622, %swap3A_623] {strides = array<i32>} : memref<32x80xf32, #tpu.memory_space<vmem>>, vector<16xf32>,
      tpu.vector_store %arg14[%swap3A_622, %swap3A_623], %mul3A_621 {strides = array<i32>} : memref<32x80xf32, #tpu.memory_space<vmem>>, vector<16xf32>,
      %get3A_625 = arith.constant 64 : index
      %get3A_626 = tpu.vector_load %arg12[%get3A_625] {strides = array<i32>} : memref<80xf32, #tpu.memory_space<vmem>>, vector<16xf32>,
      %get3A_627 = arith.constant 64 : index
      %get3A_628 = tpu.vector_load %arg13[%get3A_627] {strides = array<i32>} : memref<80xf32, #tpu.memory_space<vmem>>, vector<16xf32>,
      %bitcast3A_629 = vector.bitcast %get3A_628 : vector<16xf32> to vector<16xi32>
      %shift_right_arithmetic3A_630 = arith.constant 1 : i32
      %shift_right_arithmetic3A_631 = vector.broadcast %shift_right_arithmetic3A_630 : i32 to vector<16xi32>
      %shift_right_arithmetic3A_632 = arith.shrsi %bitcast3A_629, %shift_right_arithmetic3A_631 : vector<16xi32>
      %sub3A_633 = arith.constant 1597463007 : i32
      %sub3A_634 = vector.broadcast %sub3A_633 : i32 to vector<16xi32>
      %sub3A_635 = arith.subi %sub3A_634, %shift_right_arithmetic3A_632 : vector<16xi32>
      %bitcast3A_636 = vector.bitcast %sub3A_635 : vector<16xi32> to vector<16xf32>
      %mul3A_637 = arith.constant 5.000000e-01 : f32
      %mul3A_638 = vector.broadcast %mul3A_637 : f32 to vector<16xf32>
      %mul3A_639 = arith.mulf %mul3A_638, %get3A_628 : vector<16xf32>
      %mul3A_640 = arith.mulf %mul3A_639, %bitcast3A_636 : vector<16xf32>
      %mul3A_641 = arith.mulf %mul3A_640, %bitcast3A_636 : vector<16xf32>
      %sub3A_642 = arith.constant 1.500000e+00 : f32
      %sub3A_643 = vector.broadcast %sub3A_642 : f32 to vector<16xf32>
      %sub3A_644 = arith.subf %sub3A_643, %mul3A_641 : vector<16xf32>
      %mul3A_645 = arith.mulf %bitcast3A_636, %sub3A_644 : vector<16xf32>
      %mul3A_646 = arith.constant 5.000000e-01 : f32
      %mul3A_647 = vector.broadcast %mul3A_646 : f32 to vector<16xf32>
      %mul3A_648 = arith.mulf %mul3A_647, %get3A_628 : vector<16xf32>
      %mul3A_649 = arith.mulf %mul3A_648, %mul3A_645 : vector<16xf32>
      %mul3A_650 = arith.mulf %mul3A_649, %mul3A_645 : vector<16xf32>
      %sub3A_651 = arith.constant 1.500000e+00 : f32
      %sub3A_652 = vector.broadcast %sub3A_651 : f32 to vector<16xf32>
      %sub3A_653 = arith.subf %sub3A_652, %mul3A_650 : vector<16xf32>
      %mul3A_654 = arith.mulf %mul3A_645, %sub3A_653 : vector<16xf32>
      %mul3A_655 = arith.constant 5.000000e-01 : f32
      %mul3A_656 = vector.broadcast %mul3A_655 : f32 to vector<16xf32>
      %mul3A_657 = arith.mulf %mul3A_656, %get3A_628 : vector<16xf32>
      %mul3A_658 = arith.mulf %mul3A_657, %mul3A_654 : vector<16xf32>
      %mul3A_659 = arith.mulf %mul3A_658, %mul3A_654 : vector<16xf32>
      %sub3A_660 = arith.constant 1.500000e+00 : f32
      %sub3A_661 = vector.broadcast %sub3A_660 : f32 to vector<16xf32>
      %sub3A_662 = arith.subf %sub3A_661, %mul3A_659 : vector<16xf32>
      %mul3A_663 = arith.mulf %mul3A_654, %sub3A_662 : vector<16xf32>
      %mul3A_664 = arith.mulf %get3A_626, %mul3A_663 : vector<16xf32>
      %mul3A_665 = arith.mulf %mul3A_664, %mul3A_445 : vector<16xf32>
      %swap3A_666 = arith.index_cast %add3A_350 : i32 to index
      %swap3A_667 = arith.constant 64 : index
      %swap3A_668 = tpu.vector_load %arg14[%swap3A_666, %swap3A_667] {strides = array<i32>} : memref<32x80xf32, #tpu.memory_space<vmem>>, vector<16xf32>,
      tpu.vector_store %arg14[%swap3A_666, %swap3A_667], %mul3A_665 {strides = array<i32>} : memref<32x80xf32, #tpu.memory_space<vmem>>, vector<16xf32>,
      %mul3A_669 = arith.constant 4 : i32
      %mul3A_670 = arith.muli %scan3A_34, %mul3A_669 : i32
      %add3A_671 = arith.constant 2 : i32
      %add3A_672 = arith.addi %mul3A_670, %add3A_671 : i32
      %dma_wait3A_673 = arith.constant 0 : i32
      %dma_wait3A_674 = tpu.memref_slice %arg6[%add3A_672, %dma_wait3A_673] : memref<32x72xi32, #tpu.memory_space<vmem>> -> memref<1x68xi32, #tpu.memory_space<vmem>>
      %dma_wait3A_675 = tpu.memref_squeeze %dma_wait3A_674 : memref<1x68xi32, #tpu.memory_space<vmem>> -> memref<68xi32, #tpu.memory_space<vmem>>
      %dma_wait3A_676 = arith.constant 0 : i32
      %dma_wait3A_677 = arith.constant 0 : i32
      %dma_wait3A_678 = tpu.memref_slice %arg4[%dma_wait3A_676, %dma_wait3A_677] : memref<100000x128xf32, #tpu.memory_space<hbm>> -> memref<100000x128xf32, #tpu.memory_space<hbm>>
      tpu.wait_indirect_dma semaphore(%arg17 : memref<!tpu.dma_semaphore, #tpu.memory_space<semaphore_mem>>) src(%dma_wait3A_678 : memref<100000x128xf32, #tpu.memory_space<hbm>>) dst(%arg10 : memref<68x128xf32, #tpu.memory_space<vmem>>)
      %add3A_679 = arith.constant 3 : i32
      %add3A_680 = arith.addi %add3A_672, %add3A_679 : i32
      %lt3A_681 = arith.constant 32 : i32
      %lt3A_682 = arith.cmpi slt, %add3A_680, %lt3A_681 : i32
      %convert_element_type3A_683 = arith.extui %lt3A_682 : i1 to i32
      %cond3A_684 = arith.constant 0 : i32
      %cond3A_685 = arith.cmpi ne, %convert_element_type3A_683, %cond3A_684 : i32
      scf.if %cond3A_685 {
        %dma_start3A_1313 = arith.constant 0 : i32
        %dma_start3A_1314 = tpu.memref_slice %arg6[%add3A_680, %dma_start3A_1313] : memref<32x72xi32, #tpu.memory_space<vmem>> -> memref<1x68xi32, #tpu.memory_space<vmem>>
        %dma_start3A_1315 = tpu.memref_squeeze %dma_start3A_1314 : memref<1x68xi32, #tpu.memory_space<vmem>> -> memref<68xi32, #tpu.memory_space<vmem>>
        %dma_start3A_1316 = arith.constant 0 : i32
        %dma_start3A_1317 = arith.constant 0 : i32
        %dma_start3A_1318 = tpu.memref_slice %arg4[%dma_start3A_1316, %dma_start3A_1317] : memref<100000x128xf32, #tpu.memory_space<hbm>> -> memref<100000x128xf32, #tpu.memory_space<hbm>>
        tpu.enqueue_indirect_dma source(%dma_start3A_1318 : memref<100000x128xf32, #tpu.memory_space<hbm>>) target(%arg9 : memref<68x128xf32, #tpu.memory_space<vmem>>) offsets(%dma_start3A_1315 : memref<68xi32, #tpu.memory_space<vmem>>) semaphore(%arg16 : memref<!tpu.dma_semaphore, #tpu.memory_space<semaphore_mem>>)
      } else {
      }
      %get3A_686 = arith.index_cast %add3A_672 : i32 to index
      %get3A_687 = arith.constant 0 : index
      %get3A_688 = tpu.vector_load %arg7[%get3A_686, %get3A_687] {strides = array<i32>} : memref<32x128xf32, #tpu.memory_space<vmem>>, vector<16xf32>,
      %get3A_689 = arith.index_cast %add3A_672 : i32 to index
      %get3A_690 = arith.constant 16 : index
      %get3A_691 = tpu.vector_load %arg7[%get3A_689, %get3A_690] {strides = array<i32>} : memref<32x128xf32, #tpu.memory_space<vmem>>, vector<16xf32>,
      %get3A_692 = arith.index_cast %add3A_672 : i32 to index
      %get3A_693 = arith.constant 32 : index
      %get3A_694 = tpu.vector_load %arg7[%get3A_692, %get3A_693] {strides = array<i32>} : memref<32x128xf32, #tpu.memory_space<vmem>>, vector<16xf32>,
      %get3A_695 = arith.index_cast %add3A_672 : i32 to index
      %get3A_696 = arith.constant 48 : index
      %get3A_697 = tpu.vector_load %arg7[%get3A_695, %get3A_696] {strides = array<i32>} : memref<32x128xf32, #tpu.memory_space<vmem>>, vector<16xf32>,
      %get3A_698 = arith.index_cast %add3A_672 : i32 to index
      %get3A_699 = arith.constant 64 : index
      %get3A_700 = tpu.vector_load %arg7[%get3A_698, %get3A_699] {strides = array<i32>} : memref<32x128xf32, #tpu.memory_space<vmem>>, vector<16xf32>,
      %get3A_701 = arith.index_cast %add3A_672 : i32 to index
      %get3A_702 = arith.constant 80 : index
      %get3A_703 = tpu.vector_load %arg7[%get3A_701, %get3A_702] {strides = array<i32>} : memref<32x128xf32, #tpu.memory_space<vmem>>, vector<16xf32>,
      %get3A_704 = arith.index_cast %add3A_672 : i32 to index
      %get3A_705 = arith.constant 96 : index
      %get3A_706 = tpu.vector_load %arg7[%get3A_704, %get3A_705] {strides = array<i32>} : memref<32x128xf32, #tpu.memory_space<vmem>>, vector<16xf32>,
      %get3A_707 = arith.index_cast %add3A_672 : i32 to index
      %get3A_708 = arith.constant 112 : index
      %get3A_709 = tpu.vector_load %arg7[%get3A_707, %get3A_708] {strides = array<i32>} : memref<32x128xf32, #tpu.memory_space<vmem>>, vector<16xf32>,
      %mul3A_710 = arith.mulf %get3A_688, %get3A_688 : vector<16xf32>
      %mul3A_711 = arith.mulf %get3A_691, %get3A_691 : vector<16xf32>
      %add3A_712 = arith.addf %mul3A_710, %mul3A_711 : vector<16xf32>
      %mul3A_713 = arith.mulf %get3A_694, %get3A_694 : vector<16xf32>
      %add3A_714 = arith.addf %add3A_712, %mul3A_713 : vector<16xf32>
      %mul3A_715 = arith.mulf %get3A_697, %get3A_697 : vector<16xf32>
      %add3A_716 = arith.addf %add3A_714, %mul3A_715 : vector<16xf32>
      %mul3A_717 = arith.mulf %get3A_700, %get3A_700 : vector<16xf32>
      %add3A_718 = arith.addf %add3A_716, %mul3A_717 : vector<16xf32>
      %mul3A_719 = arith.mulf %get3A_703, %get3A_703 : vector<16xf32>
      %add3A_720 = arith.addf %add3A_718, %mul3A_719 : vector<16xf32>
      %mul3A_721 = arith.mulf %get3A_706, %get3A_706 : vector<16xf32>
      %add3A_722 = arith.addf %add3A_720, %mul3A_721 : vector<16xf32>
      %mul3A_723 = arith.mulf %get3A_709, %get3A_709 : vector<16xf32>
      %add3A_724 = arith.addf %add3A_722, %mul3A_723 : vector<16xf32>
      %reduce_sum3A_725 = arith.constant true
      %reduce_sum3A_726 = vector.broadcast %reduce_sum3A_725 : i1 to vector<16xi1>
      %reduce_sum3A_727 = tpu.scan <sum>, %add3A_724 masked %reduce_sum3A_726 : vector<16xf32>, vector<16xi1> -> vector<16xf32>
      %reduce_sum3A_728 = vector.extract %reduce_sum3A_727[15] : f32 from vector<16xf32>
      %broadcast_in_dim3A_729 = vector.broadcast %reduce_sum3A_728 : f32 to vector<16xf32>
      %bitcast3A_730 = vector.bitcast %broadcast_in_dim3A_729 : vector<16xf32> to vector<16xi32>
      %shift_right_arithmetic3A_731 = arith.constant 1 : i32
      %shift_right_arithmetic3A_732 = vector.broadcast %shift_right_arithmetic3A_731 : i32 to vector<16xi32>
      %shift_right_arithmetic3A_733 = arith.shrsi %bitcast3A_730, %shift_right_arithmetic3A_732 : vector<16xi32>
      %sub3A_734 = arith.constant 1597463007 : i32
      %sub3A_735 = vector.broadcast %sub3A_734 : i32 to vector<16xi32>
      %sub3A_736 = arith.subi %sub3A_735, %shift_right_arithmetic3A_733 : vector<16xi32>
      %bitcast3A_737 = vector.bitcast %sub3A_736 : vector<16xi32> to vector<16xf32>
      %mul3A_738 = arith.constant 5.000000e-01 : f32
      %mul3A_739 = vector.broadcast %mul3A_738 : f32 to vector<16xf32>
      %mul3A_740 = arith.mulf %mul3A_739, %broadcast_in_dim3A_729 : vector<16xf32>
      %mul3A_741 = arith.mulf %mul3A_740, %bitcast3A_737 : vector<16xf32>
      %mul3A_742 = arith.mulf %mul3A_741, %bitcast3A_737 : vector<16xf32>
      %sub3A_743 = arith.constant 1.500000e+00 : f32
      %sub3A_744 = vector.broadcast %sub3A_743 : f32 to vector<16xf32>
      %sub3A_745 = arith.subf %sub3A_744, %mul3A_742 : vector<16xf32>
      %mul3A_746 = arith.mulf %bitcast3A_737, %sub3A_745 : vector<16xf32>
      %mul3A_747 = arith.constant 5.000000e-01 : f32
      %mul3A_748 = vector.broadcast %mul3A_747 : f32 to vector<16xf32>
      %mul3A_749 = arith.mulf %mul3A_748, %broadcast_in_dim3A_729 : vector<16xf32>
      %mul3A_750 = arith.mulf %mul3A_749, %mul3A_746 : vector<16xf32>
      %mul3A_751 = arith.mulf %mul3A_750, %mul3A_746 : vector<16xf32>
      %sub3A_752 = arith.constant 1.500000e+00 : f32
      %sub3A_753 = vector.broadcast %sub3A_752 : f32 to vector<16xf32>
      %sub3A_754 = arith.subf %sub3A_753, %mul3A_751 : vector<16xf32>
      %mul3A_755 = arith.mulf %mul3A_746, %sub3A_754 : vector<16xf32>
      %mul3A_756 = arith.constant 5.000000e-01 : f32
      %mul3A_757 = vector.broadcast %mul3A_756 : f32 to vector<16xf32>
      %mul3A_758 = arith.mulf %mul3A_757, %broadcast_in_dim3A_729 : vector<16xf32>
      %mul3A_759 = arith.mulf %mul3A_758, %mul3A_755 : vector<16xf32>
      %mul3A_760 = arith.mulf %mul3A_759, %mul3A_755 : vector<16xf32>
      %sub3A_761 = arith.constant 1.500000e+00 : f32
      %sub3A_762 = vector.broadcast %sub3A_761 : f32 to vector<16xf32>
      %sub3A_763 = arith.subf %sub3A_762, %mul3A_760 : vector<16xf32>
      %mul3A_764 = arith.mulf %mul3A_755, %sub3A_763 : vector<16xf32>
      %mul3A_765 = arith.constant 14.2857141 : f32
      %mul3A_766 = vector.broadcast %mul3A_765 : f32 to vector<16xf32>
      %mul3A_767 = arith.mulf %mul3A_764, %mul3A_766 : vector<16xf32>
      %parallel_loop3A_768 = arith.constant 0 : i32
      %parallel_loop3A_769 = arith.constant 68 : i32
      %parallel_loop3A_770 = arith.constant 1 : i32
      scf.for %parallel_loop3A_1313 = %parallel_loop3A_768 to %parallel_loop3A_769 step %parallel_loop3A_770  : i32 {
        %parallel_loop3A_1314 = arith.index_cast %parallel_loop3A_1313 : i32 to index
        %parallel_loop3A_1315 = arith.constant 0 : index
        %parallel_loop3A_1316 = tpu.vector_load %arg10[%parallel_loop3A_1314, %parallel_loop3A_1315] {strides = array<i32>} : memref<68x128xf32, #tpu.memory_space<vmem>>, vector<16xf32>,
        %parallel_loop3A_1317 = arith.index_cast %parallel_loop3A_1313 : i32 to index
        %parallel_loop3A_1318 = arith.constant 16 : index
        %parallel_loop3A_1319 = tpu.vector_load %arg10[%parallel_loop3A_1317, %parallel_loop3A_1318] {strides = array<i32>} : memref<68x128xf32, #tpu.memory_space<vmem>>, vector<16xf32>,
        %parallel_loop3A_1320 = arith.index_cast %parallel_loop3A_1313 : i32 to index
        %parallel_loop3A_1321 = arith.constant 32 : index
        %parallel_loop3A_1322 = tpu.vector_load %arg10[%parallel_loop3A_1320, %parallel_loop3A_1321] {strides = array<i32>} : memref<68x128xf32, #tpu.memory_space<vmem>>, vector<16xf32>,
        %parallel_loop3A_1323 = arith.index_cast %parallel_loop3A_1313 : i32 to index
        %parallel_loop3A_1324 = arith.constant 48 : index
        %parallel_loop3A_1325 = tpu.vector_load %arg10[%parallel_loop3A_1323, %parallel_loop3A_1324] {strides = array<i32>} : memref<68x128xf32, #tpu.memory_space<vmem>>, vector<16xf32>,
        %parallel_loop3A_1326 = arith.index_cast %parallel_loop3A_1313 : i32 to index
        %parallel_loop3A_1327 = arith.constant 64 : index
        %parallel_loop3A_1328 = tpu.vector_load %arg10[%parallel_loop3A_1326, %parallel_loop3A_1327] {strides = array<i32>} : memref<68x128xf32, #tpu.memory_space<vmem>>, vector<16xf32>,
        %parallel_loop3A_1329 = arith.index_cast %parallel_loop3A_1313 : i32 to index
        %parallel_loop3A_1330 = arith.constant 80 : index
        %parallel_loop3A_1331 = tpu.vector_load %arg10[%parallel_loop3A_1329, %parallel_loop3A_1330] {strides = array<i32>} : memref<68x128xf32, #tpu.memory_space<vmem>>, vector<16xf32>,
        %parallel_loop3A_1332 = arith.index_cast %parallel_loop3A_1313 : i32 to index
        %parallel_loop3A_1333 = arith.constant 96 : index
        %parallel_loop3A_1334 = tpu.vector_load %arg10[%parallel_loop3A_1332, %parallel_loop3A_1333] {strides = array<i32>} : memref<68x128xf32, #tpu.memory_space<vmem>>, vector<16xf32>,
        %parallel_loop3A_1335 = arith.index_cast %parallel_loop3A_1313 : i32 to index
        %parallel_loop3A_1336 = arith.constant 112 : index
        %parallel_loop3A_1337 = tpu.vector_load %arg10[%parallel_loop3A_1335, %parallel_loop3A_1336] {strides = array<i32>} : memref<68x128xf32, #tpu.memory_space<vmem>>, vector<16xf32>,
        %parallel_loop3A_1338 = arith.mulf %parallel_loop3A_1316, %get3A_688 : vector<16xf32>
        %parallel_loop3A_1339 = arith.mulf %parallel_loop3A_1319, %get3A_691 : vector<16xf32>
        %parallel_loop3A_1340 = arith.mulf %parallel_loop3A_1322, %get3A_694 : vector<16xf32>
        %parallel_loop3A_1341 = arith.mulf %parallel_loop3A_1325, %get3A_697 : vector<16xf32>
        %parallel_loop3A_1342 = arith.mulf %parallel_loop3A_1328, %get3A_700 : vector<16xf32>
        %parallel_loop3A_1343 = arith.mulf %parallel_loop3A_1331, %get3A_703 : vector<16xf32>
        %parallel_loop3A_1344 = arith.mulf %parallel_loop3A_1334, %get3A_706 : vector<16xf32>
        %parallel_loop3A_1345 = arith.mulf %parallel_loop3A_1337, %get3A_709 : vector<16xf32>
        %parallel_loop3A_1346 = arith.mulf %parallel_loop3A_1316, %parallel_loop3A_1316 : vector<16xf32>
        %parallel_loop3A_1347 = arith.mulf %parallel_loop3A_1319, %parallel_loop3A_1319 : vector<16xf32>
        %parallel_loop3A_1348 = arith.mulf %parallel_loop3A_1322, %parallel_loop3A_1322 : vector<16xf32>
        %parallel_loop3A_1349 = arith.mulf %parallel_loop3A_1325, %parallel_loop3A_1325 : vector<16xf32>
        %parallel_loop3A_1350 = arith.mulf %parallel_loop3A_1328, %parallel_loop3A_1328 : vector<16xf32>
        %parallel_loop3A_1351 = arith.mulf %parallel_loop3A_1331, %parallel_loop3A_1331 : vector<16xf32>
        %parallel_loop3A_1352 = arith.mulf %parallel_loop3A_1334, %parallel_loop3A_1334 : vector<16xf32>
        %parallel_loop3A_1353 = arith.mulf %parallel_loop3A_1337, %parallel_loop3A_1337 : vector<16xf32>
        %parallel_loop3A_1354 = arith.addf %parallel_loop3A_1338, %parallel_loop3A_1339 : vector<16xf32>
        %parallel_loop3A_1355 = arith.addf %parallel_loop3A_1340, %parallel_loop3A_1341 : vector<16xf32>
        %parallel_loop3A_1356 = arith.addf %parallel_loop3A_1342, %parallel_loop3A_1343 : vector<16xf32>
        %parallel_loop3A_1357 = arith.addf %parallel_loop3A_1344, %parallel_loop3A_1345 : vector<16xf32>
        %parallel_loop3A_1358 = arith.addf %parallel_loop3A_1346, %parallel_loop3A_1347 : vector<16xf32>
        %parallel_loop3A_1359 = arith.addf %parallel_loop3A_1348, %parallel_loop3A_1349 : vector<16xf32>
        %parallel_loop3A_1360 = arith.addf %parallel_loop3A_1350, %parallel_loop3A_1351 : vector<16xf32>
        %parallel_loop3A_1361 = arith.addf %parallel_loop3A_1352, %parallel_loop3A_1353 : vector<16xf32>
        %parallel_loop3A_1362 = arith.addf %parallel_loop3A_1354, %parallel_loop3A_1355 : vector<16xf32>
        %parallel_loop3A_1363 = arith.addf %parallel_loop3A_1356, %parallel_loop3A_1357 : vector<16xf32>
        %parallel_loop3A_1364 = arith.addf %parallel_loop3A_1358, %parallel_loop3A_1359 : vector<16xf32>
        %parallel_loop3A_1365 = arith.addf %parallel_loop3A_1360, %parallel_loop3A_1361 : vector<16xf32>
        %parallel_loop3A_1366 = arith.addf %parallel_loop3A_1362, %parallel_loop3A_1363 : vector<16xf32>
        %parallel_loop3A_1367 = arith.addf %parallel_loop3A_1364, %parallel_loop3A_1365 : vector<16xf32>
        %parallel_loop3A_1368 = vector.broadcast %parallel_loop3A_1313 : i32 to vector<16xi32>
        %parallel_loop3A_1369 = arith.constant true
        %parallel_loop3A_1370 = vector.broadcast %parallel_loop3A_1369 : i1 to vector<16xi1>
        %parallel_loop3A_1371 = tpu.scan <sum>, %parallel_loop3A_1366 masked %parallel_loop3A_1370 : vector<16xf32>, vector<16xi1> -> vector<16xf32>
        tpu.vector_store_idx %arg12[%parallel_loop3A_1368], %parallel_loop3A_1371 masked %eq3A_8 : memref<80xf32, #tpu.memory_space<vmem>>[vector<16xi32>], vector<16xf32>, vector<16xi1>
        %parallel_loop3A_1372 = arith.constant true
        %parallel_loop3A_1373 = vector.broadcast %parallel_loop3A_1372 : i1 to vector<16xi1>
        %parallel_loop3A_1374 = tpu.scan <sum>, %parallel_loop3A_1367 masked %parallel_loop3A_1373 : vector<16xf32>, vector<16xi1> -> vector<16xf32>
        tpu.vector_store_idx %arg13[%parallel_loop3A_1368], %parallel_loop3A_1374 masked %eq3A_8 : memref<80xf32, #tpu.memory_space<vmem>>[vector<16xi32>], vector<16xf32>, vector<16xi1>
      } {sc.loop_unroll_factor = 4 : i64, sc.parallel_access}
      %get3A_771 = arith.constant 0 : index
      %get3A_772 = tpu.vector_load %arg12[%get3A_771] {strides = array<i32>} : memref<80xf32, #tpu.memory_space<vmem>>, vector<16xf32>,
      %get3A_773 = arith.constant 0 : index
      %get3A_774 = tpu.vector_load %arg13[%get3A_773] {strides = array<i32>} : memref<80xf32, #tpu.memory_space<vmem>>, vector<16xf32>,
      %bitcast3A_775 = vector.bitcast %get3A_774 : vector<16xf32> to vector<16xi32>
      %shift_right_arithmetic3A_776 = arith.constant 1 : i32
      %shift_right_arithmetic3A_777 = vector.broadcast %shift_right_arithmetic3A_776 : i32 to vector<16xi32>
      %shift_right_arithmetic3A_778 = arith.shrsi %bitcast3A_775, %shift_right_arithmetic3A_777 : vector<16xi32>
      %sub3A_779 = arith.constant 1597463007 : i32
      %sub3A_780 = vector.broadcast %sub3A_779 : i32 to vector<16xi32>
      %sub3A_781 = arith.subi %sub3A_780, %shift_right_arithmetic3A_778 : vector<16xi32>
      %bitcast3A_782 = vector.bitcast %sub3A_781 : vector<16xi32> to vector<16xf32>
      %mul3A_783 = arith.constant 5.000000e-01 : f32
      %mul3A_784 = vector.broadcast %mul3A_783 : f32 to vector<16xf32>
      %mul3A_785 = arith.mulf %mul3A_784, %get3A_774 : vector<16xf32>
      %mul3A_786 = arith.mulf %mul3A_785, %bitcast3A_782 : vector<16xf32>
      %mul3A_787 = arith.mulf %mul3A_786, %bitcast3A_782 : vector<16xf32>
      %sub3A_788 = arith.constant 1.500000e+00 : f32
      %sub3A_789 = vector.broadcast %sub3A_788 : f32 to vector<16xf32>
      %sub3A_790 = arith.subf %sub3A_789, %mul3A_787 : vector<16xf32>
      %mul3A_791 = arith.mulf %bitcast3A_782, %sub3A_790 : vector<16xf32>
      %mul3A_792 = arith.constant 5.000000e-01 : f32
      %mul3A_793 = vector.broadcast %mul3A_792 : f32 to vector<16xf32>
      %mul3A_794 = arith.mulf %mul3A_793, %get3A_774 : vector<16xf32>
      %mul3A_795 = arith.mulf %mul3A_794, %mul3A_791 : vector<16xf32>
      %mul3A_796 = arith.mulf %mul3A_795, %mul3A_791 : vector<16xf32>
      %sub3A_797 = arith.constant 1.500000e+00 : f32
      %sub3A_798 = vector.broadcast %sub3A_797 : f32 to vector<16xf32>
      %sub3A_799 = arith.subf %sub3A_798, %mul3A_796 : vector<16xf32>
      %mul3A_800 = arith.mulf %mul3A_791, %sub3A_799 : vector<16xf32>
      %mul3A_801 = arith.constant 5.000000e-01 : f32
      %mul3A_802 = vector.broadcast %mul3A_801 : f32 to vector<16xf32>
      %mul3A_803 = arith.mulf %mul3A_802, %get3A_774 : vector<16xf32>
      %mul3A_804 = arith.mulf %mul3A_803, %mul3A_800 : vector<16xf32>
      %mul3A_805 = arith.mulf %mul3A_804, %mul3A_800 : vector<16xf32>
      %sub3A_806 = arith.constant 1.500000e+00 : f32
      %sub3A_807 = vector.broadcast %sub3A_806 : f32 to vector<16xf32>
      %sub3A_808 = arith.subf %sub3A_807, %mul3A_805 : vector<16xf32>
      %mul3A_809 = arith.mulf %mul3A_800, %sub3A_808 : vector<16xf32>
      %mul3A_810 = arith.mulf %get3A_772, %mul3A_809 : vector<16xf32>
      %mul3A_811 = arith.mulf %mul3A_810, %mul3A_767 : vector<16xf32>
      %swap3A_812 = arith.index_cast %add3A_672 : i32 to index
      %swap3A_813 = arith.constant 0 : index
      %swap3A_814 = tpu.vector_load %arg14[%swap3A_812, %swap3A_813] {strides = array<i32>} : memref<32x80xf32, #tpu.memory_space<vmem>>, vector<16xf32>,
      tpu.vector_store %arg14[%swap3A_812, %swap3A_813], %mul3A_811 {strides = array<i32>} : memref<32x80xf32, #tpu.memory_space<vmem>>, vector<16xf32>,
      %get3A_815 = arith.constant 16 : index
      %get3A_816 = tpu.vector_load %arg12[%get3A_815] {strides = array<i32>} : memref<80xf32, #tpu.memory_space<vmem>>, vector<16xf32>,
      %get3A_817 = arith.constant 16 : index
      %get3A_818 = tpu.vector_load %arg13[%get3A_817] {strides = array<i32>} : memref<80xf32, #tpu.memory_space<vmem>>, vector<16xf32>,
      %bitcast3A_819 = vector.bitcast %get3A_818 : vector<16xf32> to vector<16xi32>
      %shift_right_arithmetic3A_820 = arith.constant 1 : i32
      %shift_right_arithmetic3A_821 = vector.broadcast %shift_right_arithmetic3A_820 : i32 to vector<16xi32>
      %shift_right_arithmetic3A_822 = arith.shrsi %bitcast3A_819, %shift_right_arithmetic3A_821 : vector<16xi32>
      %sub3A_823 = arith.constant 1597463007 : i32
      %sub3A_824 = vector.broadcast %sub3A_823 : i32 to vector<16xi32>
      %sub3A_825 = arith.subi %sub3A_824, %shift_right_arithmetic3A_822 : vector<16xi32>
      %bitcast3A_826 = vector.bitcast %sub3A_825 : vector<16xi32> to vector<16xf32>
      %mul3A_827 = arith.constant 5.000000e-01 : f32
      %mul3A_828 = vector.broadcast %mul3A_827 : f32 to vector<16xf32>
      %mul3A_829 = arith.mulf %mul3A_828, %get3A_818 : vector<16xf32>
      %mul3A_830 = arith.mulf %mul3A_829, %bitcast3A_826 : vector<16xf32>
      %mul3A_831 = arith.mulf %mul3A_830, %bitcast3A_826 : vector<16xf32>
      %sub3A_832 = arith.constant 1.500000e+00 : f32
      %sub3A_833 = vector.broadcast %sub3A_832 : f32 to vector<16xf32>
      %sub3A_834 = arith.subf %sub3A_833, %mul3A_831 : vector<16xf32>
      %mul3A_835 = arith.mulf %bitcast3A_826, %sub3A_834 : vector<16xf32>
      %mul3A_836 = arith.constant 5.000000e-01 : f32
      %mul3A_837 = vector.broadcast %mul3A_836 : f32 to vector<16xf32>
      %mul3A_838 = arith.mulf %mul3A_837, %get3A_818 : vector<16xf32>
      %mul3A_839 = arith.mulf %mul3A_838, %mul3A_835 : vector<16xf32>
      %mul3A_840 = arith.mulf %mul3A_839, %mul3A_835 : vector<16xf32>
      %sub3A_841 = arith.constant 1.500000e+00 : f32
      %sub3A_842 = vector.broadcast %sub3A_841 : f32 to vector<16xf32>
      %sub3A_843 = arith.subf %sub3A_842, %mul3A_840 : vector<16xf32>
      %mul3A_844 = arith.mulf %mul3A_835, %sub3A_843 : vector<16xf32>
      %mul3A_845 = arith.constant 5.000000e-01 : f32
      %mul3A_846 = vector.broadcast %mul3A_845 : f32 to vector<16xf32>
      %mul3A_847 = arith.mulf %mul3A_846, %get3A_818 : vector<16xf32>
      %mul3A_848 = arith.mulf %mul3A_847, %mul3A_844 : vector<16xf32>
      %mul3A_849 = arith.mulf %mul3A_848, %mul3A_844 : vector<16xf32>
      %sub3A_850 = arith.constant 1.500000e+00 : f32
      %sub3A_851 = vector.broadcast %sub3A_850 : f32 to vector<16xf32>
      %sub3A_852 = arith.subf %sub3A_851, %mul3A_849 : vector<16xf32>
      %mul3A_853 = arith.mulf %mul3A_844, %sub3A_852 : vector<16xf32>
      %mul3A_854 = arith.mulf %get3A_816, %mul3A_853 : vector<16xf32>
      %mul3A_855 = arith.mulf %mul3A_854, %mul3A_767 : vector<16xf32>
      %swap3A_856 = arith.index_cast %add3A_672 : i32 to index
      %swap3A_857 = arith.constant 16 : index
      %swap3A_858 = tpu.vector_load %arg14[%swap3A_856, %swap3A_857] {strides = array<i32>} : memref<32x80xf32, #tpu.memory_space<vmem>>, vector<16xf32>,
      tpu.vector_store %arg14[%swap3A_856, %swap3A_857], %mul3A_855 {strides = array<i32>} : memref<32x80xf32, #tpu.memory_space<vmem>>, vector<16xf32>,
      %get3A_859 = arith.constant 32 : index
      %get3A_860 = tpu.vector_load %arg12[%get3A_859] {strides = array<i32>} : memref<80xf32, #tpu.memory_space<vmem>>, vector<16xf32>,
      %get3A_861 = arith.constant 32 : index
      %get3A_862 = tpu.vector_load %arg13[%get3A_861] {strides = array<i32>} : memref<80xf32, #tpu.memory_space<vmem>>, vector<16xf32>,
      %bitcast3A_863 = vector.bitcast %get3A_862 : vector<16xf32> to vector<16xi32>
      %shift_right_arithmetic3A_864 = arith.constant 1 : i32
      %shift_right_arithmetic3A_865 = vector.broadcast %shift_right_arithmetic3A_864 : i32 to vector<16xi32>
      %shift_right_arithmetic3A_866 = arith.shrsi %bitcast3A_863, %shift_right_arithmetic3A_865 : vector<16xi32>
      %sub3A_867 = arith.constant 1597463007 : i32
      %sub3A_868 = vector.broadcast %sub3A_867 : i32 to vector<16xi32>
      %sub3A_869 = arith.subi %sub3A_868, %shift_right_arithmetic3A_866 : vector<16xi32>
      %bitcast3A_870 = vector.bitcast %sub3A_869 : vector<16xi32> to vector<16xf32>
      %mul3A_871 = arith.constant 5.000000e-01 : f32
      %mul3A_872 = vector.broadcast %mul3A_871 : f32 to vector<16xf32>
      %mul3A_873 = arith.mulf %mul3A_872, %get3A_862 : vector<16xf32>
      %mul3A_874 = arith.mulf %mul3A_873, %bitcast3A_870 : vector<16xf32>
      %mul3A_875 = arith.mulf %mul3A_874, %bitcast3A_870 : vector<16xf32>
      %sub3A_876 = arith.constant 1.500000e+00 : f32
      %sub3A_877 = vector.broadcast %sub3A_876 : f32 to vector<16xf32>
      %sub3A_878 = arith.subf %sub3A_877, %mul3A_875 : vector<16xf32>
      %mul3A_879 = arith.mulf %bitcast3A_870, %sub3A_878 : vector<16xf32>
      %mul3A_880 = arith.constant 5.000000e-01 : f32
      %mul3A_881 = vector.broadcast %mul3A_880 : f32 to vector<16xf32>
      %mul3A_882 = arith.mulf %mul3A_881, %get3A_862 : vector<16xf32>
      %mul3A_883 = arith.mulf %mul3A_882, %mul3A_879 : vector<16xf32>
      %mul3A_884 = arith.mulf %mul3A_883, %mul3A_879 : vector<16xf32>
      %sub3A_885 = arith.constant 1.500000e+00 : f32
      %sub3A_886 = vector.broadcast %sub3A_885 : f32 to vector<16xf32>
      %sub3A_887 = arith.subf %sub3A_886, %mul3A_884 : vector<16xf32>
      %mul3A_888 = arith.mulf %mul3A_879, %sub3A_887 : vector<16xf32>
      %mul3A_889 = arith.constant 5.000000e-01 : f32
      %mul3A_890 = vector.broadcast %mul3A_889 : f32 to vector<16xf32>
      %mul3A_891 = arith.mulf %mul3A_890, %get3A_862 : vector<16xf32>
      %mul3A_892 = arith.mulf %mul3A_891, %mul3A_888 : vector<16xf32>
      %mul3A_893 = arith.mulf %mul3A_892, %mul3A_888 : vector<16xf32>
      %sub3A_894 = arith.constant 1.500000e+00 : f32
      %sub3A_895 = vector.broadcast %sub3A_894 : f32 to vector<16xf32>
      %sub3A_896 = arith.subf %sub3A_895, %mul3A_893 : vector<16xf32>
      %mul3A_897 = arith.mulf %mul3A_888, %sub3A_896 : vector<16xf32>
      %mul3A_898 = arith.mulf %get3A_860, %mul3A_897 : vector<16xf32>
      %mul3A_899 = arith.mulf %mul3A_898, %mul3A_767 : vector<16xf32>
      %swap3A_900 = arith.index_cast %add3A_672 : i32 to index
      %swap3A_901 = arith.constant 32 : index
      %swap3A_902 = tpu.vector_load %arg14[%swap3A_900, %swap3A_901] {strides = array<i32>} : memref<32x80xf32, #tpu.memory_space<vmem>>, vector<16xf32>,
      tpu.vector_store %arg14[%swap3A_900, %swap3A_901], %mul3A_899 {strides = array<i32>} : memref<32x80xf32, #tpu.memory_space<vmem>>, vector<16xf32>,
      %get3A_903 = arith.constant 48 : index
      %get3A_904 = tpu.vector_load %arg12[%get3A_903] {strides = array<i32>} : memref<80xf32, #tpu.memory_space<vmem>>, vector<16xf32>,
      %get3A_905 = arith.constant 48 : index
      %get3A_906 = tpu.vector_load %arg13[%get3A_905] {strides = array<i32>} : memref<80xf32, #tpu.memory_space<vmem>>, vector<16xf32>,
      %bitcast3A_907 = vector.bitcast %get3A_906 : vector<16xf32> to vector<16xi32>
      %shift_right_arithmetic3A_908 = arith.constant 1 : i32
      %shift_right_arithmetic3A_909 = vector.broadcast %shift_right_arithmetic3A_908 : i32 to vector<16xi32>
      %shift_right_arithmetic3A_910 = arith.shrsi %bitcast3A_907, %shift_right_arithmetic3A_909 : vector<16xi32>
      %sub3A_911 = arith.constant 1597463007 : i32
      %sub3A_912 = vector.broadcast %sub3A_911 : i32 to vector<16xi32>
      %sub3A_913 = arith.subi %sub3A_912, %shift_right_arithmetic3A_910 : vector<16xi32>
      %bitcast3A_914 = vector.bitcast %sub3A_913 : vector<16xi32> to vector<16xf32>
      %mul3A_915 = arith.constant 5.000000e-01 : f32
      %mul3A_916 = vector.broadcast %mul3A_915 : f32 to vector<16xf32>
      %mul3A_917 = arith.mulf %mul3A_916, %get3A_906 : vector<16xf32>
      %mul3A_918 = arith.mulf %mul3A_917, %bitcast3A_914 : vector<16xf32>
      %mul3A_919 = arith.mulf %mul3A_918, %bitcast3A_914 : vector<16xf32>
      %sub3A_920 = arith.constant 1.500000e+00 : f32
      %sub3A_921 = vector.broadcast %sub3A_920 : f32 to vector<16xf32>
      %sub3A_922 = arith.subf %sub3A_921, %mul3A_919 : vector<16xf32>
      %mul3A_923 = arith.mulf %bitcast3A_914, %sub3A_922 : vector<16xf32>
      %mul3A_924 = arith.constant 5.000000e-01 : f32
      %mul3A_925 = vector.broadcast %mul3A_924 : f32 to vector<16xf32>
      %mul3A_926 = arith.mulf %mul3A_925, %get3A_906 : vector<16xf32>
      %mul3A_927 = arith.mulf %mul3A_926, %mul3A_923 : vector<16xf32>
      %mul3A_928 = arith.mulf %mul3A_927, %mul3A_923 : vector<16xf32>
      %sub3A_929 = arith.constant 1.500000e+00 : f32
      %sub3A_930 = vector.broadcast %sub3A_929 : f32 to vector<16xf32>
      %sub3A_931 = arith.subf %sub3A_930, %mul3A_928 : vector<16xf32>
      %mul3A_932 = arith.mulf %mul3A_923, %sub3A_931 : vector<16xf32>
      %mul3A_933 = arith.constant 5.000000e-01 : f32
      %mul3A_934 = vector.broadcast %mul3A_933 : f32 to vector<16xf32>
      %mul3A_935 = arith.mulf %mul3A_934, %get3A_906 : vector<16xf32>
      %mul3A_936 = arith.mulf %mul3A_935, %mul3A_932 : vector<16xf32>
      %mul3A_937 = arith.mulf %mul3A_936, %mul3A_932 : vector<16xf32>
      %sub3A_938 = arith.constant 1.500000e+00 : f32
      %sub3A_939 = vector.broadcast %sub3A_938 : f32 to vector<16xf32>
      %sub3A_940 = arith.subf %sub3A_939, %mul3A_937 : vector<16xf32>
      %mul3A_941 = arith.mulf %mul3A_932, %sub3A_940 : vector<16xf32>
      %mul3A_942 = arith.mulf %get3A_904, %mul3A_941 : vector<16xf32>
      %mul3A_943 = arith.mulf %mul3A_942, %mul3A_767 : vector<16xf32>
      %swap3A_944 = arith.index_cast %add3A_672 : i32 to index
      %swap3A_945 = arith.constant 48 : index
      %swap3A_946 = tpu.vector_load %arg14[%swap3A_944, %swap3A_945] {strides = array<i32>} : memref<32x80xf32, #tpu.memory_space<vmem>>, vector<16xf32>,
      tpu.vector_store %arg14[%swap3A_944, %swap3A_945], %mul3A_943 {strides = array<i32>} : memref<32x80xf32, #tpu.memory_space<vmem>>, vector<16xf32>,
      %get3A_947 = arith.constant 64 : index
      %get3A_948 = tpu.vector_load %arg12[%get3A_947] {strides = array<i32>} : memref<80xf32, #tpu.memory_space<vmem>>, vector<16xf32>,
      %get3A_949 = arith.constant 64 : index
      %get3A_950 = tpu.vector_load %arg13[%get3A_949] {strides = array<i32>} : memref<80xf32, #tpu.memory_space<vmem>>, vector<16xf32>,
      %bitcast3A_951 = vector.bitcast %get3A_950 : vector<16xf32> to vector<16xi32>
      %shift_right_arithmetic3A_952 = arith.constant 1 : i32
      %shift_right_arithmetic3A_953 = vector.broadcast %shift_right_arithmetic3A_952 : i32 to vector<16xi32>
      %shift_right_arithmetic3A_954 = arith.shrsi %bitcast3A_951, %shift_right_arithmetic3A_953 : vector<16xi32>
      %sub3A_955 = arith.constant 1597463007 : i32
      %sub3A_956 = vector.broadcast %sub3A_955 : i32 to vector<16xi32>
      %sub3A_957 = arith.subi %sub3A_956, %shift_right_arithmetic3A_954 : vector<16xi32>
      %bitcast3A_958 = vector.bitcast %sub3A_957 : vector<16xi32> to vector<16xf32>
      %mul3A_959 = arith.constant 5.000000e-01 : f32
      %mul3A_960 = vector.broadcast %mul3A_959 : f32 to vector<16xf32>
      %mul3A_961 = arith.mulf %mul3A_960, %get3A_950 : vector<16xf32>
      %mul3A_962 = arith.mulf %mul3A_961, %bitcast3A_958 : vector<16xf32>
      %mul3A_963 = arith.mulf %mul3A_962, %bitcast3A_958 : vector<16xf32>
      %sub3A_964 = arith.constant 1.500000e+00 : f32
      %sub3A_965 = vector.broadcast %sub3A_964 : f32 to vector<16xf32>
      %sub3A_966 = arith.subf %sub3A_965, %mul3A_963 : vector<16xf32>
      %mul3A_967 = arith.mulf %bitcast3A_958, %sub3A_966 : vector<16xf32>
      %mul3A_968 = arith.constant 5.000000e-01 : f32
      %mul3A_969 = vector.broadcast %mul3A_968 : f32 to vector<16xf32>
      %mul3A_970 = arith.mulf %mul3A_969, %get3A_950 : vector<16xf32>
      %mul3A_971 = arith.mulf %mul3A_970, %mul3A_967 : vector<16xf32>
      %mul3A_972 = arith.mulf %mul3A_971, %mul3A_967 : vector<16xf32>
      %sub3A_973 = arith.constant 1.500000e+00 : f32
      %sub3A_974 = vector.broadcast %sub3A_973 : f32 to vector<16xf32>
      %sub3A_975 = arith.subf %sub3A_974, %mul3A_972 : vector<16xf32>
      %mul3A_976 = arith.mulf %mul3A_967, %sub3A_975 : vector<16xf32>
      %mul3A_977 = arith.constant 5.000000e-01 : f32
      %mul3A_978 = vector.broadcast %mul3A_977 : f32 to vector<16xf32>
      %mul3A_979 = arith.mulf %mul3A_978, %get3A_950 : vector<16xf32>
      %mul3A_980 = arith.mulf %mul3A_979, %mul3A_976 : vector<16xf32>
      %mul3A_981 = arith.mulf %mul3A_980, %mul3A_976 : vector<16xf32>
      %sub3A_982 = arith.constant 1.500000e+00 : f32
      %sub3A_983 = vector.broadcast %sub3A_982 : f32 to vector<16xf32>
      %sub3A_984 = arith.subf %sub3A_983, %mul3A_981 : vector<16xf32>
      %mul3A_985 = arith.mulf %mul3A_976, %sub3A_984 : vector<16xf32>
      %mul3A_986 = arith.mulf %get3A_948, %mul3A_985 : vector<16xf32>
      %mul3A_987 = arith.mulf %mul3A_986, %mul3A_767 : vector<16xf32>
      %swap3A_988 = arith.index_cast %add3A_672 : i32 to index
      %swap3A_989 = arith.constant 64 : index
      %swap3A_990 = tpu.vector_load %arg14[%swap3A_988, %swap3A_989] {strides = array<i32>} : memref<32x80xf32, #tpu.memory_space<vmem>>, vector<16xf32>,
      tpu.vector_store %arg14[%swap3A_988, %swap3A_989], %mul3A_987 {strides = array<i32>} : memref<32x80xf32, #tpu.memory_space<vmem>>, vector<16xf32>,
      %mul3A_991 = arith.constant 4 : i32
      %mul3A_992 = arith.muli %scan3A_34, %mul3A_991 : i32
      %add3A_993 = arith.constant 3 : i32
      %add3A_994 = arith.addi %mul3A_992, %add3A_993 : i32
      %dma_wait3A_995 = arith.constant 0 : i32
      %dma_wait3A_996 = tpu.memref_slice %arg6[%add3A_994, %dma_wait3A_995] : memref<32x72xi32, #tpu.memory_space<vmem>> -> memref<1x68xi32, #tpu.memory_space<vmem>>
      %dma_wait3A_997 = tpu.memref_squeeze %dma_wait3A_996 : memref<1x68xi32, #tpu.memory_space<vmem>> -> memref<68xi32, #tpu.memory_space<vmem>>
      %dma_wait3A_998 = arith.constant 0 : i32
      %dma_wait3A_999 = arith.constant 0 : i32
      %dma_wait3A_1000 = tpu.memref_slice %arg4[%dma_wait3A_998, %dma_wait3A_999] : memref<100000x128xf32, #tpu.memory_space<hbm>> -> memref<100000x128xf32, #tpu.memory_space<hbm>>
      tpu.wait_indirect_dma semaphore(%arg18 : memref<!tpu.dma_semaphore, #tpu.memory_space<semaphore_mem>>) src(%dma_wait3A_1000 : memref<100000x128xf32, #tpu.memory_space<hbm>>) dst(%arg11 : memref<68x128xf32, #tpu.memory_space<vmem>>)
      %add3A_1001 = arith.constant 3 : i32
      %add3A_1002 = arith.addi %add3A_994, %add3A_1001 : i32
      %lt3A_1003 = arith.constant 32 : i32
      %lt3A_1004 = arith.cmpi slt, %add3A_1002, %lt3A_1003 : i32
      %convert_element_type3A_1005 = arith.extui %lt3A_1004 : i1 to i32
      %cond3A_1006 = arith.constant 0 : i32
      %cond3A_1007 = arith.cmpi ne, %convert_element_type3A_1005, %cond3A_1006 : i32
      scf.if %cond3A_1007 {
        %dma_start3A_1313 = arith.constant 0 : i32
        %dma_start3A_1314 = tpu.memref_slice %arg6[%add3A_1002, %dma_start3A_1313] : memref<32x72xi32, #tpu.memory_space<vmem>> -> memref<1x68xi32, #tpu.memory_space<vmem>>
        %dma_start3A_1315 = tpu.memref_squeeze %dma_start3A_1314 : memref<1x68xi32, #tpu.memory_space<vmem>> -> memref<68xi32, #tpu.memory_space<vmem>>
        %dma_start3A_1316 = arith.constant 0 : i32
        %dma_start3A_1317 = arith.constant 0 : i32
        %dma_start3A_1318 = tpu.memref_slice %arg4[%dma_start3A_1316, %dma_start3A_1317] : memref<100000x128xf32, #tpu.memory_space<hbm>> -> memref<100000x128xf32, #tpu.memory_space<hbm>>
        tpu.enqueue_indirect_dma source(%dma_start3A_1318 : memref<100000x128xf32, #tpu.memory_space<hbm>>) target(%arg10 : memref<68x128xf32, #tpu.memory_space<vmem>>) offsets(%dma_start3A_1315 : memref<68xi32, #tpu.memory_space<vmem>>) semaphore(%arg17 : memref<!tpu.dma_semaphore, #tpu.memory_space<semaphore_mem>>)
      } else {
      }
      %get3A_1008 = arith.index_cast %add3A_994 : i32 to index
      %get3A_1009 = arith.constant 0 : index
      %get3A_1010 = tpu.vector_load %arg7[%get3A_1008, %get3A_1009] {strides = array<i32>} : memref<32x128xf32, #tpu.memory_space<vmem>>, vector<16xf32>,
      %get3A_1011 = arith.index_cast %add3A_994 : i32 to index
      %get3A_1012 = arith.constant 16 : index
      %get3A_1013 = tpu.vector_load %arg7[%get3A_1011, %get3A_1012] {strides = array<i32>} : memref<32x128xf32, #tpu.memory_space<vmem>>, vector<16xf32>,
      %get3A_1014 = arith.index_cast %add3A_994 : i32 to index
      %get3A_1015 = arith.constant 32 : index
      %get3A_1016 = tpu.vector_load %arg7[%get3A_1014, %get3A_1015] {strides = array<i32>} : memref<32x128xf32, #tpu.memory_space<vmem>>, vector<16xf32>,
      %get3A_1017 = arith.index_cast %add3A_994 : i32 to index
      %get3A_1018 = arith.constant 48 : index
      %get3A_1019 = tpu.vector_load %arg7[%get3A_1017, %get3A_1018] {strides = array<i32>} : memref<32x128xf32, #tpu.memory_space<vmem>>, vector<16xf32>,
      %get3A_1020 = arith.index_cast %add3A_994 : i32 to index
      %get3A_1021 = arith.constant 64 : index
      %get3A_1022 = tpu.vector_load %arg7[%get3A_1020, %get3A_1021] {strides = array<i32>} : memref<32x128xf32, #tpu.memory_space<vmem>>, vector<16xf32>,
      %get3A_1023 = arith.index_cast %add3A_994 : i32 to index
      %get3A_1024 = arith.constant 80 : index
      %get3A_1025 = tpu.vector_load %arg7[%get3A_1023, %get3A_1024] {strides = array<i32>} : memref<32x128xf32, #tpu.memory_space<vmem>>, vector<16xf32>,
      %get3A_1026 = arith.index_cast %add3A_994 : i32 to index
      %get3A_1027 = arith.constant 96 : index
      %get3A_1028 = tpu.vector_load %arg7[%get3A_1026, %get3A_1027] {strides = array<i32>} : memref<32x128xf32, #tpu.memory_space<vmem>>, vector<16xf32>,
      %get3A_1029 = arith.index_cast %add3A_994 : i32 to index
      %get3A_1030 = arith.constant 112 : index
      %get3A_1031 = tpu.vector_load %arg7[%get3A_1029, %get3A_1030] {strides = array<i32>} : memref<32x128xf32, #tpu.memory_space<vmem>>, vector<16xf32>,
      %mul3A_1032 = arith.mulf %get3A_1010, %get3A_1010 : vector<16xf32>
      %mul3A_1033 = arith.mulf %get3A_1013, %get3A_1013 : vector<16xf32>
      %add3A_1034 = arith.addf %mul3A_1032, %mul3A_1033 : vector<16xf32>
      %mul3A_1035 = arith.mulf %get3A_1016, %get3A_1016 : vector<16xf32>
      %add3A_1036 = arith.addf %add3A_1034, %mul3A_1035 : vector<16xf32>
      %mul3A_1037 = arith.mulf %get3A_1019, %get3A_1019 : vector<16xf32>
      %add3A_1038 = arith.addf %add3A_1036, %mul3A_1037 : vector<16xf32>
      %mul3A_1039 = arith.mulf %get3A_1022, %get3A_1022 : vector<16xf32>
      %add3A_1040 = arith.addf %add3A_1038, %mul3A_1039 : vector<16xf32>
      %mul3A_1041 = arith.mulf %get3A_1025, %get3A_1025 : vector<16xf32>
      %add3A_1042 = arith.addf %add3A_1040, %mul3A_1041 : vector<16xf32>
      %mul3A_1043 = arith.mulf %get3A_1028, %get3A_1028 : vector<16xf32>
      %add3A_1044 = arith.addf %add3A_1042, %mul3A_1043 : vector<16xf32>
      %mul3A_1045 = arith.mulf %get3A_1031, %get3A_1031 : vector<16xf32>
      %add3A_1046 = arith.addf %add3A_1044, %mul3A_1045 : vector<16xf32>
      %reduce_sum3A_1047 = arith.constant true
      %reduce_sum3A_1048 = vector.broadcast %reduce_sum3A_1047 : i1 to vector<16xi1>
      %reduce_sum3A_1049 = tpu.scan <sum>, %add3A_1046 masked %reduce_sum3A_1048 : vector<16xf32>, vector<16xi1> -> vector<16xf32>
      %reduce_sum3A_1050 = vector.extract %reduce_sum3A_1049[15] : f32 from vector<16xf32>
      %broadcast_in_dim3A_1051 = vector.broadcast %reduce_sum3A_1050 : f32 to vector<16xf32>
      %bitcast3A_1052 = vector.bitcast %broadcast_in_dim3A_1051 : vector<16xf32> to vector<16xi32>
      %shift_right_arithmetic3A_1053 = arith.constant 1 : i32
      %shift_right_arithmetic3A_1054 = vector.broadcast %shift_right_arithmetic3A_1053 : i32 to vector<16xi32>
      %shift_right_arithmetic3A_1055 = arith.shrsi %bitcast3A_1052, %shift_right_arithmetic3A_1054 : vector<16xi32>
      %sub3A_1056 = arith.constant 1597463007 : i32
      %sub3A_1057 = vector.broadcast %sub3A_1056 : i32 to vector<16xi32>
      %sub3A_1058 = arith.subi %sub3A_1057, %shift_right_arithmetic3A_1055 : vector<16xi32>
      %bitcast3A_1059 = vector.bitcast %sub3A_1058 : vector<16xi32> to vector<16xf32>
      %mul3A_1060 = arith.constant 5.000000e-01 : f32
      %mul3A_1061 = vector.broadcast %mul3A_1060 : f32 to vector<16xf32>
      %mul3A_1062 = arith.mulf %mul3A_1061, %broadcast_in_dim3A_1051 : vector<16xf32>
      %mul3A_1063 = arith.mulf %mul3A_1062, %bitcast3A_1059 : vector<16xf32>
      %mul3A_1064 = arith.mulf %mul3A_1063, %bitcast3A_1059 : vector<16xf32>
      %sub3A_1065 = arith.constant 1.500000e+00 : f32
      %sub3A_1066 = vector.broadcast %sub3A_1065 : f32 to vector<16xf32>
      %sub3A_1067 = arith.subf %sub3A_1066, %mul3A_1064 : vector<16xf32>
      %mul3A_1068 = arith.mulf %bitcast3A_1059, %sub3A_1067 : vector<16xf32>
      %mul3A_1069 = arith.constant 5.000000e-01 : f32
      %mul3A_1070 = vector.broadcast %mul3A_1069 : f32 to vector<16xf32>
      %mul3A_1071 = arith.mulf %mul3A_1070, %broadcast_in_dim3A_1051 : vector<16xf32>
      %mul3A_1072 = arith.mulf %mul3A_1071, %mul3A_1068 : vector<16xf32>
      %mul3A_1073 = arith.mulf %mul3A_1072, %mul3A_1068 : vector<16xf32>
      %sub3A_1074 = arith.constant 1.500000e+00 : f32
      %sub3A_1075 = vector.broadcast %sub3A_1074 : f32 to vector<16xf32>
      %sub3A_1076 = arith.subf %sub3A_1075, %mul3A_1073 : vector<16xf32>
      %mul3A_1077 = arith.mulf %mul3A_1068, %sub3A_1076 : vector<16xf32>
      %mul3A_1078 = arith.constant 5.000000e-01 : f32
      %mul3A_1079 = vector.broadcast %mul3A_1078 : f32 to vector<16xf32>
      %mul3A_1080 = arith.mulf %mul3A_1079, %broadcast_in_dim3A_1051 : vector<16xf32>
      %mul3A_1081 = arith.mulf %mul3A_1080, %mul3A_1077 : vector<16xf32>
      %mul3A_1082 = arith.mulf %mul3A_1081, %mul3A_1077 : vector<16xf32>
      %sub3A_1083 = arith.constant 1.500000e+00 : f32
      %sub3A_1084 = vector.broadcast %sub3A_1083 : f32 to vector<16xf32>
      %sub3A_1085 = arith.subf %sub3A_1084, %mul3A_1082 : vector<16xf32>
      %mul3A_1086 = arith.mulf %mul3A_1077, %sub3A_1085 : vector<16xf32>
      %mul3A_1087 = arith.constant 14.2857141 : f32
      %mul3A_1088 = vector.broadcast %mul3A_1087 : f32 to vector<16xf32>
      %mul3A_1089 = arith.mulf %mul3A_1086, %mul3A_1088 : vector<16xf32>
      %parallel_loop3A_1090 = arith.constant 0 : i32
      %parallel_loop3A_1091 = arith.constant 68 : i32
      %parallel_loop3A_1092 = arith.constant 1 : i32
      scf.for %parallel_loop3A_1313 = %parallel_loop3A_1090 to %parallel_loop3A_1091 step %parallel_loop3A_1092  : i32 {
        %parallel_loop3A_1314 = arith.index_cast %parallel_loop3A_1313 : i32 to index
        %parallel_loop3A_1315 = arith.constant 0 : index
        %parallel_loop3A_1316 = tpu.vector_load %arg11[%parallel_loop3A_1314, %parallel_loop3A_1315] {strides = array<i32>} : memref<68x128xf32, #tpu.memory_space<vmem>>, vector<16xf32>,
        %parallel_loop3A_1317 = arith.index_cast %parallel_loop3A_1313 : i32 to index
        %parallel_loop3A_1318 = arith.constant 16 : index
        %parallel_loop3A_1319 = tpu.vector_load %arg11[%parallel_loop3A_1317, %parallel_loop3A_1318] {strides = array<i32>} : memref<68x128xf32, #tpu.memory_space<vmem>>, vector<16xf32>,
        %parallel_loop3A_1320 = arith.index_cast %parallel_loop3A_1313 : i32 to index
        %parallel_loop3A_1321 = arith.constant 32 : index
        %parallel_loop3A_1322 = tpu.vector_load %arg11[%parallel_loop3A_1320, %parallel_loop3A_1321] {strides = array<i32>} : memref<68x128xf32, #tpu.memory_space<vmem>>, vector<16xf32>,
        %parallel_loop3A_1323 = arith.index_cast %parallel_loop3A_1313 : i32 to index
        %parallel_loop3A_1324 = arith.constant 48 : index
        %parallel_loop3A_1325 = tpu.vector_load %arg11[%parallel_loop3A_1323, %parallel_loop3A_1324] {strides = array<i32>} : memref<68x128xf32, #tpu.memory_space<vmem>>, vector<16xf32>,
        %parallel_loop3A_1326 = arith.index_cast %parallel_loop3A_1313 : i32 to index
        %parallel_loop3A_1327 = arith.constant 64 : index
        %parallel_loop3A_1328 = tpu.vector_load %arg11[%parallel_loop3A_1326, %parallel_loop3A_1327] {strides = array<i32>} : memref<68x128xf32, #tpu.memory_space<vmem>>, vector<16xf32>,
        %parallel_loop3A_1329 = arith.index_cast %parallel_loop3A_1313 : i32 to index
        %parallel_loop3A_1330 = arith.constant 80 : index
        %parallel_loop3A_1331 = tpu.vector_load %arg11[%parallel_loop3A_1329, %parallel_loop3A_1330] {strides = array<i32>} : memref<68x128xf32, #tpu.memory_space<vmem>>, vector<16xf32>,
        %parallel_loop3A_1332 = arith.index_cast %parallel_loop3A_1313 : i32 to index
        %parallel_loop3A_1333 = arith.constant 96 : index
        %parallel_loop3A_1334 = tpu.vector_load %arg11[%parallel_loop3A_1332, %parallel_loop3A_1333] {strides = array<i32>} : memref<68x128xf32, #tpu.memory_space<vmem>>, vector<16xf32>,
        %parallel_loop3A_1335 = arith.index_cast %parallel_loop3A_1313 : i32 to index
        %parallel_loop3A_1336 = arith.constant 112 : index
        %parallel_loop3A_1337 = tpu.vector_load %arg11[%parallel_loop3A_1335, %parallel_loop3A_1336] {strides = array<i32>} : memref<68x128xf32, #tpu.memory_space<vmem>>, vector<16xf32>,
        %parallel_loop3A_1338 = arith.mulf %parallel_loop3A_1316, %get3A_1010 : vector<16xf32>
        %parallel_loop3A_1339 = arith.mulf %parallel_loop3A_1319, %get3A_1013 : vector<16xf32>
        %parallel_loop3A_1340 = arith.mulf %parallel_loop3A_1322, %get3A_1016 : vector<16xf32>
        %parallel_loop3A_1341 = arith.mulf %parallel_loop3A_1325, %get3A_1019 : vector<16xf32>
        %parallel_loop3A_1342 = arith.mulf %parallel_loop3A_1328, %get3A_1022 : vector<16xf32>
        %parallel_loop3A_1343 = arith.mulf %parallel_loop3A_1331, %get3A_1025 : vector<16xf32>
        %parallel_loop3A_1344 = arith.mulf %parallel_loop3A_1334, %get3A_1028 : vector<16xf32>
        %parallel_loop3A_1345 = arith.mulf %parallel_loop3A_1337, %get3A_1031 : vector<16xf32>
        %parallel_loop3A_1346 = arith.mulf %parallel_loop3A_1316, %parallel_loop3A_1316 : vector<16xf32>
        %parallel_loop3A_1347 = arith.mulf %parallel_loop3A_1319, %parallel_loop3A_1319 : vector<16xf32>
        %parallel_loop3A_1348 = arith.mulf %parallel_loop3A_1322, %parallel_loop3A_1322 : vector<16xf32>
        %parallel_loop3A_1349 = arith.mulf %parallel_loop3A_1325, %parallel_loop3A_1325 : vector<16xf32>
        %parallel_loop3A_1350 = arith.mulf %parallel_loop3A_1328, %parallel_loop3A_1328 : vector<16xf32>
        %parallel_loop3A_1351 = arith.mulf %parallel_loop3A_1331, %parallel_loop3A_1331 : vector<16xf32>
        %parallel_loop3A_1352 = arith.mulf %parallel_loop3A_1334, %parallel_loop3A_1334 : vector<16xf32>
        %parallel_loop3A_1353 = arith.mulf %parallel_loop3A_1337, %parallel_loop3A_1337 : vector<16xf32>
        %parallel_loop3A_1354 = arith.addf %parallel_loop3A_1338, %parallel_loop3A_1339 : vector<16xf32>
        %parallel_loop3A_1355 = arith.addf %parallel_loop3A_1340, %parallel_loop3A_1341 : vector<16xf32>
        %parallel_loop3A_1356 = arith.addf %parallel_loop3A_1342, %parallel_loop3A_1343 : vector<16xf32>
        %parallel_loop3A_1357 = arith.addf %parallel_loop3A_1344, %parallel_loop3A_1345 : vector<16xf32>
        %parallel_loop3A_1358 = arith.addf %parallel_loop3A_1346, %parallel_loop3A_1347 : vector<16xf32>
        %parallel_loop3A_1359 = arith.addf %parallel_loop3A_1348, %parallel_loop3A_1349 : vector<16xf32>
        %parallel_loop3A_1360 = arith.addf %parallel_loop3A_1350, %parallel_loop3A_1351 : vector<16xf32>
        %parallel_loop3A_1361 = arith.addf %parallel_loop3A_1352, %parallel_loop3A_1353 : vector<16xf32>
        %parallel_loop3A_1362 = arith.addf %parallel_loop3A_1354, %parallel_loop3A_1355 : vector<16xf32>
        %parallel_loop3A_1363 = arith.addf %parallel_loop3A_1356, %parallel_loop3A_1357 : vector<16xf32>
        %parallel_loop3A_1364 = arith.addf %parallel_loop3A_1358, %parallel_loop3A_1359 : vector<16xf32>
        %parallel_loop3A_1365 = arith.addf %parallel_loop3A_1360, %parallel_loop3A_1361 : vector<16xf32>
        %parallel_loop3A_1366 = arith.addf %parallel_loop3A_1362, %parallel_loop3A_1363 : vector<16xf32>
        %parallel_loop3A_1367 = arith.addf %parallel_loop3A_1364, %parallel_loop3A_1365 : vector<16xf32>
        %parallel_loop3A_1368 = vector.broadcast %parallel_loop3A_1313 : i32 to vector<16xi32>
        %parallel_loop3A_1369 = arith.constant true
        %parallel_loop3A_1370 = vector.broadcast %parallel_loop3A_1369 : i1 to vector<16xi1>
        %parallel_loop3A_1371 = tpu.scan <sum>, %parallel_loop3A_1366 masked %parallel_loop3A_1370 : vector<16xf32>, vector<16xi1> -> vector<16xf32>
        tpu.vector_store_idx %arg12[%parallel_loop3A_1368], %parallel_loop3A_1371 masked %eq3A_8 : memref<80xf32, #tpu.memory_space<vmem>>[vector<16xi32>], vector<16xf32>, vector<16xi1>
        %parallel_loop3A_1372 = arith.constant true
        %parallel_loop3A_1373 = vector.broadcast %parallel_loop3A_1372 : i1 to vector<16xi1>
        %parallel_loop3A_1374 = tpu.scan <sum>, %parallel_loop3A_1367 masked %parallel_loop3A_1373 : vector<16xf32>, vector<16xi1> -> vector<16xf32>
        tpu.vector_store_idx %arg13[%parallel_loop3A_1368], %parallel_loop3A_1374 masked %eq3A_8 : memref<80xf32, #tpu.memory_space<vmem>>[vector<16xi32>], vector<16xf32>, vector<16xi1>
      } {sc.loop_unroll_factor = 4 : i64, sc.parallel_access}
      %get3A_1093 = arith.constant 0 : index
      %get3A_1094 = tpu.vector_load %arg12[%get3A_1093] {strides = array<i32>} : memref<80xf32, #tpu.memory_space<vmem>>, vector<16xf32>,
      %get3A_1095 = arith.constant 0 : index
      %get3A_1096 = tpu.vector_load %arg13[%get3A_1095] {strides = array<i32>} : memref<80xf32, #tpu.memory_space<vmem>>, vector<16xf32>,
      %bitcast3A_1097 = vector.bitcast %get3A_1096 : vector<16xf32> to vector<16xi32>
      %shift_right_arithmetic3A_1098 = arith.constant 1 : i32
      %shift_right_arithmetic3A_1099 = vector.broadcast %shift_right_arithmetic3A_1098 : i32 to vector<16xi32>
      %shift_right_arithmetic3A_1100 = arith.shrsi %bitcast3A_1097, %shift_right_arithmetic3A_1099 : vector<16xi32>
      %sub3A_1101 = arith.constant 1597463007 : i32
      %sub3A_1102 = vector.broadcast %sub3A_1101 : i32 to vector<16xi32>
      %sub3A_1103 = arith.subi %sub3A_1102, %shift_right_arithmetic3A_1100 : vector<16xi32>
      %bitcast3A_1104 = vector.bitcast %sub3A_1103 : vector<16xi32> to vector<16xf32>
      %mul3A_1105 = arith.constant 5.000000e-01 : f32
      %mul3A_1106 = vector.broadcast %mul3A_1105 : f32 to vector<16xf32>
      %mul3A_1107 = arith.mulf %mul3A_1106, %get3A_1096 : vector<16xf32>
      %mul3A_1108 = arith.mulf %mul3A_1107, %bitcast3A_1104 : vector<16xf32>
      %mul3A_1109 = arith.mulf %mul3A_1108, %bitcast3A_1104 : vector<16xf32>
      %sub3A_1110 = arith.constant 1.500000e+00 : f32
      %sub3A_1111 = vector.broadcast %sub3A_1110 : f32 to vector<16xf32>
      %sub3A_1112 = arith.subf %sub3A_1111, %mul3A_1109 : vector<16xf32>
      %mul3A_1113 = arith.mulf %bitcast3A_1104, %sub3A_1112 : vector<16xf32>
      %mul3A_1114 = arith.constant 5.000000e-01 : f32
      %mul3A_1115 = vector.broadcast %mul3A_1114 : f32 to vector<16xf32>
      %mul3A_1116 = arith.mulf %mul3A_1115, %get3A_1096 : vector<16xf32>
      %mul3A_1117 = arith.mulf %mul3A_1116, %mul3A_1113 : vector<16xf32>
      %mul3A_1118 = arith.mulf %mul3A_1117, %mul3A_1113 : vector<16xf32>
      %sub3A_1119 = arith.constant 1.500000e+00 : f32
      %sub3A_1120 = vector.broadcast %sub3A_1119 : f32 to vector<16xf32>
      %sub3A_1121 = arith.subf %sub3A_1120, %mul3A_1118 : vector<16xf32>
      %mul3A_1122 = arith.mulf %mul3A_1113, %sub3A_1121 : vector<16xf32>
      %mul3A_1123 = arith.constant 5.000000e-01 : f32
      %mul3A_1124 = vector.broadcast %mul3A_1123 : f32 to vector<16xf32>
      %mul3A_1125 = arith.mulf %mul3A_1124, %get3A_1096 : vector<16xf32>
      %mul3A_1126 = arith.mulf %mul3A_1125, %mul3A_1122 : vector<16xf32>
      %mul3A_1127 = arith.mulf %mul3A_1126, %mul3A_1122 : vector<16xf32>
      %sub3A_1128 = arith.constant 1.500000e+00 : f32
      %sub3A_1129 = vector.broadcast %sub3A_1128 : f32 to vector<16xf32>
      %sub3A_1130 = arith.subf %sub3A_1129, %mul3A_1127 : vector<16xf32>
      %mul3A_1131 = arith.mulf %mul3A_1122, %sub3A_1130 : vector<16xf32>
      %mul3A_1132 = arith.mulf %get3A_1094, %mul3A_1131 : vector<16xf32>
      %mul3A_1133 = arith.mulf %mul3A_1132, %mul3A_1089 : vector<16xf32>
      %swap3A_1134 = arith.index_cast %add3A_994 : i32 to index
      %swap3A_1135 = arith.constant 0 : index
      %swap3A_1136 = tpu.vector_load %arg14[%swap3A_1134, %swap3A_1135] {strides = array<i32>} : memref<32x80xf32, #tpu.memory_space<vmem>>, vector<16xf32>,
      tpu.vector_store %arg14[%swap3A_1134, %swap3A_1135], %mul3A_1133 {strides = array<i32>} : memref<32x80xf32, #tpu.memory_space<vmem>>, vector<16xf32>,
      %get3A_1137 = arith.constant 16 : index
      %get3A_1138 = tpu.vector_load %arg12[%get3A_1137] {strides = array<i32>} : memref<80xf32, #tpu.memory_space<vmem>>, vector<16xf32>,
      %get3A_1139 = arith.constant 16 : index
      %get3A_1140 = tpu.vector_load %arg13[%get3A_1139] {strides = array<i32>} : memref<80xf32, #tpu.memory_space<vmem>>, vector<16xf32>,
      %bitcast3A_1141 = vector.bitcast %get3A_1140 : vector<16xf32> to vector<16xi32>
      %shift_right_arithmetic3A_1142 = arith.constant 1 : i32
      %shift_right_arithmetic3A_1143 = vector.broadcast %shift_right_arithmetic3A_1142 : i32 to vector<16xi32>
      %shift_right_arithmetic3A_1144 = arith.shrsi %bitcast3A_1141, %shift_right_arithmetic3A_1143 : vector<16xi32>
      %sub3A_1145 = arith.constant 1597463007 : i32
      %sub3A_1146 = vector.broadcast %sub3A_1145 : i32 to vector<16xi32>
      %sub3A_1147 = arith.subi %sub3A_1146, %shift_right_arithmetic3A_1144 : vector<16xi32>
      %bitcast3A_1148 = vector.bitcast %sub3A_1147 : vector<16xi32> to vector<16xf32>
      %mul3A_1149 = arith.constant 5.000000e-01 : f32
      %mul3A_1150 = vector.broadcast %mul3A_1149 : f32 to vector<16xf32>
      %mul3A_1151 = arith.mulf %mul3A_1150, %get3A_1140 : vector<16xf32>
      %mul3A_1152 = arith.mulf %mul3A_1151, %bitcast3A_1148 : vector<16xf32>
      %mul3A_1153 = arith.mulf %mul3A_1152, %bitcast3A_1148 : vector<16xf32>
      %sub3A_1154 = arith.constant 1.500000e+00 : f32
      %sub3A_1155 = vector.broadcast %sub3A_1154 : f32 to vector<16xf32>
      %sub3A_1156 = arith.subf %sub3A_1155, %mul3A_1153 : vector<16xf32>
      %mul3A_1157 = arith.mulf %bitcast3A_1148, %sub3A_1156 : vector<16xf32>
      %mul3A_1158 = arith.constant 5.000000e-01 : f32
      %mul3A_1159 = vector.broadcast %mul3A_1158 : f32 to vector<16xf32>
      %mul3A_1160 = arith.mulf %mul3A_1159, %get3A_1140 : vector<16xf32>
      %mul3A_1161 = arith.mulf %mul3A_1160, %mul3A_1157 : vector<16xf32>
      %mul3A_1162 = arith.mulf %mul3A_1161, %mul3A_1157 : vector<16xf32>
      %sub3A_1163 = arith.constant 1.500000e+00 : f32
      %sub3A_1164 = vector.broadcast %sub3A_1163 : f32 to vector<16xf32>
      %sub3A_1165 = arith.subf %sub3A_1164, %mul3A_1162 : vector<16xf32>
      %mul3A_1166 = arith.mulf %mul3A_1157, %sub3A_1165 : vector<16xf32>
      %mul3A_1167 = arith.constant 5.000000e-01 : f32
      %mul3A_1168 = vector.broadcast %mul3A_1167 : f32 to vector<16xf32>
      %mul3A_1169 = arith.mulf %mul3A_1168, %get3A_1140 : vector<16xf32>
      %mul3A_1170 = arith.mulf %mul3A_1169, %mul3A_1166 : vector<16xf32>
      %mul3A_1171 = arith.mulf %mul3A_1170, %mul3A_1166 : vector<16xf32>
      %sub3A_1172 = arith.constant 1.500000e+00 : f32
      %sub3A_1173 = vector.broadcast %sub3A_1172 : f32 to vector<16xf32>
      %sub3A_1174 = arith.subf %sub3A_1173, %mul3A_1171 : vector<16xf32>
      %mul3A_1175 = arith.mulf %mul3A_1166, %sub3A_1174 : vector<16xf32>
      %mul3A_1176 = arith.mulf %get3A_1138, %mul3A_1175 : vector<16xf32>
      %mul3A_1177 = arith.mulf %mul3A_1176, %mul3A_1089 : vector<16xf32>
      %swap3A_1178 = arith.index_cast %add3A_994 : i32 to index
      %swap3A_1179 = arith.constant 16 : index
      %swap3A_1180 = tpu.vector_load %arg14[%swap3A_1178, %swap3A_1179] {strides = array<i32>} : memref<32x80xf32, #tpu.memory_space<vmem>>, vector<16xf32>,
      tpu.vector_store %arg14[%swap3A_1178, %swap3A_1179], %mul3A_1177 {strides = array<i32>} : memref<32x80xf32, #tpu.memory_space<vmem>>, vector<16xf32>,
      %get3A_1181 = arith.constant 32 : index
      %get3A_1182 = tpu.vector_load %arg12[%get3A_1181] {strides = array<i32>} : memref<80xf32, #tpu.memory_space<vmem>>, vector<16xf32>,
      %get3A_1183 = arith.constant 32 : index
      %get3A_1184 = tpu.vector_load %arg13[%get3A_1183] {strides = array<i32>} : memref<80xf32, #tpu.memory_space<vmem>>, vector<16xf32>,
      %bitcast3A_1185 = vector.bitcast %get3A_1184 : vector<16xf32> to vector<16xi32>
      %shift_right_arithmetic3A_1186 = arith.constant 1 : i32
      %shift_right_arithmetic3A_1187 = vector.broadcast %shift_right_arithmetic3A_1186 : i32 to vector<16xi32>
      %shift_right_arithmetic3A_1188 = arith.shrsi %bitcast3A_1185, %shift_right_arithmetic3A_1187 : vector<16xi32>
      %sub3A_1189 = arith.constant 1597463007 : i32
      %sub3A_1190 = vector.broadcast %sub3A_1189 : i32 to vector<16xi32>
      %sub3A_1191 = arith.subi %sub3A_1190, %shift_right_arithmetic3A_1188 : vector<16xi32>
      %bitcast3A_1192 = vector.bitcast %sub3A_1191 : vector<16xi32> to vector<16xf32>
      %mul3A_1193 = arith.constant 5.000000e-01 : f32
      %mul3A_1194 = vector.broadcast %mul3A_1193 : f32 to vector<16xf32>
      %mul3A_1195 = arith.mulf %mul3A_1194, %get3A_1184 : vector<16xf32>
      %mul3A_1196 = arith.mulf %mul3A_1195, %bitcast3A_1192 : vector<16xf32>
      %mul3A_1197 = arith.mulf %mul3A_1196, %bitcast3A_1192 : vector<16xf32>
      %sub3A_1198 = arith.constant 1.500000e+00 : f32
      %sub3A_1199 = vector.broadcast %sub3A_1198 : f32 to vector<16xf32>
      %sub3A_1200 = arith.subf %sub3A_1199, %mul3A_1197 : vector<16xf32>
      %mul3A_1201 = arith.mulf %bitcast3A_1192, %sub3A_1200 : vector<16xf32>
      %mul3A_1202 = arith.constant 5.000000e-01 : f32
      %mul3A_1203 = vector.broadcast %mul3A_1202 : f32 to vector<16xf32>
      %mul3A_1204 = arith.mulf %mul3A_1203, %get3A_1184 : vector<16xf32>
      %mul3A_1205 = arith.mulf %mul3A_1204, %mul3A_1201 : vector<16xf32>
      %mul3A_1206 = arith.mulf %mul3A_1205, %mul3A_1201 : vector<16xf32>
      %sub3A_1207 = arith.constant 1.500000e+00 : f32
      %sub3A_1208 = vector.broadcast %sub3A_1207 : f32 to vector<16xf32>
      %sub3A_1209 = arith.subf %sub3A_1208, %mul3A_1206 : vector<16xf32>
      %mul3A_1210 = arith.mulf %mul3A_1201, %sub3A_1209 : vector<16xf32>
      %mul3A_1211 = arith.constant 5.000000e-01 : f32
      %mul3A_1212 = vector.broadcast %mul3A_1211 : f32 to vector<16xf32>
      %mul3A_1213 = arith.mulf %mul3A_1212, %get3A_1184 : vector<16xf32>
      %mul3A_1214 = arith.mulf %mul3A_1213, %mul3A_1210 : vector<16xf32>
      %mul3A_1215 = arith.mulf %mul3A_1214, %mul3A_1210 : vector<16xf32>
      %sub3A_1216 = arith.constant 1.500000e+00 : f32
      %sub3A_1217 = vector.broadcast %sub3A_1216 : f32 to vector<16xf32>
      %sub3A_1218 = arith.subf %sub3A_1217, %mul3A_1215 : vector<16xf32>
      %mul3A_1219 = arith.mulf %mul3A_1210, %sub3A_1218 : vector<16xf32>
      %mul3A_1220 = arith.mulf %get3A_1182, %mul3A_1219 : vector<16xf32>
      %mul3A_1221 = arith.mulf %mul3A_1220, %mul3A_1089 : vector<16xf32>
      %swap3A_1222 = arith.index_cast %add3A_994 : i32 to index
      %swap3A_1223 = arith.constant 32 : index
      %swap3A_1224 = tpu.vector_load %arg14[%swap3A_1222, %swap3A_1223] {strides = array<i32>} : memref<32x80xf32, #tpu.memory_space<vmem>>, vector<16xf32>,
      tpu.vector_store %arg14[%swap3A_1222, %swap3A_1223], %mul3A_1221 {strides = array<i32>} : memref<32x80xf32, #tpu.memory_space<vmem>>, vector<16xf32>,
      %get3A_1225 = arith.constant 48 : index
      %get3A_1226 = tpu.vector_load %arg12[%get3A_1225] {strides = array<i32>} : memref<80xf32, #tpu.memory_space<vmem>>, vector<16xf32>,
      %get3A_1227 = arith.constant 48 : index
      %get3A_1228 = tpu.vector_load %arg13[%get3A_1227] {strides = array<i32>} : memref<80xf32, #tpu.memory_space<vmem>>, vector<16xf32>,
      %bitcast3A_1229 = vector.bitcast %get3A_1228 : vector<16xf32> to vector<16xi32>
      %shift_right_arithmetic3A_1230 = arith.constant 1 : i32
      %shift_right_arithmetic3A_1231 = vector.broadcast %shift_right_arithmetic3A_1230 : i32 to vector<16xi32>
      %shift_right_arithmetic3A_1232 = arith.shrsi %bitcast3A_1229, %shift_right_arithmetic3A_1231 : vector<16xi32>
      %sub3A_1233 = arith.constant 1597463007 : i32
      %sub3A_1234 = vector.broadcast %sub3A_1233 : i32 to vector<16xi32>
      %sub3A_1235 = arith.subi %sub3A_1234, %shift_right_arithmetic3A_1232 : vector<16xi32>
      %bitcast3A_1236 = vector.bitcast %sub3A_1235 : vector<16xi32> to vector<16xf32>
      %mul3A_1237 = arith.constant 5.000000e-01 : f32
      %mul3A_1238 = vector.broadcast %mul3A_1237 : f32 to vector<16xf32>
      %mul3A_1239 = arith.mulf %mul3A_1238, %get3A_1228 : vector<16xf32>
      %mul3A_1240 = arith.mulf %mul3A_1239, %bitcast3A_1236 : vector<16xf32>
      %mul3A_1241 = arith.mulf %mul3A_1240, %bitcast3A_1236 : vector<16xf32>
      %sub3A_1242 = arith.constant 1.500000e+00 : f32
      %sub3A_1243 = vector.broadcast %sub3A_1242 : f32 to vector<16xf32>
      %sub3A_1244 = arith.subf %sub3A_1243, %mul3A_1241 : vector<16xf32>
      %mul3A_1245 = arith.mulf %bitcast3A_1236, %sub3A_1244 : vector<16xf32>
      %mul3A_1246 = arith.constant 5.000000e-01 : f32
      %mul3A_1247 = vector.broadcast %mul3A_1246 : f32 to vector<16xf32>
      %mul3A_1248 = arith.mulf %mul3A_1247, %get3A_1228 : vector<16xf32>
      %mul3A_1249 = arith.mulf %mul3A_1248, %mul3A_1245 : vector<16xf32>
      %mul3A_1250 = arith.mulf %mul3A_1249, %mul3A_1245 : vector<16xf32>
      %sub3A_1251 = arith.constant 1.500000e+00 : f32
      %sub3A_1252 = vector.broadcast %sub3A_1251 : f32 to vector<16xf32>
      %sub3A_1253 = arith.subf %sub3A_1252, %mul3A_1250 : vector<16xf32>
      %mul3A_1254 = arith.mulf %mul3A_1245, %sub3A_1253 : vector<16xf32>
      %mul3A_1255 = arith.constant 5.000000e-01 : f32
      %mul3A_1256 = vector.broadcast %mul3A_1255 : f32 to vector<16xf32>
      %mul3A_1257 = arith.mulf %mul3A_1256, %get3A_1228 : vector<16xf32>
      %mul3A_1258 = arith.mulf %mul3A_1257, %mul3A_1254 : vector<16xf32>
      %mul3A_1259 = arith.mulf %mul3A_1258, %mul3A_1254 : vector<16xf32>
      %sub3A_1260 = arith.constant 1.500000e+00 : f32
      %sub3A_1261 = vector.broadcast %sub3A_1260 : f32 to vector<16xf32>
      %sub3A_1262 = arith.subf %sub3A_1261, %mul3A_1259 : vector<16xf32>
      %mul3A_1263 = arith.mulf %mul3A_1254, %sub3A_1262 : vector<16xf32>
      %mul3A_1264 = arith.mulf %get3A_1226, %mul3A_1263 : vector<16xf32>
      %mul3A_1265 = arith.mulf %mul3A_1264, %mul3A_1089 : vector<16xf32>
      %swap3A_1266 = arith.index_cast %add3A_994 : i32 to index
      %swap3A_1267 = arith.constant 48 : index
      %swap3A_1268 = tpu.vector_load %arg14[%swap3A_1266, %swap3A_1267] {strides = array<i32>} : memref<32x80xf32, #tpu.memory_space<vmem>>, vector<16xf32>,
      tpu.vector_store %arg14[%swap3A_1266, %swap3A_1267], %mul3A_1265 {strides = array<i32>} : memref<32x80xf32, #tpu.memory_space<vmem>>, vector<16xf32>,
      %get3A_1269 = arith.constant 64 : index
      %get3A_1270 = tpu.vector_load %arg12[%get3A_1269] {strides = array<i32>} : memref<80xf32, #tpu.memory_space<vmem>>, vector<16xf32>,
      %get3A_1271 = arith.constant 64 : index
      %get3A_1272 = tpu.vector_load %arg13[%get3A_1271] {strides = array<i32>} : memref<80xf32, #tpu.memory_space<vmem>>, vector<16xf32>,
      %bitcast3A_1273 = vector.bitcast %get3A_1272 : vector<16xf32> to vector<16xi32>
      %shift_right_arithmetic3A_1274 = arith.constant 1 : i32
      %shift_right_arithmetic3A_1275 = vector.broadcast %shift_right_arithmetic3A_1274 : i32 to vector<16xi32>
      %shift_right_arithmetic3A_1276 = arith.shrsi %bitcast3A_1273, %shift_right_arithmetic3A_1275 : vector<16xi32>
      %sub3A_1277 = arith.constant 1597463007 : i32
      %sub3A_1278 = vector.broadcast %sub3A_1277 : i32 to vector<16xi32>
      %sub3A_1279 = arith.subi %sub3A_1278, %shift_right_arithmetic3A_1276 : vector<16xi32>
      %bitcast3A_1280 = vector.bitcast %sub3A_1279 : vector<16xi32> to vector<16xf32>
      %mul3A_1281 = arith.constant 5.000000e-01 : f32
      %mul3A_1282 = vector.broadcast %mul3A_1281 : f32 to vector<16xf32>
      %mul3A_1283 = arith.mulf %mul3A_1282, %get3A_1272 : vector<16xf32>
      %mul3A_1284 = arith.mulf %mul3A_1283, %bitcast3A_1280 : vector<16xf32>
      %mul3A_1285 = arith.mulf %mul3A_1284, %bitcast3A_1280 : vector<16xf32>
      %sub3A_1286 = arith.constant 1.500000e+00 : f32
      %sub3A_1287 = vector.broadcast %sub3A_1286 : f32 to vector<16xf32>
      %sub3A_1288 = arith.subf %sub3A_1287, %mul3A_1285 : vector<16xf32>
      %mul3A_1289 = arith.mulf %bitcast3A_1280, %sub3A_1288 : vector<16xf32>
      %mul3A_1290 = arith.constant 5.000000e-01 : f32
      %mul3A_1291 = vector.broadcast %mul3A_1290 : f32 to vector<16xf32>
      %mul3A_1292 = arith.mulf %mul3A_1291, %get3A_1272 : vector<16xf32>
      %mul3A_1293 = arith.mulf %mul3A_1292, %mul3A_1289 : vector<16xf32>
      %mul3A_1294 = arith.mulf %mul3A_1293, %mul3A_1289 : vector<16xf32>
      %sub3A_1295 = arith.constant 1.500000e+00 : f32
      %sub3A_1296 = vector.broadcast %sub3A_1295 : f32 to vector<16xf32>
      %sub3A_1297 = arith.subf %sub3A_1296, %mul3A_1294 : vector<16xf32>
      %mul3A_1298 = arith.mulf %mul3A_1289, %sub3A_1297 : vector<16xf32>
      %mul3A_1299 = arith.constant 5.000000e-01 : f32
      %mul3A_1300 = vector.broadcast %mul3A_1299 : f32 to vector<16xf32>
      %mul3A_1301 = arith.mulf %mul3A_1300, %get3A_1272 : vector<16xf32>
      %mul3A_1302 = arith.mulf %mul3A_1301, %mul3A_1298 : vector<16xf32>
      %mul3A_1303 = arith.mulf %mul3A_1302, %mul3A_1298 : vector<16xf32>
      %sub3A_1304 = arith.constant 1.500000e+00 : f32
      %sub3A_1305 = vector.broadcast %sub3A_1304 : f32 to vector<16xf32>
      %sub3A_1306 = arith.subf %sub3A_1305, %mul3A_1303 : vector<16xf32>
      %mul3A_1307 = arith.mulf %mul3A_1298, %sub3A_1306 : vector<16xf32>
      %mul3A_1308 = arith.mulf %get3A_1270, %mul3A_1307 : vector<16xf32>
      %mul3A_1309 = arith.mulf %mul3A_1308, %mul3A_1089 : vector<16xf32>
      %swap3A_1310 = arith.index_cast %add3A_994 : i32 to index
      %swap3A_1311 = arith.constant 64 : index
      %swap3A_1312 = tpu.vector_load %arg14[%swap3A_1310, %swap3A_1311] {strides = array<i32>} : memref<32x80xf32, #tpu.memory_space<vmem>>, vector<16xf32>,
      tpu.vector_store %arg14[%swap3A_1310, %swap3A_1311], %mul3A_1309 {strides = array<i32>} : memref<32x80xf32, #tpu.memory_space<vmem>>, vector<16xf32>,
    }
    %scan3A_33 = arith.constant 8 : i32
    "tpu.region"() ({
      %run_scoped3A = tpu.sem_alloc : memref<!tpu.dma_semaphore, #tpu.memory_space<semaphore_mem>>
      %dma_start3A_34 = arith.constant 0 : i32
      %dma_start3A_35 = tpu.memref_slice %arg5[%mul3A_2, %dma_start3A_34] : memref<1024x80xf32, #tpu.memory_space<hbm>> -> memref<32x80xf32, #tpu.memory_space<hbm>>
      %dma_start3A_36 = arith.constant 0 : i32
      %dma_start3A_37 = tpu.memref_slice %arg5[%mul3A_2, %dma_start3A_36] : memref<1024x80xf32, #tpu.memory_space<hbm>> -> memref<32x80xf32, #tpu.memory_space<hbm>>
      tpu.enqueue_dma source(%arg14 : memref<32x80xf32, #tpu.memory_space<vmem>>) target(%dma_start3A_37 : memref<32x80xf32, #tpu.memory_space<hbm>>) target_semaphore(%run_scoped3A : memref<!tpu.dma_semaphore, #tpu.memory_space<semaphore_mem>>)
      %dma_wait3A = arith.constant 0 : i32
      %dma_wait3A_38 = tpu.memref_slice %arg5[%mul3A_2, %dma_wait3A] : memref<1024x80xf32, #tpu.memory_space<hbm>> -> memref<32x80xf32, #tpu.memory_space<hbm>>
      %dma_wait3A_39 = arith.constant 0 : i32
      %dma_wait3A_40 = tpu.memref_slice %arg5[%mul3A_2, %dma_wait3A_39] : memref<1024x80xf32, #tpu.memory_space<hbm>> -> memref<32x80xf32, #tpu.memory_space<hbm>>
      tpu.wait_dma2 semaphore(%run_scoped3A : memref<!tpu.dma_semaphore, #tpu.memory_space<semaphore_mem>>) src(%arg14 : memref<32x80xf32, #tpu.memory_space<vmem>>) dst(%dma_wait3A_40 : memref<32x80xf32, #tpu.memory_space<hbm>>)
      tpu.yield
    }) : () -> ()
    return
  }
}

module attributes {stable_mosaic.version = 14 : i64} {
  func.func @_tc_loss_body(%arg0: memref<1024x80xf32, #tpu.memory_space<vmem>>, %arg1: memref<1x1xf32, #tpu.memory_space<smem>>) attributes {dimension_semantics = [], scalar_prefetch = 0 : i64, scratch_operands = 0 : i64, tpu.core_type = #tpu.core_type<tc>} {
    %get3A = arith.constant 0 : index
    %get3A_0 = arith.constant 0 : index
    %get3A_1 = vector.load %arg0[%get3A, %get3A_0] : memref<1024x80xf32, #tpu.memory_space<vmem>>, vector<1024x80xf32>
    %iota3A = tpu.iota {dimensions = array<i32: 1>} : vector<1024x80xi32>
    %lt3A = arith.constant 64 : i32
    %lt3A_2 = vector.broadcast %lt3A : i32 to vector<1024x80xi32>
    %lt3A_3 = arith.cmpi slt, %iota3A, %lt3A_2 : vector<1024x80xi32>
    %ge3A = arith.constant 64 : i32
    %ge3A_4 = vector.broadcast %ge3A : i32 to vector<1024x80xi32>
    %ge3A_5 = arith.cmpi sge, %iota3A, %ge3A_4 : vector<1024x80xi32>
    %lt3A_6 = arith.constant 68 : i32
    %lt3A_7 = vector.broadcast %lt3A_6 : i32 to vector<1024x80xi32>
    %lt3A_8 = arith.cmpi slt, %iota3A, %lt3A_7 : vector<1024x80xi32>
    %and3A = arith.andi %ge3A_5, %lt3A_8 : vector<1024x80xi1>
    %jit3A = arith.constant -3.000000e+38 : f32
    %broadcast_in_dim3A = vector.broadcast %jit3A : f32 to vector<1024x80xf32>
    %select_n3A = arith.select %lt3A_3, %get3A_1, %broadcast_in_dim3A : vector<1024x80xi1>, vector<1024x80xf32>
    %reduce_max3A = arith.constant dense<0xFF800000> : vector<1024xf32>
    %reduce_max3A_9 = vector.multi_reduction <maximumf>, %select_n3A, %reduce_max3A [1] : vector<1024x80xf32> to vector<1024xf32>
    %broadcast_in_dim3A_10 = vector.shape_cast %reduce_max3A_9 : vector<1024xf32> to vector<1024x1xf32>
    %sub3A = vector.broadcast %broadcast_in_dim3A_10 : vector<1024x1xf32> to vector<1024x80xf32>
    %sub3A_11 = arith.subf %get3A_1, %sub3A : vector<1024x80xf32>
    %exp3A = math.exp %sub3A_11 : vector<1024x80xf32>
    %jit3A_12 = arith.constant 0.000000e+00 : f32
    %broadcast_in_dim3A_13 = vector.broadcast %jit3A_12 : f32 to vector<1024x80xf32>
    %select_n3A_14 = arith.select %lt3A_3, %exp3A, %broadcast_in_dim3A_13 : vector<1024x80xi1>, vector<1024x80xf32>
    %reduce_sum3A = arith.constant dense<0.000000e+00> : vector<1024xf32>
    %reduce_sum3A_15 = vector.multi_reduction <add>, %select_n3A_14, %reduce_sum3A [1] : vector<1024x80xf32> to vector<1024xf32>
    %broadcast_in_dim3A_16 = vector.shape_cast %reduce_sum3A_15 : vector<1024xf32> to vector<1024x1xf32>
    %max3A = vector.broadcast %broadcast_in_dim3A_10 : vector<1024x1xf32> to vector<1024x80xf32>
    %max3A_17 = arith.maximumf %max3A, %get3A_1 : vector<1024x80xf32>
    %sub3A_18 = arith.subf %get3A_1, %max3A_17 : vector<1024x80xf32>
    %exp3A_19 = math.exp %sub3A_18 : vector<1024x80xf32>
    %sub3A_20 = vector.broadcast %broadcast_in_dim3A_10 : vector<1024x1xf32> to vector<1024x80xf32>
    %sub3A_21 = arith.subf %sub3A_20, %max3A_17 : vector<1024x80xf32>
    %exp3A_22 = math.exp %sub3A_21 : vector<1024x80xf32>
    %mul3A = vector.broadcast %broadcast_in_dim3A_16 : vector<1024x1xf32> to vector<1024x80xf32>
    %mul3A_23 = arith.mulf %mul3A, %exp3A_22 : vector<1024x80xf32>
    %add3A = arith.addf %exp3A_19, %mul3A_23 : vector<1024x80xf32>
    %log3A = math.log %add3A : vector<1024x80xf32>
    %add3A_24 = arith.addf %max3A_17, %log3A : vector<1024x80xf32>
    %sub3A_25 = arith.subf %add3A_24, %get3A_1 : vector<1024x80xf32>
    %jit3A_26 = arith.constant 0.000000e+00 : f32
    %broadcast_in_dim3A_27 = vector.broadcast %jit3A_26 : f32 to vector<1024x80xf32>
    %select_n3A_28 = arith.select %and3A, %sub3A_25, %broadcast_in_dim3A_27 : vector<1024x80xi1>, vector<1024x80xf32>
    %reduce_sum3A_29 = vector.shape_cast %select_n3A_28 : vector<1024x80xf32> to vector<1x1024x80xf32>
    %reduce_sum3A_30 = arith.constant dense<0.000000e+00> : vector<1xf32>
    %reduce_sum3A_31 = vector.multi_reduction <add>, %reduce_sum3A_29, %reduce_sum3A_30 [1, 2] : vector<1x1024x80xf32> to vector<1xf32>
    %reduce_sum3A_32 = vector.shape_cast %reduce_sum3A_31 : vector<1xf32> to vector<1x1x1xf32>
    %reduce_sum3A_33 = vector.extract %reduce_sum3A_32[0, 0, 0] : f32 from vector<1x1x1xf32>
    %div3A = arith.constant 4.096000e+03 : f32
    %div3A_34 = arith.divf %reduce_sum3A_33, %div3A : f32
    %swap3A = arith.constant 0 : index
    %swap3A_35 = arith.constant 0 : index
    %swap3A_36 = memref.load %arg1[%swap3A, %swap3A_35] : memref<1x1xf32, #tpu.memory_space<smem>>
    memref.store %div3A_34, %arg1[%swap3A, %swap3A_35] : memref<1x1xf32, #tpu.memory_space<smem>>
    return
  }
}

</mosaic_0001>

<sc_bundles>
// kernel: kernel.4.cloned.1.call-start
scs
__scs_entry_jumppad:
0x0: {  	(pc) =	sbr.rel $0x88, $3  }
0x1: {  	(tag) =	ssettag $0x0;
	lr =	simm.s32 $0x1  }
0x2: {  	[smem:$0x3F9D] =	sst lr;
	_ =	strace $0xD0000000  }
0x3: {  	_ = 	snop  }
0x4: {  	_ = 	snop  }
0x5: {  	_ = 	snop  }
0x6: {  	_ = 	snop  }
0x7: {  	_ = 	snop  }
__scs_overlays_trampoline_lowered:
0x8: {  	[smem:$0x3FAC] =	sst s0  }
0x9: {  	[smem:$0x3FAD] =	sst s1  }
0xa: {  	[smem:$0x3FAE] =	sst s2  }
0xb: {  	[smem:$0x3FAF] =	sst s3  }
0xc: {  	[smem:$0x3FB0] =	sst s4  }
0xd: {  	[smem:$0x3FB1] =	sst s5  }
0xe: {  	[smem:$0x3FB2] =	sst s6  }
0xf: {  	[smem:$0x3FB3] =	sst s7  }
0x10: {  	[smem:$0x3FB4] =	sst s8  }
0x11: {  	[smem:$0x3FB5] =	sst s9;
	s0 =	simm.s32 @!p0 $0x0  }
0x12: {  	s1 =	sld [smem:$0x3F9B];
	s0 =	simm.s32 @p0 $0x1  }
0x13: {  	[smem:$0x3FB6] =	sst s0;
	s0 =	simm.s32 @!p1 $0x0  }
0x14: {  	s2 =	sld [smem:$0x3F9A];
	s0 =	simm.s32 @p1 $0x1  }
0x15: {  	[smem:$0x3FB7] =	sst s0;
	s0 =	simm.s32 @!p2 $0x0  }
0x16: {  	s3 =	sld [smem:$0x3FDB];
	s0 =	simm.s32 @p2 $0x1  }
0x17: {  	s4 =	simm.s32 $0x1BF5;
	[smem:$0x3FB9] =	sst s0  }
0x18: {  	s0 =	sld [smem:$0x3F9C];
	_ =	swait.ge [sflag:s4], $0x0  }
0x19: {  	s7 =	sld [smem:$0x3F9D]  }
0x1a: {  	s8 =	sadd.s32 $0xFFFFE003, lr  }
0x1b: {  	s9 =	sadd.s32 $0xFFFFFEF7, lr;
	s5 =	simm.s32 $0xFFFFFFFF;
	p2 =	slt.u32 s8, $0xFFFFF086  }
0x1c: {  	p1 =	slt.u32 s9, $0xF7A;
	s5 =	simm.s32 @!p2 $0x0  }
0x1d: {  	s5 =	simm.s32 @p1 $0x1;
	p0 =	seq.s32 s7, s2  }
0x1e: {  	s7 =	smul.u32 @!p0 $0xF7A, s2;
	p2 =	seq.s32 @!p0 s5, $0x0  }
0x1f: {  	s9 =	smul.u32 $0xF7A, s1;
	s8 =	simm.s32 @!p0 $0x1BF5;
	p2 =	por !p2, p0  }
0x20: {  	[sflag:s8] =	ssyncset.s32 @!p0 $0xFFFFF086;
	s6 =	sadd.s32 @!p0 s3, s7;
	s7 =	simm.s32 @!p0 $0x108  }
0x21: {  	s3 =	sadd.s32 s3, s9;
	s6 =	sadd.s32 @!p0 $0x88, s6;
	s7 =	simm.s32 @p2 $0x1082  }
0x22: {  	[simem:s7], [sflag:s8] =	dma.local @!p0 [hbm:s6], $0xF7A  }
0x23: {  	s9 =	sor.u32 $0xD0000000, s2;
	s6 =	simm.s32 $0x108;
	_ =	swait.ge @!p0 [sflag:s8], $0x0  }
0x24: {  	s3 =	sadd.s32 $0x88, s3;
	s6 =	simm.s32 @!p1 $0x1082;
	[sflag:s4] =	ssyncset.s32 $0xFFFFF086  }
0x25: {  	[simem:s6], [sflag:s4] =	dma.local [hbm:s3], $0xF7A  }
0x26: {  	[smem:$0x3F9D] =	sst s1;
	(tag) =	ssettag s2;
	_ =	strace s9  }
0x27: {  	s1 =	sld [smem:$0x3FAD]  }
0x28: {  	s2 =	sld [smem:$0x3FAE]  }
0x29: {  	s4 =	sld [smem:$0x3FB0]  }
0x2a: {  	p0 =	seq.s32 s5, $0x0;
	s5 =	sld [smem:$0x3FB1]  }
0x2b: {  	s6 =	sld [smem:$0x3FB2]  }
0x2c: {  	s7 =	sld [smem:$0x3FB3]  }
0x2d: {  	s3 =	simm.s32 $0x108;
	s8 =	sld [smem:$0x3FB4]  }
0x2e: {  	s3 =	simm.s32 @!p0 $0x1082;
	s9 =	sld [smem:$0x3FB5]  }
0x2f: {  	lr =	sadd.s32 s0, s3;
	s0 =	sld [smem:$0x3FAC]  }
0x30: {  	s3 =	sld [smem:$0x3FAF]  }
0x31: {  	[smem:$0x3FB8] =	sst s10  }
0x32: {  	s10 =	sld [smem:$0x3FB6];
	_ =	sdelay $0x3  }
0x33: {  	p0 =	seq.s32 s10, $0x1;
	s10 =	sld [smem:$0x3FB8];
	_ =	sdelay $0x3  }
0x34: {  	[smem:$0x3FB8] =	sst s10  }
0x35: {  	s10 =	sld [smem:$0x3FB7];
	_ =	sdelay $0x3  }
0x36: {  	p1 =	seq.s32 s10, $0x1;
	s10 =	sld [smem:$0x3FB8];
	_ =	sdelay $0x3  }
0x37: {  	[smem:$0x3FB8] =	sst s10  }
0x38: {  	s10 =	sld [smem:$0x3FB9]  }
0x39: {  	_ = 	snop;
	(pc) =	sbr.ind lr, $3  }
0x3a: {  	_ = 	snop  }
0x3b: {  	_ = 	snop  }
0x3c: {  	p2 =	seq.s32 s10, $0x1;
	s10 =	sld [smem:$0x3FB8]  }
0x3d: {  	_ =	shalt  }
0x3e: {  	_ =	shalt  }
0x3f: {  	_ =	shalt  }
0x40: {  	_ =	shalt  }
0x41: {  	_ =	shalt  }
0x42: {  	_ =	shalt  }
0x43: {  	_ =	shalt  }
0x44: {  	_ =	shalt  }
0x45: {  	_ =	shalt  }
0x46: {  	_ =	shalt  }
0x47: {  	_ =	shalt  }
0x48: {  	_ =	shalt  }
0x49: {  	_ =	shalt  }
0x4a: {  	_ =	shalt  }
0x4b: {  	_ =	shalt  }
0x4c: {  	_ =	shalt  }
0x4d: {  	_ =	shalt  }
0x4e: {  	_ =	shalt  }
0x4f: {  	_ =	shalt  }
0x50: {  	_ =	shalt  }
0x51: {  	_ =	shalt  }
0x52: {  	_ =	shalt  }
0x53: {  	_ =	shalt  }
0x54: {  	_ =	shalt  }
0x55: {  	_ =	shalt  }
0x56: {  	_ =	shalt  }
0x57: {  	_ =	shalt  }
0x58: {  	_ =	shalt  }
0x59: {  	_ =	shalt  }
0x5a: {  	_ =	shalt  }
0x5b: {  	_ =	shalt  }
0x5c: {  	_ =	shalt  }
0x5d: {  	_ =	shalt  }
0x5e: {  	_ =	shalt  }
0x5f: {  	_ =	shalt  }
0x60: {  	_ =	shalt  }
0x61: {  	_ =	shalt  }
0x62: {  	_ =	shalt  }
0x63: {  	_ =	shalt  }
0x64: {  	_ =	shalt  }
0x65: {  	_ =	shalt  }
0x66: {  	_ =	shalt  }
0x67: {  	_ =	shalt  }
0x68: {  	_ =	shalt  }
0x69: {  	_ =	shalt  }
0x6a: {  	_ =	shalt  }
0x6b: {  	_ =	shalt  }
0x6c: {  	_ =	shalt  }
0x6d: {  	_ =	shalt  }
0x6e: {  	_ =	shalt  }
0x6f: {  	_ =	shalt  }
0x70: {  	_ =	shalt  }
0x71: {  	_ =	shalt  }
0x72: {  	_ =	shalt  }
0x73: {  	_ =	shalt  }
0x74: {  	_ =	shalt  }
0x75: {  	_ =	shalt  }
0x76: {  	_ =	shalt  }
0x77: {  	_ =	shalt  }
0x78: {  	_ =	shalt  }
0x79: {  	_ =	shalt  }
0x7a: {  	_ =	shalt  }
0x7b: {  	_ =	shalt  }
0x7c: {  	_ =	shalt  }
0x7d: {  	_ =	shalt  }
0x7e: {  	_ =	shalt  }
0x7f: {  	_ =	shalt  }
0x80: {  	_ =	shalt  }
0x81: {  	_ =	shalt  }
0x82: {  	_ =	shalt  }
0x83: {  	_ =	shalt  }
0x84: {  	_ =	shalt  }
0x85: {  	_ =	shalt  }
0x86: {  	_ =	shalt  }
0x87: {  	_ =	shalt  }
.Lfunc_end0:
.L_simem_size_0:
called_computation_lowered:
.L_overlay_start_0:
0x88: {  	s2 =	sld [smem:$0x3FD9]  }
0x89: {  	s3 =	sld [smem:$0x3FFE];
	_ =	sdelay $0x1  }
0x8a: {  	s1 =	srdreg.scid  }
0x8b: {  	s0 =	sand.u32 $0x1, s1  }
0x8c: {  	s17 =	sshll.u32 s0, $0xA;
	s2 =	sadd.s32 s3, s2  }
0x8d: {  	s2 =	sadd.s32 s2, s17  }
0x8e: {  	[smem:$0x3FC4] =	sst s2  }
0x8f: {  	_ = 	snop  }
0x90: {  	s2 =	sld [smem:$0x3FC9]  }
0x91: {  	s18 =	sld [smem:$0x3FC6];
	(tm) =	ssettm $0x1  }
0x92: {  	s4 =	sld [smem:$0x3FFB];
	_ =	sdelay $0x3  }
0x93: {  	_ =	strace s4  }
0x94: {  	s4 =	sld [smem:$0x3FFC];
	_ =	sdelay $0x3  }
0x95: {  	_ =	strace s4  }
0x96: {  	s4 =	sld [smem:$0x3FFD];
	_ =	sdelay $0x3  }
0x97: {  	_ =	strace s4  }
0x98: {  	_ =	strace $0x8FFFFFFF  }
0x99: {  	s19 =	sld [smem:$0x3FDB];
	_ =	sdelay $0x1  }
0x9a: {  	s5 =	simm.s32 $_scs_section_size  }
0x9b: {  	s6 =	simm.s32 $_size__tile_overlayer_lowered;
	s7 =	simm.s32 $_tile_overlayer_lowered  }
0x9c: {  	s22 =	simm.s32 $0x1BFF;
	s21 =	sshll.u32 s7, $0x1;
	s4 =	sadd.s32 s5, s19  }
0x9d: {  	s8 =	simm.s32 $0x0;
	s20 =	sshll.u32 s6, $0x1;
	s6 =	sadd.s32 s21, s4  }
0x9e: {  	[timem:s8], [sflag:s22] =	dma.local [hbm:s6], s20  }
0x9f: {  	_ =	swait.ge [sflag:s22], s20  }
0xa0: {  	s5 =	ssub.s32 $0x0, s20;
	[sflag:s22] =	ssyncset.done $0x0  }
0xa1: {  	[sflag:s22] =	ssyncadd.s32 s5;
	_ =	sdelay $0x1  }
0xa2: {  	s23 =	simm.s32 $0x1B8B  }
0xa3: {  	_ =	swait.ge [sflag:s23], $0x1  }
0xa4: {  	[sflag:s23] =	ssyncset.done $0x0  }
0xa5: {  	s25 =	simm.s32 $0x1B8E;
	s24 =	sld [smem:$0x3FFE];
	[sflag:s23] =	ssyncadd.s32 $0xFFFFFFFF  }
0xa6: {  	s26 =	simm.s32 $execute0_lowered;
	[smem:$0x3FD2] =	sst s25  }
0xa7: {  	s6 =	sshll.u32 s26, $0x1;
	_ =	strace $0x80000046;
	[dreg:$0x1] =	wrdreg $0xFFFFFFFF  }
0xa8: {  	s28 =	simm.s32 $_size_execute0_lowered;
	s4 =	sadd.s32 s4, s6;
	[dreg:$0x0] =	wrdreg $0x0  }
0xa9: {  	s6 =	sshll.u32 s28, $0x1;
	[dreg:$0x2] =	wrdreg s4  }
0xaa: {  	[dreg:$0x3] =	wrdreg s6  }
0xab: {  	[dreg:$0x4] =	wrdreg $0xC0  }
0xac: {  	_ =	task [dreg:s8], $0x5FFFF  }
0xad: {  	[dreg:$0x1] =	wrdreg $0xFFFFFFFF  }
0xae: {  	[dreg:$0x0] =	wrdreg $0x60  }
0xaf: {  	[dreg:$0x2] =	wrdreg s2  }
0xb0: {  	[dreg:$0x3] =	wrdreg s24  }
0xb1: {  	[dreg:$0x4] =	wrdreg s18  }
0xb2: {  	[dreg:$0x5] =	wrdreg $0x9  }
0xb3: {  	_ =	task.clear_ibuf [dreg:s8], $0x6FFFF;
	_ =	strace $0x90000046  }
0xb4: {  	s29 =	simm.s32 $0x9;
	_ =	strace $0x80000048  }
0xb5: {  	_ =	swait.ge [sflag:s29], $0x1  }
0xb6: {  	[sflag:s29] =	ssyncadd.s32 $0xFFFFFFFF  }
0xb7: {  	_ =	strace $0x90000048  }
0xb8: {  	_ =	sfence  }
0xb9: {  	s30 =	sld [smem:$0x0];
	_ =	sdelay $0x2  }
0xba: {  	s31 =	sshll.u32 s1, $0xD;
	s1 =	sshrl.u32 s1, $0x2  }
0xbb: {  	s3 =	sand.u32 $0x4000, s31;
	s1 =	sadd.s32 s1, s30  }
0xbc: {  	s0 =	sor.u32 s3, s0;
	s1 =	sshll.u32 s1, $0x11  }
0xbd: {  	s0 =	sor.u32 s1, s0  }
0xbe: {  	s0 =	sadd.s32 $0x8F2B, s0  }
0xbf: {  	[sflag:s0] =	ssyncadd.remote.s32 $0x1  }
0xc0: {  	_ =	sfence.sel $0xFFFF  }
0xc1: {  	[dreg:$0x0] =	wrdreg $0xFFFFFFFF;
	(pc) =	sbr.abs _section_cstart, $3  }
0xc2: {  	[dreg:$0x1] =	wrdreg $0xFFFFFFFF  }
0xc3: {  	_ =	task.clear_ibuf [dreg:s8], $0x2FFFF;
	_ =	strace $0x9FFFFFFF  }
0xc4: {  	(tm) =	ssettm $0x7FFFFFFF  }
0xc5: {  	_ =	shalt  }
tec
execute0_lowered:
.L_overlay_start_1:
0x0: {  	(tag) =	ssettag $0x1  }
0x1: {  	s0 =	rddreg [dreg:$0x0]  }
0x2: {  	s1 =	rddreg [dreg:$0x1]  }
0x3: {  	s2 =	rddreg [dreg:$0x2];
	s4 =	srdreg.scid;
	s3 =	simm.s32 $0x0  }
0x4: {  	s5 =	stileid.u32;
	s8 =	simm.s32 $0x5;
	s10 =	simm.s32 $0x44  }
0x5: {  	s15 =	simm.s32 $0x6800;
	s16 =	simm.s32 $0x1;
	s17 =	simm.s32 $0x8C00  }
0x6: {  	s18 =	simm.s32 $0xB000;
	s19 =	simm.s32 $0xB080;
	s20 =	simm.s32 $0x2  }
0x7: {  	s21 =	simm.s32 $0x3;
	s22 =	simm.s32 $0x4;
	s23 =	simm.s32 $0xB100  }
0x8: {  	s24 =	simm.s32 $0x0;
	s4 =	sand.u32 $0x1, s4;
	s5 =	sshll.u32 s5, $0xA  }
0x9: {  	[smem:$0x7FF] =	sst s3;
	s6 =	sshll.u32 s4, $0x9;
	s4 =	ssub.s32 $0x2, s4  }
0xa: {  	_ =	strace $0x80000047;
	s5 =	sor.u32 s6, s5;
	s31 =	sshrl.u32 s4, $0x1  }
0xb: {  	s1 =	sadd.s32 s5, s1;
	s7 =	ssub.s32 s4, s31;
	s5 =	sadd.s32 s0, s5  }
0xc: {  	v0 =	vimm.f32 $1.000000000e+00;
	vm0 =	vcmask $0x3F3C;
	s4 =	sadd.s32 $0x600, s1;
	s6 =	sadd.s32 $0x4600, s1;
	s7 =	smax.u32 s7, $0x1  }
.LBB2_1:
0xd: {  	[tilespmem:s3], [sflag:$0x5] =	stream.linear.gather [hbm4b:s4+s3], $0x1000, $0x38;
	[tilespmem:$0xC100] =	vst v63  }
0xe: {  	_ =	swait.ge [sflag:s8], $0x1000  }
0xf: {  	[sflag:s8] =	ssyncset.done $0x0  }
0x10: {  	s0 =	simm.s32 $0x1000;
	[sflag:s8] =	ssyncadd.s32 $0xFFFFF000  }
0x11: {  	[tilespmem:s0], [sflag:$0x5] =	stream.linear.gather [hbm4b:s5+s3], $0x1000, $0x38;
	[tilespmem:$0xC100] =	vst v63  }
0x12: {  	_ =	swait.ge [sflag:s8], $0x1000  }
0x13: {  	[sflag:s8] =	ssyncset.done $0x0  }
0x14: {  	[sflag:s8] =	ssyncadd.s32 $0xFFFFF000  }
0x15: {  	[tilespmem:$0xB040] =	vst v0  }
0x16: {  	s29 =	simm.s32 $0x2000;
	[tilespmem:$0xB0C0] =	vst v0  }
0x17: {  	[tilespmem:s29], [sflag:$0x1] =	stream.indirect.gather [hbm4b:s2+s10], $0x80, s3, s10, $0xb8;
	[tilespmem:$0xC100] =	vst v63  }
0x18: {  	s30 =	simm.s32 $0x80;
	s1 =	simm.s32 $0x4400  }
0x19: {  	[tilespmem:s1], [sflag:$0x2] =	stream.indirect.gather [hbm4b:s2+s10], $0x80, s30, s10, $0xb8;
	[tilespmem:$0xC100] =	vst v63  }
0x1a: {  	s31 =	simm.s32 $0x100;
	s25 =	simm.s32 $0x0  }
0x1b: {  	[tilespmem:s15], [sflag:$0x3] =	stream.indirect.gather [hbm4b:s2+s10], $0x80, s31, s10, $0xb8;
	[tilespmem:$0xC100] =	vst v63  }
.LBB2_2:
0x1c: {  	_ =	swait.ge [sflag:s16], $0x2200;
	s0 =	sshllo.u32 s25, $0x2  }
0x1d: {  	[sflag:s16] =	ssyncset.done $0x0;
	s26 =	sshll.u32 s0, $0x7  }
0x1e: {  	s28 =	sshll.u32 s25, $0x9;
	[sflag:s16] =	ssyncadd.s32 $0xFFFFDE00;
	s0 =	sand.u32 $0x3FFFFF80, s26  }
0x1f: {  	[tilespmem:s17], [sflag:$0x4] =	stream.indirect.gather [hbm4b:s2+s10], $0x80, s0, s10, $0xb8;
	[tilespmem:$0xC100] =	vst v63  }
0x20: {  	v7 =	vld [tilespmem:s28+$0x1000]  }
0x21: {  	v8 =	vld [tilespmem:s28+$0x1010]  }
0x22: {  	v6 =	vld [tilespmem:s28+$0x1020]  }
0x23: {  	v5 =	vld [tilespmem:s28+$0x1030]  }
0x24: {  	v4 =	vld [tilespmem:s28+$0x1040]  }
0x25: {  	v3 =	vld [tilespmem:s28+$0x1050]  }
0x26: {  	v2 =	vld [tilespmem:s28+$0x1060]  }
0x27: {  	s11 =	simm.s32 $0x2100;
	v1 =	vld [tilespmem:s28+$0x1070]  }
0x28: {  	v9 =	vld [tilespmem:s11+$0x80]  }
0x29: {  	v10 =	vld [tilespmem:s11+$0x90]  }
0x2a: {  	v11 =	vld [tilespmem:s11+$0xA0]  }
0x2b: {  	v12 =	vld [tilespmem:s11+$0xB0]  }
0x2c: {  	v13 =	vld [tilespmem:s11+$0xC0]  }
0x2d: {  	v14 =	vld [tilespmem:s11+$0xD0]  }
0x2e: {  	v15 =	vld [tilespmem:s11+$0xE0]  }
0x2f: {  	v16 =	vld [tilespmem:s11+$0xF0];
	_ =	sdelay $0x1  }
0x30: {  	v17 =	vmul.f32 v9, v7;
	v18 =	vmul.f32 v10, v8  }
0x31: {  	v19 =	vmul.f32 v11, v6;
	v20 =	vmul.f32 v12, v5  }
0x32: {  	v34 =	vld [tilespmem:s11+$0x20];
	v22 =	vmul.f32 v13, v4;
	v23 =	vmul.f32 v14, v3  }
0x33: {  	v39 =	vld [tilespmem:s11+$0x40];
	v25 =	vmul.f32 v15, v2;
	v26 =	vmul.f32 v16, v1  }
0x34: {  	v54 =	vld [tilespmem:s11+$0x60];
	v9 =	vmul.f32 v9, v9;
	v10 =	vmul.f32 v10, v10  }
0x35: {  	v21 =	vld [tilespmem:s11+$0xFFFFFF10];
	v11 =	vmul.f32 v11, v11;
	v12 =	vmul.f32 v12, v12  }
0x36: {  	v41 =	vld [tilespmem:s11+$0x50];
	v13 =	vmul.f32 v13, v13;
	v14 =	vmul.f32 v14, v14  }
0x37: {  	v24 =	vld [tilespmem:s11+$0xFFFFFF20];
	v15 =	vmul.f32 v15, v15;
	v16 =	vmul.f32 v16, v16  }
0x38: {  	v27 =	vld [tilespmem:s11+$0xFFFFFF30];
	v43 =	vmul.f32 v34, v6;
	v44 =	vmul.f32 v39, v4  }
0x39: {  	v28 =	vld [tilespmem:s11+$0xFFFFFF40];
	v55 =	vmul.f32 v54, v2;
	v17 =	vadd.f32 v18, v17;
	v19 =	vadd.f32 v20, v19  }
0x3a: {  	v56 =	vmul.f32 v34, v34;
	v20 =	vadd.f32 v23, v22;
	v23 =	vadd.f32 v26, v25  }
0x3b: {  	v29 =	vld [tilespmem:s11+$0xFFFFFF50];
	v58 =	vmul.f32 v41, v41;
	v9 =	vadd.f32 v10, v9;
	v11 =	vadd.f32 v12, v11  }
0x3c: {  	v18 =	vld [tilespmem:s11+$0xFFFFFF60];
	v12 =	vmul.f32 v21, v8;
	v13 =	vadd.f32 v14, v13;
	v15 =	vadd.f32 v16, v15  }
0x3d: {  	v22 =	vld [tilespmem:s11+$0xFFFFFF70];
	v16 =	vmul.f32 v27, v5;
	v17 =	vadd.f32 v19, v17;
	v20 =	vadd.f32 v23, v20  }
0x3e: {  	v10 =	vld [tilespmem:s11+$0xFFFFFF80];
	v25 =	vmul.f32 v28, v4;
	v23 =	vmul.f32 v24, v6;
	v9 =	vadd.f32 v11, v9  }
0x3f: {  	v14 =	vld [tilespmem:s11+$0xFFFFFFA0];
	v21 =	vmul.f32 v21, v21;
	v13 =	vadd.f32 v15, v13;
	v17 =	vadd.f32 v20, v17  }
0x40: {  	v19 =	vld [tilespmem:s11+$0xFFFFFF90];
	v20 =	vmul.f32 v29, v3;
	v16 =	vadd.f32 v16, v23;
	v23 =	vmul.f32 v24, v24  }
0x41: {  	v11 =	vld [tilespmem:s11+$0xFFFFFFC0];
	v9 =	vadd.f32 v13, v9;
	v13 =	vmul.f32 v27, v27;
	v27 =	vmul.f32 v28, v28  }
0x42: {  	v31 =	vld [tilespmem:s11+$0xFFFFFFD0];
	v15 =	vmul.f32 v18, v2;
	v30 =	vmul.f32 v22, v1  }
0x43: {  	v18 =	vmul.f32 v18, v18;
	v22 =	vmul.f32 v22, v22  }
0x44: {  	v26 =	vld [tilespmem:s11+$0xFFFFFFB0];
	v33 =	vmul.f32 v14, v6;
	v14 =	vmul.f32 v14, v14;
	v20 =	vadd.f32 v20, v25  }
0x45: {  	v24 =	vld [tilespmem:s11+$0xFFFFFFE0];
	v25 =	vmul.f32 v29, v29;
	v15 =	vadd.f32 v30, v15;
	v30 =	vmul.f32 v10, v7  }
0x46: {  	v28 =	vld [tilespmem:s11+$0xFFFFFFF0];
	v13 =	vadd.f32 v13, v23;
	v23 =	vmul.f32 v19, v8;
	v35 =	vmul.f32 v11, v4  }
0x47: {  	s1 =	simm.s32 $0x3;
	v37 =	vadd.f32 v22, v18;
	v18 =	vmul.f32 v31, v3;
	v10 =	vmul.f32 v10, v10  }
0x48: {  	s12 =	simm.s32 $0x0;
	v40 =	vmov s1;
	v32 =	vld [tilespmem:s11+$0x10];
	(xrf2) =	vadd.scan.msk.f32 $0xffff, v17;
	v19 =	vmul.f32 v19, v19;
	v11 =	vmul.f32 v11, v11  }
0x49: {  	v36 =	vld [tilespmem:s11+$0x30];
	(xrf2) =	vadd.scan.msk.f32 $0xffff, v9;
	v9 =	vmov s12;
	v25 =	vadd.f32 v25, v27;
	v27 =	vmul.f32 v26, v5  }
0x4a: {  	v38 =	vld [tilespmem:s11+$0xFFFFFF00];
	v26 =	vmul.f32 v26, v26;
	v9 =	vand.u32 $0xFFFFFFFC, v9;
	v22 =	vmul.f32 v24, v2  }
0x4b: {  	v29 =	vld [tilespmem:s11+$0x0];
	v30 =	vadd.f32 v23, v30;
	v23 =	vmul.f32 v28, v1;
	v35 =	vadd.f32 v18, v35  }
0x4c: {  	v18 =	vmul.f32 v31, v31;
	v24 =	vmul.f32 v24, v24;
	v10 =	vadd.f32 v19, v10  }
0x4d: {  	v19 =	vmul.f32 v32, v8;
	v15 =	vadd.f32 v15, v20;
	v9 =	vbroadcast v9, $0x0  }
0x4e: {  	v27 =	vadd.f32 v27, v33;
	v14 =	vadd.f32 v26, v14;
	v26 =	vmul.f32 v36, v5  }
0x4f: {  	v33 =	vmul.f32 v54, v54;
	v42 =	vadd.f32 v23, v22;
	v22 =	vmul.f32 v28, v28  }
0x50: {  	v31 =	vld [tilespmem:s11+$0x70];
	v20 =	vadd.f32 v37, v25;
	v23 =	vmul.f32 v29, v7;
	v28 =	vmul.f32 v38, v7  }
0x51: {  	s9 =	simm.s32 $0x2300;
	v38 =	vmul.f32 v38, v38;
	v11 =	vadd.f32 v18, v11;
	v18 =	vmul.f32 v29, v29  }
0x52: {  	v59 =	vld [tilespmem:s9+$0x80];
	v29 =	vmul.f32 v32, v32;
	v60 =	vadd.f32 v14, v10;
	v12 =	vadd.f32 v12, v28  }
0x53: {  	v28 =	vmul.f32 v41, v3;
	v21 =	vadd.f32 v21, v38;
	v57 =	vadd.f32 v22, v24  }
0x54: {  	v22 =	vmul.f32 v36, v36;
	v24 =	vmul.f32 v39, v39;
	v19 =	vadd.f32 v19, v23  }
0x55: {  	v29 =	vadd.f32 v29, v18;
	v35 =	vadd.f32 v42, v35;
	v17 =	vmul.f32 v31, v1  }
0x56: {  	v25 =	vld [tilespmem:s9+$0xD0];
	v23 =	vmul.f32 v31, v31;
	v31 =	vadd.f32 v26, v43;
	v28 =	vadd.f32 v28, v44  }
0x57: {  	s13 =	simm.s32 $0x1;
	v37 =	vmul.f32 v59, v59;
	v18 =	vld [tilespmem:s9+$0x90];
	v32 =	vadd.f32 v22, v56;
	v36 =	vadd.f32 v58, v24  }
0x58: {  	s14 =	simm.s32 $0x2;
	v26 =	vmov s13;
	v22 =	vld [tilespmem:s9+$0xA0];
	v12 =	vadd.f32 v16, v12;
	v13 =	vadd.f32 v13, v21  }
0x59: {  	v16 =	vmov s14;
	v24 =	vld [tilespmem:s9+$0xC0];
	v21 =	vadd.f32 v27, v30;
	v61 =	vadd.f32 v57, v11  }
0x5a: {  	v27 =	vand.u32 $0xFFFFFFFD, v26;
	v17 =	vadd.f32 v17, v55;
	v33 =	vadd.f32 v23, v33;
	v23 =	vld [tilespmem:s9+$0xB0]  }
0x5b: {  	v11 =	vbroadcast v27, $0x0;
	v62 =	vadd.f32 v31, v19;
	v27 =	vld [tilespmem:s9+$0xF0];
	v26, _, _ =	vpop (xrf2);
	v29 =	vadd.f32 v32, v29  }
0x5c: {  	v10 =	vand.u32 $0xFFFFFFFE, v16;
	v12 =	vadd.f32 v15, v12;
	v15 =	vadd.f32 v20, v13;
	[tilespmem:v40+s18+$0x0] =	vst.idx.msk vm0, v26;
	v26 =	vld [tilespmem:s9+$0xE0]  }
0x5d: {  	v16 =	vld [tilespmem:s9+$0xFFFFFF10];
	v10 =	vbroadcast v10, $0x0;
	v13 =	vadd.f32 v61, v60;
	v63 =	vadd.f32 v17, v28  }
0x5e: {  	v19 =	vld [tilespmem:s9+$0xFFFFFF30];
	v14, _, _ =	vpop (xrf2);
	v28 =	vmul.f32 v59, v7;
	v34 =	vadd.f32 v33, v36;
	v31 =	vmul.f32 v18, v8  }
0x5f: {  	v20 =	vld [tilespmem:s9+$0xFFFFFF40];
	v36 =	vmul.f32 v25, v3;
	[tilespmem:v40+s19+$0x0] =	vst.idx.msk vm0, v14;
	(xrf2) =	vadd.scan.msk.f32 $0xffff, v12;
	v30 =	vmul.f32 v22, v6  }
0x60: {  	s31 =	sor.u32 $0x20, s28;
	s30 =	sor.u32 $0x30, s28;
	s29 =	sor.u32 $0x40, s28;
	v17 =	vld [tilespmem:s9+$0xFFFFFF20];
	v14 =	vadd.f32 v35, v21;
	v32 =	vmul.f32 v24, v4;
	v33 =	vmul.f32 v23, v5  }
0x61: {  	s1 =	simm.s32 $0x4;
	s0 =	sor.u32 $0x10, s28;
	s11 =	simm.s32 $0x8;
	v21 =	vld [tilespmem:s9+$0xFFFFFF50];
	v12 =	vadd.f32 v63, v62;
	v38 =	vmul.f32 v27, v1;
	v35 =	vmul.f32 v26, v2  }
.LBB2_3:
0x62: {  	p0 =	slt.u32 s11, $0x40;
	v39 =	vld [tilespmem:s9+$0xFFFFFF60];
	v18 =	vmul.f32 v18, v18;
	v22 =	vmul.f32 v22, v22;
	v29 =	vadd.f32 v34, v29;
	(xrf2) =	vadd.scan.msk.f32 $0xffff, v15  }
0x63: {  	v23 =	vmul.f32 v23, v23;
	v24 =	vmul.f32 v24, v24;
	v15 =	vld [tilespmem:s9+$0xFFFFFF70]  }
0x64: {  	v25 =	vmul.f32 v25, v25;
	v28 =	vadd.f32 v31, v28;
	v30 =	vadd.f32 v33, v30;
	v34 =	vld [tilespmem:s9+$0xFFFFFF80]  }
0x65: {  	v26 =	vmul.f32 v26, v26;
	v32 =	vadd.f32 v36, v32;
	v33 =	vadd.f32 v38, v35;
	v31 =	vld [tilespmem:s9+$0xFFFFFF90];
	(xrf2) =	vadd.scan.msk.f32 $0xffff, v14  }
0x66: {  	v27 =	vmul.f32 v27, v27;
	v18 =	vadd.f32 v18, v37;
	v22 =	vadd.f32 v23, v22;
	v14 =	vld [tilespmem:s9+$0xFFFFFFA0]  }
0x67: {  	v23 =	vmul.f32 v16, v8;
	v28 =	vadd.f32 v30, v28;
	v36 =	vadd.f32 v33, v32;
	v35 =	vld [tilespmem:s9+$0xFFFFFFB0]  }
0x68: {  	v24 =	vadd.f32 v25, v24;
	v25 =	vadd.f32 v27, v26;
	v32 =	vmul.f32 v17, v6;
	v33 =	vld [tilespmem:s9+$0xFFFFFFC0];
	(xrf2) =	vadd.scan.msk.f32 $0xffff, v13  }
0x69: {  	v26 =	vmul.f32 v20, v4;
	v28 =	vadd.f32 v36, v28;
	v13 =	vmul.f32 v19, v5;
	v27 =	vld [tilespmem:s9+$0xFFFFFFD0];
	v30, _, _ =	vpop (xrf2)  }
0x6a: {  	v18 =	vadd.f32 v22, v18;
	v38 =	vadd.f32 v25, v24;
	v36 =	vmul.f32 v21, v3;
	v37 =	vld [tilespmem:s9+$0xFFFFFFE0]  }
0x6b: {  	v24 =	vmul.f32 v39, v2;
	v25 =	vmul.f32 v15, v1;
	v13 =	vadd.f32 v13, v32;
	v32 =	vld [tilespmem:s9+$0xFFFFFFF0];
	(xrf2) =	vadd.scan.msk.f32 $0xffff, v28  }
0x6c: {  	v16 =	vmul.f32 v16, v16;
	v17 =	vmul.f32 v17, v17;
	v18 =	vadd.f32 v38, v18;
	v28 =	vld [tilespmem:s9+$0x0];
	v22, _, _ =	vpop (xrf2)  }
0x6d: {  	v20 =	vmul.f32 v20, v20;
	v19 =	vmul.f32 v19, v19;
	v26 =	vadd.f32 v36, v26;
	v36 =	vld [tilespmem:s9+$0x10]  }
0x6e: {  	v21 =	vmul.f32 v21, v21;
	v38 =	vmul.f32 v39, v39;
	v24 =	vadd.f32 v25, v24;
	v25 =	vld [tilespmem:s9+$0x20];
	(xrf2) =	vadd.scan.msk.f32 $0xffff, v18  }
0x6f: {  	v15 =	vmul.f32 v15, v15;
	v17 =	vadd.f32 v19, v17;
	v18 =	vmul.f32 v34, v7;
	v19 =	vld [tilespmem:s9+$0x30];
	v39, _, _ =	vpop (xrf2)  }
0x70: {  	v20 =	vadd.f32 v21, v20;
	v21 =	vmul.f32 v31, v8;
	v40 =	vmul.f32 v14, v6;
	v41 =	vld [tilespmem:s9+$0x40]  }
0x71: {  	v15 =	vadd.f32 v15, v38;
	v38 =	vmul.f32 v35, v5;
	v42 =	vmul.f32 v33, v4;
	v43 =	vld [tilespmem:s9+$0x50];
	(xrf2) =	vadd.scan.msk.f32 $0xffff, v12  }
0x72: {  	s12 =	sadd.s32 $0x3, s1;
	v44 =	vmul.f32 v37, v2;
	v21 =	vadd.f32 v21, v18;
	v12 =	vmul.f32 v27, v3;
	v18 =	vld [tilespmem:s9+$0x60];
	v45, _, _ =	vpop (xrf2)  }
0x73: {  	v48 =	vmov s12;
	v34 =	vmul.f32 v34, v34;
	v46 =	vmul.f32 v32, v1;
	v47 =	vld [tilespmem:s9+$0x70];
	[tilespmem:v9+s18+$0x0] =	vst.idx.msk vm0, v30  }
0x74: {  	v31 =	vmul.f32 v31, v31;
	v14 =	vmul.f32 v14, v14;
	v38 =	vadd.f32 v38, v40;
	v30 =	vld [tilespmem:s9+$0xFFFFFF00];
	(xrf2) =	vadd.scan.msk.f32 $0xffff, v29  }
0x75: {  	v33 =	vmul.f32 v33, v33;
	v12 =	vadd.f32 v12, v42;
	v29 =	vmul.f32 v35, v35;
	v35, _, _ =	vpop (xrf2)  }
0x76: {  	v37 =	vmul.f32 v37, v37;
	v27 =	vmul.f32 v27, v27;
	v40 =	vadd.f32 v46, v44  }
0x77: {  	v32 =	vmul.f32 v32, v32;
	v31 =	vadd.f32 v31, v34;
	v34 =	vmul.f32 v28, v7  }
0x78: {  	v42 =	vmul.f32 v36, v8;
	v44 =	vmul.f32 v25, v6;
	[tilespmem:v48+s18+$0x0] =	vst.idx.msk vm0, v35;
	v35, _, _ =	vpop (xrf2)  }
0x79: {  	v49 =	vmov s1;
	v46 =	vmul.f32 v30, v7;
	v30 =	vmul.f32 v30, v30;
	[tilespmem:v48+s19+$0x0] =	vst.idx.msk vm0, v35  }
0x7a: {  	v14 =	vadd.f32 v29, v14;
	v29 =	vmul.f32 v19, v5;
	v35 =	vmul.f32 v41, v4  }
0x7b: {  	v48 =	vmul.f32 v18, v2;
	v23 =	vadd.f32 v23, v46;
	v46 =	vmul.f32 v43, v3;
	v50, _, _ =	vpop (xrf2)  }
0x7c: {  	v28 =	vmul.f32 v28, v28;
	v16 =	vadd.f32 v16, v30;
	v30 =	vmul.f32 v47, v1  }
0x7d: {  	v27 =	vadd.f32 v27, v33;
	v33 =	vmul.f32 v36, v36;
	v25 =	vmul.f32 v25, v25  }
0x7e: {  	v32 =	vadd.f32 v32, v37;
	v36 =	vmul.f32 v41, v41;
	v19 =	vmul.f32 v19, v19;
	v37, _, _ =	vpop (xrf2)  }
0x7f: {  	v34 =	vadd.f32 v42, v34;
	v41 =	vmul.f32 v43, v43;
	v43 =	vmul.f32 v18, v18  }
0x80: {  	s9 =	sadd.s32 $0x200, s9;
	v42 =	vmul.f32 v47, v47;
	v29 =	vadd.f32 v29, v44;
	v35 =	vadd.f32 v46, v35  }
0x81: {  	s12 =	sadd.s32 $0x1, s1;
	v28 =	vadd.f32 v33, v28;
	v46 =	vand.u32 $0xFFFFFFFC, v49;
	v30 =	vadd.f32 v30, v48;
	v44 =	vld [tilespmem:s9+$0x80];
	[tilespmem:v9+s19+$0x0] =	vst.idx.msk vm0, v22  }
0x82: {  	v33 =	vmov s12;
	s12 =	sadd.s32 $0x2, s1;
	s1 =	smov.u32 s11;
	v19 =	vadd.f32 v19, v25;
	v36 =	vadd.f32 v41, v36;
	v18 =	vld [tilespmem:s9+$0x90];
	[tilespmem:v11+s18+$0x0] =	vst.idx.msk vm0, v39  }
0x83: {  	v41 =	vmov s12;
	v13 =	vadd.f32 v13, v23;
	v39 =	vadd.f32 v42, v43;
	v22 =	vld [tilespmem:s9+$0xA0];
	[tilespmem:v11+s19+$0x0] =	vst.idx.msk vm0, v45  }
0x84: {  	v9 =	vbroadcast v46, $0x0;
	v42 =	vadd.f32 v24, v26;
	v43 =	vadd.f32 v17, v16;
	v23 =	vld [tilespmem:s9+$0xB0];
	[tilespmem:v10+s18+$0x0] =	vst.idx.msk vm0, v50  }
0x85: {  	v15 =	vadd.f32 v15, v20;
	v20 =	vadd.f32 v38, v21;
	v11 =	vand.u32 $0xFFFFFFFD, v33;
	v24 =	vld [tilespmem:s9+$0xC0];
	[tilespmem:v10+s19+$0x0] =	vst.idx.msk vm0, v37  }
0x86: {  	v12 =	vadd.f32 v40, v12;
	v21 =	vadd.f32 v14, v31;
	v10 =	vand.u32 $0xFFFFFFFE, v41;
	v25 =	vld [tilespmem:s9+$0xD0]  }
0x87: {  	v40 =	vadd.f32 v29, v34;
	v11 =	vbroadcast v11, $0x0;
	v37 =	vadd.f32 v32, v27;
	v26 =	vld [tilespmem:s9+$0xE0]  }
0x88: {  	v29 =	vadd.f32 v19, v28;
	v41 =	vadd.f32 v30, v35;
	v10 =	vbroadcast v10, $0x0;
	v27 =	vld [tilespmem:s9+$0xF0]  }
.Ltmp0:
0x89: {  	v13 =	vadd.f32 v42, v13;
	v34 =	vadd.f32 v39, v36;
	v28 =	vmul.f32 v44, v7;
	v16 =	vld [tilespmem:s9+$0xFFFFFF10];
	(pc) =	sbr.rel @p0 .LBB2_3-.Ltmp0, $4  }
0x8a: {  	v15 =	vadd.f32 v15, v43;
	v31 =	vmul.f32 v18, v8;
	v30 =	vmul.f32 v22, v6;
	v17 =	vld [tilespmem:s9+$0xFFFFFF20]  }
0x8b: {  	v14 =	vadd.f32 v12, v20;
	v33 =	vmul.f32 v23, v5;
	v32 =	vmul.f32 v24, v4;
	v19 =	vld [tilespmem:s9+$0xFFFFFF30];
	(xrf2) =	vadd.scan.msk.f32 $0xffff, v13  }
0x8c: {  	v36 =	vmul.f32 v25, v3;
	v13 =	vadd.f32 v37, v21;
	v20 =	vld [tilespmem:s9+$0xFFFFFF40];
	v35 =	vmul.f32 v26, v2  }
0x8d: {  	s11 =	sadd.s32 $0x4, s11;
	v12 =	vadd.f32 v41, v40;
	v37 =	vmul.f32 v44, v44;
	v21 =	vld [tilespmem:s9+$0xFFFFFF50];
	v38 =	vmul.f32 v27, v1  }
0x8e: {  	v39 =	vmul.f32 v18, v18;
	v22 =	vmul.f32 v22, v22  }
0x8f: {  	v18 =	vadd.f32 v34, v29;
	v23 =	vmul.f32 v23, v23;
	v29 =	vld [tilespmem:s9+$0xFFFFFF60];
	v24 =	vmul.f32 v24, v24  }
0x90: {  	v25 =	vmul.f32 v25, v25;
	v28 =	vadd.f32 v31, v28;
	v31 =	vld [tilespmem:s9+$0xFFFFFF70];
	v30 =	vadd.f32 v33, v30  }
0x91: {  	v26 =	vmul.f32 v26, v26;
	v32 =	vadd.f32 v36, v32;
	v55 =	vld [tilespmem:s9+$0xFFFFFF80];
	v27 =	vmul.f32 v27, v27  }
0x92: {  	v54 =	vld [tilespmem:s9+$0xFFFFFF90];
	v56 =	vmul.f32 v17, v6;
	v17 =	vmul.f32 v17, v17;
	v22 =	vadd.f32 v23, v22  }
0x93: {  	v58 =	vld [tilespmem:s9+$0xFFFFFFC0];
	v23 =	vmul.f32 v16, v8;
	v26 =	vadd.f32 v27, v26;
	v27 =	vmul.f32 v19, v5  }
0x94: {  	v40 =	vld [tilespmem:s9+$0xFFFFFFD0];
	v52 =	vadd.f32 v38, v35;
	v16 =	vmul.f32 v16, v16;
	v19 =	vmul.f32 v19, v19  }
0x95: {  	v41 =	vld [tilespmem:s9+$0xFFFFFFE0];
	v53 =	vadd.f32 v39, v37;
	v57 =	vmul.f32 v20, v4;
	v20 =	vmul.f32 v20, v20  }
0x96: {  	v28 =	vadd.f32 v30, v28;
	v59 =	vmul.f32 v21, v3;
	v21 =	vmul.f32 v21, v21  }
0x97: {  	v34 =	vld [tilespmem:s9+$0x0];
	v24 =	vadd.f32 v25, v24;
	v60 =	vmul.f32 v29, v2;
	v61 =	vmul.f32 v31, v1  }
0x98: {  	v63 =	vld [tilespmem:s9+$0x20];
	v32 =	vadd.f32 v52, v32;
	v62 =	vmul.f32 v55, v7;
	v42 =	vmul.f32 v54, v8  }
0x99: {  	v22 =	vadd.f32 v22, v53;
	v45 =	vmul.f32 v58, v4;
	v46 =	vmul.f32 v40, v3  }
0x9a: {  	v30 =	vld [tilespmem:s9+$0xFFFFFFA0];
	v24 =	vadd.f32 v26, v24;
	v47 =	vmul.f32 v41, v2;
	v36 =	vmul.f32 v54, v54  }
0x9b: {  	v25 =	vld [tilespmem:s9+$0xFFFFFFB0];
	v26 =	vadd.f32 v27, v56;
	v38 =	vmul.f32 v58, v58;
	v40 =	vmul.f32 v40, v40  }
0x9c: {  	v17 =	vadd.f32 v19, v17;
	v41 =	vmul.f32 v41, v41;
	v58 =	vmul.f32 v34, v7  }
0x9d: {  	v49 =	vld [tilespmem:s9+$0x50];
	v28 =	vadd.f32 v32, v28;
	v34 =	vmul.f32 v34, v34;
	v39 =	vmul.f32 v63, v63  }
0x9e: {  	v27 =	vld [tilespmem:s9+$0xFFFFFFF0];
	v22 =	vadd.f32 v24, v22;
	v24 =	vmul.f32 v29, v29;
	v29 =	vmul.f32 v31, v31  }
0x9f: {  	v19 =	vld [tilespmem:s9+$0x30];
	v31 =	vadd.f32 v59, v57;
	v20 =	vadd.f32 v21, v20;
	v43 =	vmul.f32 v30, v6  }
0xa0: {  	v56 =	vld [tilespmem:s9+$0x70];
	v35 =	vadd.f32 v61, v60;
	v44 =	vmul.f32 v25, v5;
	v30 =	vmul.f32 v30, v30  }
0xa1: {  	v32 =	vld [tilespmem:s9+$0x10];
	v37 =	vadd.f32 v42, v62;
	v25 =	vmul.f32 v25, v25;
	v60 =	vmul.f32 v63, v6  }
0xa2: {  	v45 =	vadd.f32 v46, v45;
	v61 =	vmul.f32 v49, v3;
	v63 =	vmul.f32 v49, v49  }
0xa3: {  	v21 =	vld [tilespmem:s9+$0x40];
	v24 =	vadd.f32 v29, v24;
	v29 =	vmul.f32 v55, v55;
	v48 =	vmul.f32 v27, v1  }
0xa4: {  	v27 =	vmul.f32 v27, v27;
	v25 =	vadd.f32 v25, v30;
	v30 =	vmul.f32 v19, v5  }
0xa5: {  	v42 =	vld [tilespmem:s9+$0x60];
	v38 =	vadd.f32 v40, v38;
	v62 =	vmul.f32 v56, v1;
	v19 =	vmul.f32 v19, v19  }
0xa6: {  	(xrf2) =	vadd.scan.msk.f32 $0xffff, v15;
	v55 =	vld [tilespmem:s9+$0xFFFFFF00];
	v43 =	vadd.f32 v44, v43;
	v15 =	vmul.f32 v56, v56;
	v59 =	vmul.f32 v32, v8  }
0xa7: {  	v29 =	vadd.f32 v36, v29;
	v32 =	vmul.f32 v32, v32;
	v8 =	vmul.f32 v8, v8  }
0xa8: {  	(xrf2) =	vadd.scan.msk.f32 $0xffff, v14;
	v57 =	vadd.f32 v48, v47;
	v51 =	vmul.f32 v21, v4;
	v27 =	vadd.f32 v27, v41  }
0xa9: {  	(xrf2) =	vadd.scan.msk.f32 $0xffff, v13;
	v21 =	vmul.f32 v21, v21;
	v30 =	vadd.f32 v30, v60;
	v14 =	vadd.f32 v19, v39  }
0xaa: {  	(xrf2) =	vadd.scan.msk.f32 $0xffff, v28;
	v52 =	vmul.f32 v42, v2;
	v49 =	vadd.f32 v59, v58;
	v42 =	vmul.f32 v42, v42  }
0xab: {  	(xrf2) =	vadd.scan.msk.f32 $0xffff, v22;
	v32 =	vadd.f32 v32, v34;
	v22 =	vadd.f32 v25, v29;
	v50 =	vmul.f32 v55, v7  }
0xac: {  	v33 =	vmul.f32 v55, v55;
	v51 =	vadd.f32 v61, v51;
	v19 =	vadd.f32 v63, v21  }
0xad: {  	v21 =	vadd.f32 v35, v31;
	v7 =	vmul.f32 v7, v7;
	v15 =	vadd.f32 v15, v42  }
0xae: {  	v23 =	vadd.f32 v23, v50;
	v16 =	vadd.f32 v16, v33  }
0xaf: {  	v33 =	vadd.f32 v62, v52;
	v7 =	vadd.f32 v8, v7  }
0xb0: {  	v6 =	vmul.f32 v6, v6;
	v8 =	vadd.f32 v57, v45;
	v13 =	vadd.f32 v26, v23  }
0xb1: {  	v16 =	vadd.f32 v17, v16;
	v17 =	vadd.f32 v24, v20  }
0xb2: {  	v5 =	vmul.f32 v5, v5;
	v20 =	vadd.f32 v43, v37;
	v6 =	vadd.f32 v6, v7  }
0xb3: {  	v23 =	vadd.f32 v27, v38;
	v24 =	vadd.f32 v30, v49  }
0xb4: {  	v4 =	vmul.f32 v4, v4;
	v26, _, _ =	vpop (xrf2);
	(xrf2) =	vadd.scan.msk.f32 $0xffff, v12;
	v12 =	vadd.f32 v21, v13;
	v5 =	vadd.f32 v5, v6  }
0xb5: {  	v3 =	vmul.f32 v3, v3;
	v13 =	vadd.f32 v14, v32;
	v14 =	vadd.f32 v17, v16  }
0xb6: {  	v1 =	vmul.f32 v1, v1;
	v25 =	vadd.f32 v33, v51;
	v6, _, _ =	vpop (xrf2);
	(xrf2) =	vadd.scan.msk.f32 $0xffff, v18;
	v4 =	vadd.f32 v4, v5  }
0xb7: {  	v2 =	vmul.f32 v2, v2;
	v8 =	vadd.f32 v8, v20;
	v16, _, _ =	vpop (xrf2);
	(xrf2) =	vadd.scan.msk.f32 $0xffff, v12;
	v12 =	vadd.f32 v15, v19  }
0xb8: {  	s12 =	sadd.s32 $0x3, s1;
	[tilespmem:v9+s18+$0x0] =	vst.idx.msk vm0, v26;
	v15 =	vadd.f32 v23, v22;
	v5, _, _ =	vpop (xrf2);
	(xrf2) =	vadd.scan.msk.f32 $0xffff, v14;
	v3 =	vadd.f32 v3, v4  }
0xb9: {  	v7 =	vmov s12;
	v17 =	vadd.f32 v25, v24;
	[tilespmem:v9+s19+$0x0] =	vst.idx.msk vm0, v6;
	v14, _, _ =	vpop (xrf2);
	(xrf2) =	vadd.scan.msk.f32 $0xffff, v8  }
0xba: {  	v4 =	vmov s1;
	v8 =	vadd.f32 v12, v13;
	(xrf2) =	vadd.scan.msk.f32 $0xffff, v15;
	v2 =	vadd.f32 v2, v3  }
0xbb: {  	s13 =	sadd.s32 $0x1, s1;
	[tilespmem:v11+s18+$0x0] =	vst.idx.msk vm0, v16;
	v4 =	vand.u32 $0xFFFFFFFC, v4;
	v12, _, _ =	vpop (xrf2);
	(xrf2) =	vadd.scan.msk.f32 $0xffff, v17  }
0xbc: {  	v3 =	vmov s13;
	v4 =	vbroadcast v4, $0x0;
	(xrf2) =	vadd.scan.msk.f32 $0xffff, v8;
	v1 =	vadd.f32 v1, v2  }
0xbd: {  	s14 =	sadd.s32 $0x2, s1;
	[tilespmem:v11+s19+$0x0] =	vst.idx.msk vm0, v5;
	v3 =	vand.u32 $0xFFFFFFFD, v3  }
0xbe: {  	[tilespmem:v7+s18+$0x0] =	vst.idx.msk vm0, v14;
	v2 =	vmov s14;
	v3 =	vbroadcast v3, $0x0  }
0xbf: {  	[tilespmem:v7+s19+$0x0] =	vst.idx.msk vm0, v12;
	v6, _, _ =	vpop (xrf2);
	v2 =	vand.u32 $0xFFFFFFFE, v2;
	(xrf2) =	vadd.scan.msk.f32 $0xffff, v1  }
0xc0: {  	[tilespmem:v10+s18+$0x0] =	vst.idx.msk vm0, v6;
	v2 =	vbroadcast v2, $0x0;
	v1, _, _ =	vpop (xrf2)  }
0xc1: {  	v5, _, _ =	vpop (xrf2);
	[tilespmem:v10+s19+$0x0] =	vst.idx.msk vm0, v1  }
0xc2: {  	v1, _, _ =	vpop (xrf2);
	[tilespmem:v4+s18+$0x0] =	vst.idx.msk vm0, v5  }
0xc3: {  	v5, _, _ =	vpop (xrf2);
	[tilespmem:v4+s19+$0x0] =	vst.idx.msk vm0, v1  }
0xc4: {  	v1, _, _ =	vpop (xrf2);
	[tilespmem:v3+s18+$0x0] =	vst.idx.msk vm0, v5  }
0xc5: {  	v4, _, _ =	vpop (xrf2);
	[tilespmem:v3+s19+$0x0] =	vst.idx.msk vm0, v1  }
0xc6: {  	v1, _, _ =	vpop (xrf2);
	[tilespmem:v2+s18+$0x0] =	vst.idx.msk vm0, v4  }
0xc7: {  	[tilespmem:v2+s19+$0x0] =	vst.idx.msk vm0, v1  }
0xc8: {  	v1 =	vld [tilespmem:$0xB080]  }
0xc9: {  	v2, _, _ =	vpop (xrf2)  }
0xca: {  	v2 =	vbroadcast v2, $0xF;
	_ =	sdelay $0x1  }
0xcb: {  	v3 =	vshra.s32 v2, $0x1  }
0xcc: {  	v2 =	vmul.f32 $5.000000000e-01, v2;
	v4 =	vshra.s32 v1, $0x1;
	v1 =	vmul.f32 $5.000000000e-01, v1  }
0xcd: {  	v3 =	vsub.s32 $0x5F3759DF, v3;
	v4 =	vsub.s32 $0x5F3759DF, v4  }
0xce: {  	v5 =	vmul.f32 v3, v2;
	v6 =	vmul.f32 v4, v1;
	_ =	sdelay $0x1  }
0xcf: {  	v5 =	vmul.f32 v3, v5;
	v6 =	vmul.f32 v4, v6;
	_ =	sdelay $0x1  }
0xd0: {  	v5 =	vsub.f32 $1.500000000e+00, v5;
	v6 =	vsub.f32 $1.500000000e+00, v6;
	_ =	sdelay $0x1  }
0xd1: {  	v3 =	vmul.f32 v3, v5;
	v4 =	vmul.f32 v4, v6;
	_ =	sdelay $0x1  }
0xd2: {  	v5 =	vmul.f32 v3, v2;
	v6 =	vmul.f32 v4, v1;
	_ =	sdelay $0x1  }
0xd3: {  	v5 =	vmul.f32 v5, v3;
	v6 =	vmul.f32 v6, v4;
	_ =	sdelay $0x1  }
0xd4: {  	v5 =	vsub.f32 $1.500000000e+00, v5;
	v6 =	vsub.f32 $1.500000000e+00, v6;
	_ =	sdelay $0x1  }
0xd5: {  	v3 =	vmul.f32 v5, v3;
	v4 =	vmul.f32 v6, v4;
	_ =	sdelay $0x1  }
0xd6: {  	v2 =	vmul.f32 v3, v2;
	v1 =	vmul.f32 v4, v1;
	_ =	sdelay $0x1  }
0xd7: {  	v2 =	vmul.f32 v2, v3;
	v1 =	vmul.f32 v1, v4  }
0xd8: {  	v5 =	vld [tilespmem:$0xB000]  }
0xd9: {  	v2 =	vsub.f32 $1.500000000e+00, v2;
	v1 =	vsub.f32 $1.500000000e+00, v1;
	_ =	sdelay $0x1  }
0xda: {  	v2 =	vmul.f32 v2, v3;
	v1 =	vmul.f32 v1, v4;
	_ =	sdelay $0x1  }
0xdb: {  	v2 =	vmul.f32 $1.428571410e+01, v2;
	v1 =	vmul.f32 v1, v5;
	_ =	sdelay $0x1  }
0xdc: {  	v1 =	vmul.f32 v1, v2;
	_ =	sdelay $0x1  }
0xdd: {  	[tilespmem:s28+$0xB100] =	vst v1  }
0xde: {  	v1 =	vld [tilespmem:$0xB090];
	_ =	sdelay $0x4  }
0xdf: {  	v3 =	vshra.s32 v1, $0x1;
	v1 =	vmul.f32 $5.000000000e-01, v1  }
0xe0: {  	v3 =	vsub.s32 $0x5F3759DF, v3  }
0xe1: {  	v4 =	vmul.f32 v3, v1;
	_ =	sdelay $0x1  }
0xe2: {  	v4 =	vmul.f32 v3, v4;
	_ =	sdelay $0x1  }
0xe3: {  	v4 =	vsub.f32 $1.500000000e+00, v4;
	_ =	sdelay $0x1  }
0xe4: {  	v3 =	vmul.f32 v3, v4;
	_ =	sdelay $0x1  }
0xe5: {  	v4 =	vmul.f32 v3, v1;
	_ =	sdelay $0x1  }
0xe6: {  	v4 =	vmul.f32 v4, v3;
	_ =	sdelay $0x1  }
0xe7: {  	v4 =	vsub.f32 $1.500000000e+00, v4;
	_ =	sdelay $0x1  }
0xe8: {  	v3 =	vmul.f32 v4, v3;
	_ =	sdelay $0x1  }
0xe9: {  	v1 =	vmul.f32 v3, v1;
	_ =	sdelay $0x1  }
0xea: {  	v1 =	vmul.f32 v1, v3  }
0xeb: {  	v4 =	vld [tilespmem:$0xB010]  }
0xec: {  	v1 =	vsub.f32 $1.500000000e+00, v1;
	_ =	sdelay $0x1  }
0xed: {  	v1 =	vmul.f32 v1, v3;
	_ =	sdelay $0x1  }
0xee: {  	v1 =	vmul.f32 v1, v4;
	_ =	sdelay $0x1  }
0xef: {  	v1 =	vmul.f32 v1, v2;
	_ =	sdelay $0x1  }
0xf0: {  	[tilespmem:s0+$0xB100] =	vst v1  }
0xf1: {  	v1 =	vld [tilespmem:$0xB0A0];
	_ =	sdelay $0x4  }
0xf2: {  	v3 =	vshra.s32 v1, $0x1;
	v1 =	vmul.f32 $5.000000000e-01, v1  }
0xf3: {  	v3 =	vsub.s32 $0x5F3759DF, v3  }
0xf4: {  	v4 =	vmul.f32 v3, v1;
	_ =	sdelay $0x1  }
0xf5: {  	v4 =	vmul.f32 v3, v4;
	_ =	sdelay $0x1  }
0xf6: {  	v4 =	vsub.f32 $1.500000000e+00, v4;
	_ =	sdelay $0x1  }
0xf7: {  	v3 =	vmul.f32 v3, v4;
	_ =	sdelay $0x1  }
0xf8: {  	v4 =	vmul.f32 v3, v1;
	_ =	sdelay $0x1  }
0xf9: {  	v4 =	vmul.f32 v4, v3;
	_ =	sdelay $0x1  }
0xfa: {  	v4 =	vsub.f32 $1.500000000e+00, v4;
	_ =	sdelay $0x1  }
0xfb: {  	v3 =	vmul.f32 v4, v3;
	_ =	sdelay $0x1  }
0xfc: {  	v1 =	vmul.f32 v3, v1;
	_ =	sdelay $0x1  }
0xfd: {  	v1 =	vmul.f32 v1, v3  }
0xfe: {  	v4 =	vld [tilespmem:$0xB020]  }
0xff: {  	v1 =	vsub.f32 $1.500000000e+00, v1;
	_ =	sdelay $0x1  }
0x100: {  	v1 =	vmul.f32 v1, v3;
	_ =	sdelay $0x1  }
0x101: {  	v1 =	vmul.f32 v1, v4;
	_ =	sdelay $0x1  }
0x102: {  	v1 =	vmul.f32 v1, v2;
	_ =	sdelay $0x1  }
0x103: {  	[tilespmem:s31+$0xB100] =	vst v1  }
0x104: {  	v1 =	vld [tilespmem:$0xB0B0];
	_ =	sdelay $0x4  }
0x105: {  	v3 =	vshra.s32 v1, $0x1;
	v1 =	vmul.f32 $5.000000000e-01, v1  }
0x106: {  	v3 =	vsub.s32 $0x5F3759DF, v3  }
0x107: {  	v4 =	vmul.f32 v3, v1;
	_ =	sdelay $0x1  }
0x108: {  	v4 =	vmul.f32 v3, v4;
	_ =	sdelay $0x1  }
0x109: {  	v4 =	vsub.f32 $1.500000000e+00, v4;
	_ =	sdelay $0x1  }
0x10a: {  	v3 =	vmul.f32 v3, v4;
	_ =	sdelay $0x1  }
0x10b: {  	v4 =	vmul.f32 v3, v1;
	_ =	sdelay $0x1  }
0x10c: {  	v4 =	vmul.f32 v4, v3;
	_ =	sdelay $0x1  }
0x10d: {  	v4 =	vsub.f32 $1.500000000e+00, v4;
	_ =	sdelay $0x1  }
0x10e: {  	v3 =	vmul.f32 v4, v3;
	_ =	sdelay $0x1  }
0x10f: {  	v1 =	vmul.f32 v3, v1;
	_ =	sdelay $0x1  }
0x110: {  	v1 =	vmul.f32 v1, v3  }
0x111: {  	v4 =	vld [tilespmem:$0xB030]  }
0x112: {  	v1 =	vsub.f32 $1.500000000e+00, v1;
	_ =	sdelay $0x1  }
0x113: {  	v1 =	vmul.f32 v1, v3;
	_ =	sdelay $0x1  }
0x114: {  	v1 =	vmul.f32 v1, v4;
	_ =	sdelay $0x1  }
0x115: {  	v1 =	vmul.f32 v1, v2;
	_ =	sdelay $0x1  }
0x116: {  	[tilespmem:s30+$0xB100] =	vst v1  }
0x117: {  	v1 =	vld [tilespmem:$0xB0C0];
	_ =	sdelay $0x4  }
0x118: {  	v3 =	vshra.s32 v1, $0x1;
	v1 =	vmul.f32 $5.000000000e-01, v1  }
0x119: {  	v3 =	vsub.s32 $0x5F3759DF, v3  }
0x11a: {  	v4 =	vmul.f32 v3, v1;
	_ =	sdelay $0x1  }
0x11b: {  	v4 =	vmul.f32 v3, v4;
	_ =	sdelay $0x1  }
0x11c: {  	v4 =	vsub.f32 $1.500000000e+00, v4;
	_ =	sdelay $0x1  }
0x11d: {  	v3 =	vmul.f32 v3, v4;
	_ =	sdelay $0x1  }
0x11e: {  	v4 =	vmul.f32 v3, v1;
	_ =	sdelay $0x1  }
0x11f: {  	v4 =	vmul.f32 v4, v3;
	_ =	sdelay $0x1  }
0x120: {  	v4 =	vsub.f32 $1.500000000e+00, v4;
	_ =	sdelay $0x1  }
0x121: {  	v3 =	vmul.f32 v4, v3;
	_ =	sdelay $0x1  }
0x122: {  	v1 =	vmul.f32 v3, v1;
	_ =	sdelay $0x1  }
0x123: {  	v1 =	vmul.f32 v1, v3  }
0x124: {  	v4 =	vld [tilespmem:$0xB040]  }
0x125: {  	v1 =	vsub.f32 $1.500000000e+00, v1;
	_ =	sdelay $0x1  }
0x126: {  	v1 =	vmul.f32 v1, v3;
	_ =	sdelay $0x1  }
0x127: {  	v1 =	vmul.f32 v1, v4;
	_ =	sdelay $0x1  }
0x128: {  	v1 =	vmul.f32 v1, v2;
	_ =	sdelay $0x1  }
0x129: {  	p0 =	seq.s32 s25, $0x7;
	[tilespmem:s29+$0xB100] =	vst v1  }
0x12a: {  	s0 =	sshll.u32 @!p0 s25, $0x9;
	_ =	swait.ge [sflag:s20], $0x2200  }
0x12b: {  	s9 =	simm.s32 @!p0 $0x2000;
	s29 =	sand.u32 @!p0 $0x3FFFFE00, s0;
	[sflag:s20] =	ssyncset.done $0x0  }
0x12c: {  	s1 =	simm.s32 @!p0 $0x44;
	s0 =	sadd.s32 @!p0 $0x200, s29;
	[sflag:s20] =	ssyncadd.s32 $0xFFFFDE00  }
0x12d: {  	[tilespmem:s9], [sflag:$0x1] =	stream.indirect.gather @!p0 [hbm4b:s2+s1], $0x80, s0, s1, $0xb8;
	[tilespmem:$0xC100] =	vst v63  }
0x12e: {  	v7 =	vld [tilespmem:s28+$0x1080]  }
0x12f: {  	v8 =	vld [tilespmem:s28+$0x1090]  }
0x130: {  	v6 =	vld [tilespmem:s28+$0x10A0]  }
0x131: {  	v5 =	vld [tilespmem:s28+$0x10B0]  }
0x132: {  	v4 =	vld [tilespmem:s28+$0x10C0]  }
0x133: {  	v3 =	vld [tilespmem:s28+$0x10D0]  }
0x134: {  	v2 =	vld [tilespmem:s28+$0x10E0]  }
0x135: {  	s9 =	simm.s32 $0x4500;
	v1 =	vld [tilespmem:s28+$0x10F0]  }
0x136: {  	v9 =	vld [tilespmem:s9+$0x80]  }
0x137: {  	v10 =	vld [tilespmem:s9+$0x90]  }
0x138: {  	v11 =	vld [tilespmem:s9+$0xA0]  }
0x139: {  	v12 =	vld [tilespmem:s9+$0xB0]  }
0x13a: {  	v13 =	vld [tilespmem:s9+$0xC0]  }
0x13b: {  	v14 =	vld [tilespmem:s9+$0xD0]  }
0x13c: {  	v15 =	vld [tilespmem:s9+$0xE0]  }
0x13d: {  	v16 =	vld [tilespmem:s9+$0xF0]  }
0x13e: {  	v17 =	vmul.f32 v9, v7  }
0x13f: {  	v18 =	vmul.f32 v10, v8;
	v19 =	vmul.f32 v11, v6  }
0x140: {  	v55 =	vld [tilespmem:s9+$0x20];
	v20 =	vmul.f32 v12, v5;
	v22 =	vmul.f32 v13, v4  }
0x141: {  	v59 =	vld [tilespmem:s9+$0x40];
	v23 =	vmul.f32 v14, v3;
	v25 =	vmul.f32 v15, v2  }
0x142: {  	v60 =	vld [tilespmem:s9+$0xFFFFFF00];
	v26 =	vmul.f32 v16, v1;
	v9 =	vmul.f32 v9, v9  }
0x143: {  	v61 =	vld [tilespmem:s9+$0x50];
	v10 =	vmul.f32 v10, v10;
	v11 =	vmul.f32 v11, v11  }
0x144: {  	v62 =	vld [tilespmem:s9+$0x60];
	v12 =	vmul.f32 v12, v12;
	v13 =	vmul.f32 v13, v13  }
0x145: {  	v21 =	vld [tilespmem:s9+$0xFFFFFF10];
	v14 =	vmul.f32 v14, v14;
	v15 =	vmul.f32 v15, v15  }
0x146: {  	v27 =	vld [tilespmem:s9+$0xFFFFFF30];
	v16 =	vmul.f32 v16, v16;
	v63 =	vmul.f32 v55, v6  }
0x147: {  	v28 =	vld [tilespmem:s9+$0xFFFFFF40];
	v48 =	vmul.f32 v60, v7;
	v40 =	vmul.f32 v60, v60  }
0x148: {  	v24 =	vld [tilespmem:s9+$0xFFFFFF20];
	v50 =	vmul.f32 v59, v4;
	v51 =	vmul.f32 v61, v3;
	v17 =	vadd.f32 v18, v17  }
0x149: {  	v52 =	vmul.f32 v62, v2;
	v19 =	vadd.f32 v20, v19;
	v20 =	vadd.f32 v23, v22  }
0x14a: {  	v29 =	vld [tilespmem:s9+$0xFFFFFF50];
	v33 =	vmul.f32 v62, v62;
	v23 =	vadd.f32 v26, v25;
	v9 =	vadd.f32 v10, v9  }
0x14b: {  	v11 =	vadd.f32 v12, v11;
	v12 =	vmul.f32 v21, v8;
	v13 =	vadd.f32 v14, v13  }
0x14c: {  	v18 =	vld [tilespmem:s9+$0xFFFFFF60];
	v15 =	vadd.f32 v16, v15;
	v16 =	vmul.f32 v27, v5;
	v25 =	vmul.f32 v28, v4  }
0x14d: {  	v22 =	vld [tilespmem:s9+$0xFFFFFF70];
	v17 =	vadd.f32 v19, v17;
	v20 =	vadd.f32 v23, v20;
	v23 =	vmul.f32 v24, v6  }
0x14e: {  	v14 =	vld [tilespmem:s9+$0xFFFFFFA0];
	v21 =	vmul.f32 v21, v21;
	v9 =	vadd.f32 v11, v9;
	v13 =	vadd.f32 v15, v13  }
0x14f: {  	v31 =	vld [tilespmem:s9+$0xFFFFFFD0];
	v17 =	vadd.f32 v20, v17;
	v20 =	vmul.f32 v29, v3;
	v16 =	vadd.f32 v16, v23  }
0x150: {  	s11 =	simm.s32 $0x3;
	v10 =	vld [tilespmem:s9+$0xFFFFFF80];
	v23 =	vmul.f32 v24, v24;
	v9 =	vadd.f32 v13, v9;
	v13 =	vmul.f32 v27, v27  }
0x151: {  	v39 =	vmov s11;
	s12 =	simm.s32 $0x0;
	v19 =	vld [tilespmem:s9+$0xFFFFFF90];
	v27 =	vmul.f32 v28, v28;
	v15 =	vmul.f32 v18, v2  }
0x152: {  	v49 =	vmov s12;
	v11 =	vld [tilespmem:s9+$0xFFFFFFC0];
	v30 =	vmul.f32 v22, v1;
	v18 =	vmul.f32 v18, v18  }
0x153: {  	v53 =	vld [tilespmem:s9+$0x10];
	v12 =	vadd.f32 v12, v48;
	v22 =	vmul.f32 v22, v22;
	v54 =	vmul.f32 v14, v6  }
0x154: {  	v26 =	vld [tilespmem:s9+$0xFFFFFFB0];
	v14 =	vmul.f32 v14, v14;
	v20 =	vadd.f32 v20, v25;
	v13 =	vadd.f32 v13, v23  }
0x155: {  	v24 =	vld [tilespmem:s9+$0xFFFFFFE0];
	v25 =	vmul.f32 v29, v29;
	(xrf2) =	vadd.scan.msk.f32 $0xffff, v17;
	v17 =	vadd.f32 v21, v40;
	v12 =	vadd.f32 v16, v12  }
0x156: {  	v28 =	vld [tilespmem:s9+$0xFFFFFFF0];
	v15 =	vadd.f32 v30, v15;
	v30 =	vmul.f32 v10, v7;
	v23 =	vmul.f32 v19, v8  }
0x157: {  	s14 =	simm.s32 $0x2;
	v56 =	vmul.f32 v11, v4;
	v22 =	vadd.f32 v22, v18;
	v18 =	vmul.f32 v31, v3  }
0x158: {  	v16 =	vmov s14;
	v10 =	vmul.f32 v10, v10;
	v19 =	vmul.f32 v19, v19  }
0x159: {  	v11 =	vmul.f32 v11, v11;
	(xrf2) =	vadd.scan.msk.f32 $0xffff, v9;
	v9 =	vmul.f32 v53, v53;
	v25 =	vadd.f32 v25, v27  }
0x15a: {  	v57 =	vld [tilespmem:s9+$0x30];
	v27 =	vmul.f32 v26, v5;
	v26 =	vmul.f32 v26, v26;
	v13 =	vadd.f32 v13, v17  }
0x15b: {  	v58 =	vmul.f32 v24, v2;
	v30 =	vadd.f32 v23, v30;
	v23 =	vmul.f32 v28, v1  }
0x15c: {  	v29 =	vld [tilespmem:s9+$0x0];
	v35 =	vadd.f32 v18, v56;
	v18 =	vmul.f32 v31, v31;
	v24 =	vmul.f32 v24, v24  }
0x15d: {  	v10 =	vadd.f32 v19, v10;
	v19 =	vmul.f32 v53, v8;
	v53 =	vmul.f32 v55, v55  }
0x15e: {  	v55 =	vmul.f32 v61, v61;
	v56 =	vadd.f32 v51, v50;
	v15 =	vadd.f32 v15, v20  }
0x15f: {  	v27 =	vadd.f32 v27, v54;
	v14 =	vadd.f32 v26, v14;
	v26 =	vmul.f32 v57, v5  }
0x160: {  	v31 =	vld [tilespmem:s9+$0x70];
	v20 =	vadd.f32 v22, v25;
	v37 =	vadd.f32 v23, v58;
	v23 =	vmul.f32 v28, v28  }
0x161: {  	v28 =	vmul.f32 v29, v7;
	v11 =	vadd.f32 v18, v11;
	v12 =	vadd.f32 v15, v12  }
0x162: {  	s12 =	simm.s32 $0x4700;
	v29 =	vmul.f32 v29, v29;
	v22 =	vadd.f32 v27, v30;
	v60 =	vadd.f32 v14, v10  }
0x163: {  	v25 =	vld [tilespmem:s12+$0xD0];
	v10 =	vand.u32 $0xFFFFFFFE, v16;
	v15 =	vadd.f32 v20, v13;
	v54 =	vadd.f32 v23, v24  }
0x164: {  	s13 =	simm.s32 $0x1;
	v18 =	vld [tilespmem:s12+$0x90];
	v23 =	vmul.f32 v57, v57;
	v24 =	vmul.f32 v59, v59;
	v19 =	vadd.f32 v19, v28  }
0x165: {  	v27 =	vld [tilespmem:s12+$0xF0];
	v29 =	vadd.f32 v9, v29;
	v59 =	vmov s13;
	v21 =	vmul.f32 v31, v1  }
0x166: {  	v57 =	vld [tilespmem:s12+$0x80];
	v28 =	vmul.f32 v31, v31;
	v31 =	vadd.f32 v26, v63;
	v26 =	vand.u32 $0xFFFFFFFC, v49  }
0x167: {  	v35 =	vadd.f32 v37, v35;
	v10 =	vbroadcast v10, $0x0;
	v32 =	vadd.f32 v23, v53;
	v23 =	vld [tilespmem:s12+$0xB0]  }
0x168: {  	v17 =	vand.u32 $0xFFFFFFFD, v59;
	v36 =	vadd.f32 v55, v24;
	v24 =	vld [tilespmem:s12+$0xC0];
	v61 =	vadd.f32 v54, v11  }
0x169: {  	v9 =	vbroadcast v26, $0x0;
	v58 =	vadd.f32 v21, v52;
	v21 =	vld [tilespmem:s12+$0xA0];
	v33 =	vadd.f32 v28, v33;
	v26, _, _ =	vpop (xrf2)  }
0x16a: {  	v11 =	vbroadcast v17, $0x0;
	v62 =	vadd.f32 v31, v19;
	v31 =	vmul.f32 v18, v8;
	[tilespmem:v39+s18+$0x0] =	vst.idx.msk vm0, v26;
	v26 =	vld [tilespmem:s12+$0xE0]  }
0x16b: {  	v16 =	vld [tilespmem:s12+$0xFFFFFF10];
	v29 =	vadd.f32 v32, v29;
	v13 =	vadd.f32 v61, v60;
	v38 =	vmul.f32 v27, v1  }
0x16c: {  	v20 =	vld [tilespmem:s12+$0xFFFFFF40];
	v14, _, _ =	vpop (xrf2);
	v63 =	vadd.f32 v58, v56;
	v28 =	vmul.f32 v57, v7;
	v34 =	vadd.f32 v33, v36  }
0x16d: {  	s11 =	simm.s32 $0x4;
	v17 =	vld [tilespmem:s12+$0xFFFFFF20];
	(xrf2) =	vadd.scan.msk.f32 $0xffff, v12;
	v36 =	vmul.f32 v25, v3;
	v37 =	vmul.f32 v57, v57;
	[tilespmem:v39+s19+$0x0] =	vst.idx.msk vm0, v14  }
0x16e: {  	s31 =	sor.u32 $0xB0, s28;
	s30 =	sor.u32 $0xC0, s28;
	s1 =	sor.u32 $0x90, s28;
	v19 =	vld [tilespmem:s12+$0xFFFFFF30];
	v14 =	vadd.f32 v35, v22;
	v33 =	vmul.f32 v23, v5;
	v32 =	vmul.f32 v24, v4  }
0x16f: {  	s0 =	sor.u32 $0xA0, s28;
	s9 =	sor.u32 $0x80, s28;
	s13 =	simm.s32 $0x8;
	v22 =	vld [tilespmem:s12+$0xFFFFFF50];
	v12 =	vadd.f32 v63, v62;
	v30 =	vmul.f32 v21, v6;
	v35 =	vmul.f32 v26, v2  }
.LBB2_5:
0x170: {  	p1 =	slt.u32 s13, $0x40;
	v39 =	vld [tilespmem:s12+$0xFFFFFF60];
	v18 =	vmul.f32 v18, v18;
	v21 =	vmul.f32 v21, v21;
	v29 =	vadd.f32 v34, v29;
	(xrf2) =	vadd.scan.msk.f32 $0xffff, v15  }
0x171: {  	v23 =	vmul.f32 v23, v23;
	v24 =	vmul.f32 v24, v24;
	v15 =	vld [tilespmem:s12+$0xFFFFFF70]  }
0x172: {  	v25 =	vmul.f32 v25, v25;
	v28 =	vadd.f32 v31, v28;
	v30 =	vadd.f32 v33, v30;
	v34 =	vld [tilespmem:s12+$0xFFFFFF80]  }
0x173: {  	v26 =	vmul.f32 v26, v26;
	v32 =	vadd.f32 v36, v32;
	v33 =	vadd.f32 v38, v35;
	v31 =	vld [tilespmem:s12+$0xFFFFFF90];
	(xrf2) =	vadd.scan.msk.f32 $0xffff, v14  }
0x174: {  	v27 =	vmul.f32 v27, v27;
	v18 =	vadd.f32 v18, v37;
	v21 =	vadd.f32 v23, v21;
	v14 =	vld [tilespmem:s12+$0xFFFFFFA0]  }
0x175: {  	v23 =	vmul.f32 v16, v8;
	v28 =	vadd.f32 v30, v28;
	v36 =	vadd.f32 v33, v32;
	v35 =	vld [tilespmem:s12+$0xFFFFFFB0]  }
0x176: {  	v24 =	vadd.f32 v25, v24;
	v25 =	vadd.f32 v27, v26;
	v32 =	vmul.f32 v17, v6;
	v33 =	vld [tilespmem:s12+$0xFFFFFFC0];
	(xrf2) =	vadd.scan.msk.f32 $0xffff, v13  }
0x177: {  	v26 =	vmul.f32 v20, v4;
	v28 =	vadd.f32 v36, v28;
	v13 =	vmul.f32 v19, v5;
	v27 =	vld [tilespmem:s12+$0xFFFFFFD0];
	v30, _, _ =	vpop (xrf2)  }
0x178: {  	v18 =	vadd.f32 v21, v18;
	v38 =	vadd.f32 v25, v24;
	v36 =	vmul.f32 v22, v3;
	v37 =	vld [tilespmem:s12+$0xFFFFFFE0]  }
0x179: {  	v24 =	vmul.f32 v39, v2;
	v25 =	vmul.f32 v15, v1;
	v13 =	vadd.f32 v13, v32;
	v32 =	vld [tilespmem:s12+$0xFFFFFFF0];
	(xrf2) =	vadd.scan.msk.f32 $0xffff, v28  }
0x17a: {  	v16 =	vmul.f32 v16, v16;
	v17 =	vmul.f32 v17, v17;
	v18 =	vadd.f32 v38, v18;
	v28 =	vld [tilespmem:s12+$0x0];
	v21, _, _ =	vpop (xrf2)  }
0x17b: {  	v20 =	vmul.f32 v20, v20;
	v19 =	vmul.f32 v19, v19;
	v26 =	vadd.f32 v36, v26;
	v36 =	vld [tilespmem:s12+$0x10]  }
0x17c: {  	v22 =	vmul.f32 v22, v22;
	v38 =	vmul.f32 v39, v39;
	v24 =	vadd.f32 v25, v24;
	v25 =	vld [tilespmem:s12+$0x20];
	(xrf2) =	vadd.scan.msk.f32 $0xffff, v18  }
0x17d: {  	v15 =	vmul.f32 v15, v15;
	v17 =	vadd.f32 v19, v17;
	v18 =	vmul.f32 v34, v7;
	v19 =	vld [tilespmem:s12+$0x30];
	v39, _, _ =	vpop (xrf2)  }
0x17e: {  	v20 =	vadd.f32 v22, v20;
	v22 =	vmul.f32 v31, v8;
	v40 =	vmul.f32 v14, v6;
	v41 =	vld [tilespmem:s12+$0x40]  }
0x17f: {  	v15 =	vadd.f32 v15, v38;
	v38 =	vmul.f32 v35, v5;
	v42 =	vmul.f32 v33, v4;
	v43 =	vld [tilespmem:s12+$0x50];
	(xrf2) =	vadd.scan.msk.f32 $0xffff, v12  }
0x180: {  	s14 =	sadd.s32 $0x3, s11;
	v44 =	vmul.f32 v37, v2;
	v22 =	vadd.f32 v22, v18;
	v12 =	vmul.f32 v27, v3;
	v18 =	vld [tilespmem:s12+$0x60];
	v45, _, _ =	vpop (xrf2)  }
0x181: {  	v48 =	vmov s14;
	v34 =	vmul.f32 v34, v34;
	v46 =	vmul.f32 v32, v1;
	v47 =	vld [tilespmem:s12+$0x70];
	[tilespmem:v9+s18+$0x0] =	vst.idx.msk vm0, v30  }
0x182: {  	v31 =	vmul.f32 v31, v31;
	v14 =	vmul.f32 v14, v14;
	v38 =	vadd.f32 v38, v40;
	v30 =	vld [tilespmem:s12+$0xFFFFFF00];
	(xrf2) =	vadd.scan.msk.f32 $0xffff, v29  }
0x183: {  	v33 =	vmul.f32 v33, v33;
	v12 =	vadd.f32 v12, v42;
	v29 =	vmul.f32 v35, v35;
	v35, _, _ =	vpop (xrf2)  }
0x184: {  	v37 =	vmul.f32 v37, v37;
	v27 =	vmul.f32 v27, v27;
	v40 =	vadd.f32 v46, v44  }
0x185: {  	v32 =	vmul.f32 v32, v32;
	v31 =	vadd.f32 v31, v34;
	v34 =	vmul.f32 v28, v7  }
0x186: {  	v42 =	vmul.f32 v36, v8;
	v44 =	vmul.f32 v25, v6;
	[tilespmem:v48+s18+$0x0] =	vst.idx.msk vm0, v35;
	v35, _, _ =	vpop (xrf2)  }
0x187: {  	v49 =	vmov s11;
	v46 =	vmul.f32 v30, v7;
	v30 =	vmul.f32 v30, v30;
	[tilespmem:v48+s19+$0x0] =	vst.idx.msk vm0, v35  }
0x188: {  	v14 =	vadd.f32 v29, v14;
	v29 =	vmul.f32 v19, v5;
	v35 =	vmul.f32 v41, v4  }
0x189: {  	v48 =	vmul.f32 v18, v2;
	v23 =	vadd.f32 v23, v46;
	v46 =	vmul.f32 v43, v3;
	v50, _, _ =	vpop (xrf2)  }
0x18a: {  	v28 =	vmul.f32 v28, v28;
	v16 =	vadd.f32 v16, v30;
	v30 =	vmul.f32 v47, v1  }
0x18b: {  	v27 =	vadd.f32 v27, v33;
	v33 =	vmul.f32 v36, v36;
	v25 =	vmul.f32 v25, v25  }
0x18c: {  	v32 =	vadd.f32 v32, v37;
	v36 =	vmul.f32 v41, v41;
	v19 =	vmul.f32 v19, v19;
	v37, _, _ =	vpop (xrf2)  }
0x18d: {  	v34 =	vadd.f32 v42, v34;
	v41 =	vmul.f32 v43, v43;
	v43 =	vmul.f32 v18, v18  }
0x18e: {  	s12 =	sadd.s32 $0x200, s12;
	v42 =	vmul.f32 v47, v47;
	v29 =	vadd.f32 v29, v44;
	v35 =	vadd.f32 v46, v35  }
0x18f: {  	s14 =	sadd.s32 $0x1, s11;
	v28 =	vadd.f32 v33, v28;
	v46 =	vand.u32 $0xFFFFFFFC, v49;
	v30 =	vadd.f32 v30, v48;
	v44 =	vld [tilespmem:s12+$0x80];
	[tilespmem:v9+s19+$0x0] =	vst.idx.msk vm0, v21  }
0x190: {  	v33 =	vmov s14;
	s14 =	sadd.s32 $0x2, s11;
	s11 =	smov.u32 s13;
	v19 =	vadd.f32 v19, v25;
	v36 =	vadd.f32 v41, v36;
	v18 =	vld [tilespmem:s12+$0x90];
	[tilespmem:v11+s18+$0x0] =	vst.idx.msk vm0, v39  }
0x191: {  	v41 =	vmov s14;
	v13 =	vadd.f32 v13, v23;
	v39 =	vadd.f32 v42, v43;
	v21 =	vld [tilespmem:s12+$0xA0];
	[tilespmem:v11+s19+$0x0] =	vst.idx.msk vm0, v45  }
0x192: {  	v9 =	vbroadcast v46, $0x0;
	v42 =	vadd.f32 v24, v26;
	v43 =	vadd.f32 v17, v16;
	v23 =	vld [tilespmem:s12+$0xB0];
	[tilespmem:v10+s18+$0x0] =	vst.idx.msk vm0, v50  }
0x193: {  	v15 =	vadd.f32 v15, v20;
	v20 =	vadd.f32 v38, v22;
	v11 =	vand.u32 $0xFFFFFFFD, v33;
	v24 =	vld [tilespmem:s12+$0xC0];
	[tilespmem:v10+s19+$0x0] =	vst.idx.msk vm0, v37  }
0x194: {  	v12 =	vadd.f32 v40, v12;
	v22 =	vadd.f32 v14, v31;
	v10 =	vand.u32 $0xFFFFFFFE, v41;
	v25 =	vld [tilespmem:s12+$0xD0]  }
0x195: {  	v40 =	vadd.f32 v29, v34;
	v11 =	vbroadcast v11, $0x0;
	v37 =	vadd.f32 v32, v27;
	v26 =	vld [tilespmem:s12+$0xE0]  }
0x196: {  	v29 =	vadd.f32 v19, v28;
	v41 =	vadd.f32 v30, v35;
	v10 =	vbroadcast v10, $0x0;
	v27 =	vld [tilespmem:s12+$0xF0]  }
.Ltmp1:
0x197: {  	v13 =	vadd.f32 v42, v13;
	v34 =	vadd.f32 v39, v36;
	v28 =	vmul.f32 v44, v7;
	v16 =	vld [tilespmem:s12+$0xFFFFFF10];
	(pc) =	sbr.rel @p1 .LBB2_5-.Ltmp1, $4  }
0x198: {  	v15 =	vadd.f32 v15, v43;
	v31 =	vmul.f32 v18, v8;
	v30 =	vmul.f32 v21, v6;
	v17 =	vld [tilespmem:s12+$0xFFFFFF20]  }
0x199: {  	v14 =	vadd.f32 v12, v20;
	v33 =	vmul.f32 v23, v5;
	v32 =	vmul.f32 v24, v4;
	v19 =	vld [tilespmem:s12+$0xFFFFFF30];
	(xrf2) =	vadd.scan.msk.f32 $0xffff, v13  }
0x19a: {  	v36 =	vmul.f32 v25, v3;
	v13 =	vadd.f32 v37, v22;
	v20 =	vld [tilespmem:s12+$0xFFFFFF40];
	v35 =	vmul.f32 v26, v2  }
0x19b: {  	s13 =	sadd.s32 $0x4, s13;
	v12 =	vadd.f32 v41, v40;
	v37 =	vmul.f32 v44, v44;
	v22 =	vld [tilespmem:s12+$0xFFFFFF50];
	v38 =	vmul.f32 v27, v1  }
0x19c: {  	v39 =	vmul.f32 v18, v18;
	v21 =	vmul.f32 v21, v21  }
0x19d: {  	v18 =	vadd.f32 v34, v29;
	v23 =	vmul.f32 v23, v23;
	v29 =	vld [tilespmem:s12+$0xFFFFFF60];
	v24 =	vmul.f32 v24, v24  }
0x19e: {  	v25 =	vmul.f32 v25, v25;
	v28 =	vadd.f32 v31, v28;
	v31 =	vld [tilespmem:s12+$0xFFFFFF70];
	v30 =	vadd.f32 v33, v30  }
0x19f: {  	v26 =	vmul.f32 v26, v26;
	v32 =	vadd.f32 v36, v32;
	v55 =	vld [tilespmem:s12+$0xFFFFFF80];
	v27 =	vmul.f32 v27, v27  }
0x1a0: {  	v54 =	vld [tilespmem:s12+$0xFFFFFF90];
	v56 =	vmul.f32 v17, v6;
	v17 =	vmul.f32 v17, v17;
	v21 =	vadd.f32 v23, v21  }
0x1a1: {  	v58 =	vld [tilespmem:s12+$0xFFFFFFC0];
	v23 =	vmul.f32 v16, v8;
	v26 =	vadd.f32 v27, v26;
	v27 =	vmul.f32 v19, v5  }
0x1a2: {  	v40 =	vld [tilespmem:s12+$0xFFFFFFD0];
	v52 =	vadd.f32 v38, v35;
	v16 =	vmul.f32 v16, v16;
	v19 =	vmul.f32 v19, v19  }
0x1a3: {  	v41 =	vld [tilespmem:s12+$0xFFFFFFE0];
	v53 =	vadd.f32 v39, v37;
	v57 =	vmul.f32 v20, v4;
	v20 =	vmul.f32 v20, v20  }
0x1a4: {  	v28 =	vadd.f32 v30, v28;
	v59 =	vmul.f32 v22, v3;
	v22 =	vmul.f32 v22, v22  }
0x1a5: {  	v34 =	vld [tilespmem:s12+$0x0];
	v24 =	vadd.f32 v25, v24;
	v60 =	vmul.f32 v29, v2;
	v61 =	vmul.f32 v31, v1  }
0x1a6: {  	v63 =	vld [tilespmem:s12+$0x20];
	v32 =	vadd.f32 v52, v32;
	v62 =	vmul.f32 v55, v7;
	v42 =	vmul.f32 v54, v8  }
0x1a7: {  	v21 =	vadd.f32 v21, v53;
	v45 =	vmul.f32 v58, v4;
	v46 =	vmul.f32 v40, v3  }
0x1a8: {  	v30 =	vld [tilespmem:s12+$0xFFFFFFA0];
	v24 =	vadd.f32 v26, v24;
	v47 =	vmul.f32 v41, v2;
	v36 =	vmul.f32 v54, v54  }
0x1a9: {  	v25 =	vld [tilespmem:s12+$0xFFFFFFB0];
	v26 =	vadd.f32 v27, v56;
	v38 =	vmul.f32 v58, v58;
	v40 =	vmul.f32 v40, v40  }
0x1aa: {  	v17 =	vadd.f32 v19, v17;
	v41 =	vmul.f32 v41, v41;
	v58 =	vmul.f32 v34, v7  }
0x1ab: {  	v49 =	vld [tilespmem:s12+$0x50];
	v28 =	vadd.f32 v32, v28;
	v34 =	vmul.f32 v34, v34;
	v39 =	vmul.f32 v63, v63  }
0x1ac: {  	v27 =	vld [tilespmem:s12+$0xFFFFFFF0];
	v21 =	vadd.f32 v24, v21;
	v24 =	vmul.f32 v29, v29;
	v29 =	vmul.f32 v31, v31  }
0x1ad: {  	v19 =	vld [tilespmem:s12+$0x30];
	v31 =	vadd.f32 v59, v57;
	v20 =	vadd.f32 v22, v20;
	v43 =	vmul.f32 v30, v6  }
0x1ae: {  	v56 =	vld [tilespmem:s12+$0x70];
	v35 =	vadd.f32 v61, v60;
	v44 =	vmul.f32 v25, v5;
	v30 =	vmul.f32 v30, v30  }
0x1af: {  	v32 =	vld [tilespmem:s12+$0x10];
	v37 =	vadd.f32 v42, v62;
	v25 =	vmul.f32 v25, v25;
	v60 =	vmul.f32 v63, v6  }
0x1b0: {  	v45 =	vadd.f32 v46, v45;
	v61 =	vmul.f32 v49, v3;
	v63 =	vmul.f32 v49, v49  }
0x1b1: {  	v22 =	vld [tilespmem:s12+$0x40];
	v24 =	vadd.f32 v29, v24;
	v29 =	vmul.f32 v55, v55;
	v48 =	vmul.f32 v27, v1  }
0x1b2: {  	v27 =	vmul.f32 v27, v27;
	v25 =	vadd.f32 v25, v30;
	v30 =	vmul.f32 v19, v5  }
0x1b3: {  	v42 =	vld [tilespmem:s12+$0x60];
	v38 =	vadd.f32 v40, v38;
	v62 =	vmul.f32 v56, v1;
	v19 =	vmul.f32 v19, v19  }
0x1b4: {  	(xrf2) =	vadd.scan.msk.f32 $0xffff, v15;
	v55 =	vld [tilespmem:s12+$0xFFFFFF00];
	v43 =	vadd.f32 v44, v43;
	v15 =	vmul.f32 v56, v56;
	v59 =	vmul.f32 v32, v8  }
0x1b5: {  	v29 =	vadd.f32 v36, v29;
	v32 =	vmul.f32 v32, v32;
	v8 =	vmul.f32 v8, v8  }
0x1b6: {  	(xrf2) =	vadd.scan.msk.f32 $0xffff, v14;
	v57 =	vadd.f32 v48, v47;
	v51 =	vmul.f32 v22, v4;
	v27 =	vadd.f32 v27, v41  }
0x1b7: {  	(xrf2) =	vadd.scan.msk.f32 $0xffff, v13;
	v22 =	vmul.f32 v22, v22;
	v30 =	vadd.f32 v30, v60;
	v14 =	vadd.f32 v19, v39  }
0x1b8: {  	(xrf2) =	vadd.scan.msk.f32 $0xffff, v28;
	v52 =	vmul.f32 v42, v2;
	v49 =	vadd.f32 v59, v58;
	v42 =	vmul.f32 v42, v42  }
0x1b9: {  	(xrf2) =	vadd.scan.msk.f32 $0xffff, v21;
	v32 =	vadd.f32 v32, v34;
	v21 =	vadd.f32 v25, v29;
	v50 =	vmul.f32 v55, v7  }
0x1ba: {  	v33 =	vmul.f32 v55, v55;
	v51 =	vadd.f32 v61, v51;
	v19 =	vadd.f32 v63, v22  }
0x1bb: {  	v22 =	vadd.f32 v35, v31;
	v7 =	vmul.f32 v7, v7;
	v15 =	vadd.f32 v15, v42  }
0x1bc: {  	v23 =	vadd.f32 v23, v50;
	v16 =	vadd.f32 v16, v33  }
0x1bd: {  	v33 =	vadd.f32 v62, v52;
	v7 =	vadd.f32 v8, v7  }
0x1be: {  	v6 =	vmul.f32 v6, v6;
	v8 =	vadd.f32 v57, v45;
	v13 =	vadd.f32 v26, v23  }
0x1bf: {  	v16 =	vadd.f32 v17, v16;
	v17 =	vadd.f32 v24, v20  }
0x1c0: {  	v5 =	vmul.f32 v5, v5;
	v20 =	vadd.f32 v43, v37;
	v6 =	vadd.f32 v6, v7  }
0x1c1: {  	v23 =	vadd.f32 v27, v38;
	v24 =	vadd.f32 v30, v49  }
0x1c2: {  	v4 =	vmul.f32 v4, v4;
	v26, _, _ =	vpop (xrf2);
	(xrf2) =	vadd.scan.msk.f32 $0xffff, v12;
	v12 =	vadd.f32 v22, v13;
	v5 =	vadd.f32 v5, v6  }
0x1c3: {  	v3 =	vmul.f32 v3, v3;
	v13 =	vadd.f32 v14, v32;
	v14 =	vadd.f32 v17, v16  }
0x1c4: {  	v1 =	vmul.f32 v1, v1;
	v25 =	vadd.f32 v33, v51;
	v6, _, _ =	vpop (xrf2);
	(xrf2) =	vadd.scan.msk.f32 $0xffff, v18;
	v4 =	vadd.f32 v4, v5  }
0x1c5: {  	v2 =	vmul.f32 v2, v2;
	v8 =	vadd.f32 v8, v20;
	v16, _, _ =	vpop (xrf2);
	(xrf2) =	vadd.scan.msk.f32 $0xffff, v12;
	v12 =	vadd.f32 v15, v19  }
0x1c6: {  	s14 =	sadd.s32 $0x3, s11;
	[tilespmem:v9+s18+$0x0] =	vst.idx.msk vm0, v26;
	v15 =	vadd.f32 v23, v21;
	v5, _, _ =	vpop (xrf2);
	(xrf2) =	vadd.scan.msk.f32 $0xffff, v14;
	v3 =	vadd.f32 v3, v4  }
0x1c7: {  	v7 =	vmov s14;
	v17 =	vadd.f32 v25, v24;
	[tilespmem:v9+s19+$0x0] =	vst.idx.msk vm0, v6;
	v14, _, _ =	vpop (xrf2);
	(xrf2) =	vadd.scan.msk.f32 $0xffff, v8  }
0x1c8: {  	v4 =	vmov s11;
	v8 =	vadd.f32 v12, v13;
	(xrf2) =	vadd.scan.msk.f32 $0xffff, v15;
	v2 =	vadd.f32 v2, v3  }
0x1c9: {  	s13 =	sadd.s32 $0x1, s11;
	[tilespmem:v11+s18+$0x0] =	vst.idx.msk vm0, v16;
	v4 =	vand.u32 $0xFFFFFFFC, v4;
	v12, _, _ =	vpop (xrf2);
	(xrf2) =	vadd.scan.msk.f32 $0xffff, v17  }
0x1ca: {  	v3 =	vmov s13;
	v4 =	vbroadcast v4, $0x0;
	(xrf2) =	vadd.scan.msk.f32 $0xffff, v8;
	v1 =	vadd.f32 v1, v2  }
0x1cb: {  	s14 =	sadd.s32 $0x2, s11;
	[tilespmem:v11+s19+$0x0] =	vst.idx.msk vm0, v5;
	v3 =	vand.u32 $0xFFFFFFFD, v3  }
0x1cc: {  	[tilespmem:v7+s18+$0x0] =	vst.idx.msk vm0, v14;
	v2 =	vmov s14;
	v3 =	vbroadcast v3, $0x0  }
0x1cd: {  	[tilespmem:v7+s19+$0x0] =	vst.idx.msk vm0, v12;
	v6, _, _ =	vpop (xrf2);
	v2 =	vand.u32 $0xFFFFFFFE, v2;
	(xrf2) =	vadd.scan.msk.f32 $0xffff, v1  }
0x1ce: {  	[tilespmem:v10+s18+$0x0] =	vst.idx.msk vm0, v6;
	v2 =	vbroadcast v2, $0x0;
	v1, _, _ =	vpop (xrf2)  }
0x1cf: {  	v5, _, _ =	vpop (xrf2);
	[tilespmem:v10+s19+$0x0] =	vst.idx.msk vm0, v1  }
0x1d0: {  	v1, _, _ =	vpop (xrf2);
	[tilespmem:v4+s18+$0x0] =	vst.idx.msk vm0, v5  }
0x1d1: {  	v5, _, _ =	vpop (xrf2);
	[tilespmem:v4+s19+$0x0] =	vst.idx.msk vm0, v1  }
0x1d2: {  	v1, _, _ =	vpop (xrf2);
	[tilespmem:v3+s18+$0x0] =	vst.idx.msk vm0, v5  }
0x1d3: {  	v4, _, _ =	vpop (xrf2);
	[tilespmem:v3+s19+$0x0] =	vst.idx.msk vm0, v1  }
0x1d4: {  	v1, _, _ =	vpop (xrf2);
	[tilespmem:v2+s18+$0x0] =	vst.idx.msk vm0, v4  }
0x1d5: {  	[tilespmem:v2+s19+$0x0] =	vst.idx.msk vm0, v1  }
0x1d6: {  	v1 =	vld [tilespmem:$0xB080]  }
0x1d7: {  	v2, _, _ =	vpop (xrf2)  }
0x1d8: {  	v2 =	vbroadcast v2, $0xF;
	_ =	sdelay $0x1  }
0x1d9: {  	v3 =	vshra.s32 v2, $0x1  }
0x1da: {  	v2 =	vmul.f32 $5.000000000e-01, v2;
	v4 =	vshra.s32 v1, $0x1;
	v1 =	vmul.f32 $5.000000000e-01, v1  }
0x1db: {  	v3 =	vsub.s32 $0x5F3759DF, v3;
	v4 =	vsub.s32 $0x5F3759DF, v4  }
0x1dc: {  	v5 =	vmul.f32 v3, v2;
	v6 =	vmul.f32 v4, v1;
	_ =	sdelay $0x1  }
0x1dd: {  	v5 =	vmul.f32 v3, v5;
	v6 =	vmul.f32 v4, v6;
	_ =	sdelay $0x1  }
0x1de: {  	v5 =	vsub.f32 $1.500000000e+00, v5;
	v6 =	vsub.f32 $1.500000000e+00, v6;
	_ =	sdelay $0x1  }
0x1df: {  	v3 =	vmul.f32 v3, v5;
	v4 =	vmul.f32 v4, v6;
	_ =	sdelay $0x1  }
0x1e0: {  	v5 =	vmul.f32 v3, v2;
	v6 =	vmul.f32 v4, v1;
	_ =	sdelay $0x1  }
0x1e1: {  	v5 =	vmul.f32 v5, v3;
	v6 =	vmul.f32 v6, v4;
	_ =	sdelay $0x1  }
0x1e2: {  	v5 =	vsub.f32 $1.500000000e+00, v5;
	v6 =	vsub.f32 $1.500000000e+00, v6;
	_ =	sdelay $0x1  }
0x1e3: {  	v3 =	vmul.f32 v5, v3;
	v4 =	vmul.f32 v6, v4;
	_ =	sdelay $0x1  }
0x1e4: {  	v2 =	vmul.f32 v3, v2;
	v1 =	vmul.f32 v4, v1;
	_ =	sdelay $0x1  }
0x1e5: {  	v2 =	vmul.f32 v2, v3;
	v1 =	vmul.f32 v1, v4  }
0x1e6: {  	v5 =	vld [tilespmem:$0xB000]  }
0x1e7: {  	v2 =	vsub.f32 $1.500000000e+00, v2;
	v1 =	vsub.f32 $1.500000000e+00, v1;
	_ =	sdelay $0x1  }
0x1e8: {  	v2 =	vmul.f32 v2, v3;
	v1 =	vmul.f32 v1, v4;
	_ =	sdelay $0x1  }
0x1e9: {  	v2 =	vmul.f32 $1.428571410e+01, v2;
	v1 =	vmul.f32 v1, v5;
	_ =	sdelay $0x1  }
0x1ea: {  	v1 =	vmul.f32 v1, v2;
	_ =	sdelay $0x1  }
0x1eb: {  	[tilespmem:s9+$0xB100] =	vst v1  }
0x1ec: {  	v1 =	vld [tilespmem:$0xB090];
	_ =	sdelay $0x4  }
0x1ed: {  	v3 =	vshra.s32 v1, $0x1;
	v1 =	vmul.f32 $5.000000000e-01, v1  }
0x1ee: {  	v3 =	vsub.s32 $0x5F3759DF, v3  }
0x1ef: {  	v4 =	vmul.f32 v3, v1;
	_ =	sdelay $0x1  }
0x1f0: {  	v4 =	vmul.f32 v3, v4;
	_ =	sdelay $0x1  }
0x1f1: {  	v4 =	vsub.f32 $1.500000000e+00, v4;
	_ =	sdelay $0x1  }
0x1f2: {  	v3 =	vmul.f32 v3, v4;
	_ =	sdelay $0x1  }
0x1f3: {  	v4 =	vmul.f32 v3, v1;
	_ =	sdelay $0x1  }
0x1f4: {  	v4 =	vmul.f32 v4, v3;
	_ =	sdelay $0x1  }
0x1f5: {  	v4 =	vsub.f32 $1.500000000e+00, v4;
	_ =	sdelay $0x1  }
0x1f6: {  	v3 =	vmul.f32 v4, v3;
	_ =	sdelay $0x1  }
0x1f7: {  	v1 =	vmul.f32 v3, v1;
	_ =	sdelay $0x1  }
0x1f8: {  	v1 =	vmul.f32 v1, v3  }
0x1f9: {  	v4 =	vld [tilespmem:$0xB010]  }
0x1fa: {  	v1 =	vsub.f32 $1.500000000e+00, v1;
	_ =	sdelay $0x1  }
0x1fb: {  	v1 =	vmul.f32 v1, v3;
	_ =	sdelay $0x1  }
0x1fc: {  	v1 =	vmul.f32 v1, v4;
	_ =	sdelay $0x1  }
0x1fd: {  	v1 =	vmul.f32 v1, v2;
	_ =	sdelay $0x1  }
0x1fe: {  	[tilespmem:s1+$0xB100] =	vst v1  }
0x1ff: {  	v1 =	vld [tilespmem:$0xB0A0];
	_ =	sdelay $0x4  }
0x200: {  	v3 =	vshra.s32 v1, $0x1;
	v1 =	vmul.f32 $5.000000000e-01, v1  }
0x201: {  	v3 =	vsub.s32 $0x5F3759DF, v3  }
0x202: {  	v4 =	vmul.f32 v3, v1;
	_ =	sdelay $0x1  }
0x203: {  	v4 =	vmul.f32 v3, v4;
	_ =	sdelay $0x1  }
0x204: {  	v4 =	vsub.f32 $1.500000000e+00, v4;
	_ =	sdelay $0x1  }
0x205: {  	v3 =	vmul.f32 v3, v4;
	_ =	sdelay $0x1  }
0x206: {  	v4 =	vmul.f32 v3, v1;
	_ =	sdelay $0x1  }
0x207: {  	v4 =	vmul.f32 v4, v3;
	_ =	sdelay $0x1  }
0x208: {  	v4 =	vsub.f32 $1.500000000e+00, v4;
	_ =	sdelay $0x1  }
0x209: {  	v3 =	vmul.f32 v4, v3;
	_ =	sdelay $0x1  }
0x20a: {  	v1 =	vmul.f32 v3, v1;
	_ =	sdelay $0x1  }
0x20b: {  	v1 =	vmul.f32 v1, v3  }
0x20c: {  	v4 =	vld [tilespmem:$0xB020]  }
0x20d: {  	v1 =	vsub.f32 $1.500000000e+00, v1;
	_ =	sdelay $0x1  }
0x20e: {  	v1 =	vmul.f32 v1, v3;
	_ =	sdelay $0x1  }
0x20f: {  	v1 =	vmul.f32 v1, v4;
	_ =	sdelay $0x1  }
0x210: {  	v1 =	vmul.f32 v1, v2;
	_ =	sdelay $0x1  }
0x211: {  	[tilespmem:s0+$0xB100] =	vst v1  }
0x212: {  	v1 =	vld [tilespmem:$0xB0B0];
	_ =	sdelay $0x4  }
0x213: {  	v3 =	vshra.s32 v1, $0x1;
	v1 =	vmul.f32 $5.000000000e-01, v1  }
0x214: {  	v3 =	vsub.s32 $0x5F3759DF, v3  }
0x215: {  	v4 =	vmul.f32 v3, v1;
	_ =	sdelay $0x1  }
0x216: {  	v4 =	vmul.f32 v3, v4;
	_ =	sdelay $0x1  }
0x217: {  	v4 =	vsub.f32 $1.500000000e+00, v4;
	_ =	sdelay $0x1  }
0x218: {  	v3 =	vmul.f32 v3, v4;
	_ =	sdelay $0x1  }
0x219: {  	v4 =	vmul.f32 v3, v1;
	_ =	sdelay $0x1  }
0x21a: {  	v4 =	vmul.f32 v4, v3;
	_ =	sdelay $0x1  }
0x21b: {  	v4 =	vsub.f32 $1.500000000e+00, v4;
	_ =	sdelay $0x1  }
0x21c: {  	v3 =	vmul.f32 v4, v3;
	_ =	sdelay $0x1  }
0x21d: {  	v1 =	vmul.f32 v3, v1;
	_ =	sdelay $0x1  }
0x21e: {  	v1 =	vmul.f32 v1, v3  }
0x21f: {  	v4 =	vld [tilespmem:$0xB030]  }
0x220: {  	v1 =	vsub.f32 $1.500000000e+00, v1;
	_ =	sdelay $0x1  }
0x221: {  	v1 =	vmul.f32 v1, v3;
	_ =	sdelay $0x1  }
0x222: {  	v1 =	vmul.f32 v1, v4;
	_ =	sdelay $0x1  }
0x223: {  	v1 =	vmul.f32 v1, v2;
	_ =	sdelay $0x1  }
0x224: {  	[tilespmem:s31+$0xB100] =	vst v1  }
0x225: {  	v1 =	vld [tilespmem:$0xB0C0];
	_ =	sdelay $0x4  }
0x226: {  	v3 =	vshra.s32 v1, $0x1;
	v1 =	vmul.f32 $5.000000000e-01, v1  }
0x227: {  	v3 =	vsub.s32 $0x5F3759DF, v3  }
0x228: {  	v4 =	vmul.f32 v3, v1;
	_ =	sdelay $0x1  }
0x229: {  	v4 =	vmul.f32 v3, v4;
	_ =	sdelay $0x1  }
0x22a: {  	v4 =	vsub.f32 $1.500000000e+00, v4;
	_ =	sdelay $0x1  }
0x22b: {  	v3 =	vmul.f32 v3, v4;
	_ =	sdelay $0x1  }
0x22c: {  	v4 =	vmul.f32 v3, v1;
	_ =	sdelay $0x1  }
0x22d: {  	v4 =	vmul.f32 v4, v3;
	_ =	sdelay $0x1  }
0x22e: {  	v4 =	vsub.f32 $1.500000000e+00, v4;
	_ =	sdelay $0x1  }
0x22f: {  	v3 =	vmul.f32 v4, v3;
	_ =	sdelay $0x1  }
0x230: {  	v1 =	vmul.f32 v3, v1;
	_ =	sdelay $0x1  }
0x231: {  	v1 =	vmul.f32 v1, v3  }
0x232: {  	v4 =	vld [tilespmem:$0xB040]  }
0x233: {  	v1 =	vsub.f32 $1.500000000e+00, v1;
	_ =	sdelay $0x1  }
0x234: {  	v1 =	vmul.f32 v1, v3;
	_ =	sdelay $0x1  }
0x235: {  	v1 =	vmul.f32 v1, v4;
	_ =	sdelay $0x1  }
0x236: {  	v1 =	vmul.f32 v1, v2;
	_ =	sdelay $0x1  }
0x237: {  	[tilespmem:s30+$0xB100] =	vst v1  }
0x238: {  	_ =	swait.ge [sflag:s21], $0x2200  }
0x239: {  	s9 =	simm.s32 @!p0 $0x4400;
	[sflag:s21] =	ssyncset.done $0x0  }
0x23a: {  	s1 =	simm.s32 @!p0 $0x44;
	s0 =	sadd.s32 @!p0 $0x280, s29;
	[sflag:s21] =	ssyncadd.s32 $0xFFFFDE00  }
0x23b: {  	[tilespmem:s9], [sflag:$0x2] =	stream.indirect.gather @!p0 [hbm4b:s2+s1], $0x80, s0, s1, $0xb8;
	[tilespmem:$0xC100] =	vst v63  }
0x23c: {  	v7 =	vld [tilespmem:s28+$0x1100]  }
0x23d: {  	v8 =	vld [tilespmem:s28+$0x1110]  }
0x23e: {  	v6 =	vld [tilespmem:s28+$0x1120]  }
0x23f: {  	v5 =	vld [tilespmem:s28+$0x1130]  }
0x240: {  	v4 =	vld [tilespmem:s28+$0x1140]  }
0x241: {  	v3 =	vld [tilespmem:s28+$0x1150]  }
0x242: {  	v2 =	vld [tilespmem:s28+$0x1160]  }
0x243: {  	s11 =	simm.s32 $0x6900;
	v1 =	vld [tilespmem:s28+$0x1170]  }
0x244: {  	v9 =	vld [tilespmem:s11+$0x80]  }
0x245: {  	v10 =	vld [tilespmem:s11+$0x90]  }
0x246: {  	v11 =	vld [tilespmem:s11+$0xA0]  }
0x247: {  	v12 =	vld [tilespmem:s11+$0xB0]  }
0x248: {  	v13 =	vld [tilespmem:s11+$0xC0]  }
0x249: {  	v14 =	vld [tilespmem:s11+$0xD0]  }
0x24a: {  	v15 =	vld [tilespmem:s11+$0xE0]  }
0x24b: {  	v16 =	vld [tilespmem:s11+$0xF0]  }
0x24c: {  	v17 =	vmul.f32 v9, v7  }
0x24d: {  	v18 =	vmul.f32 v10, v8;
	v19 =	vmul.f32 v11, v6  }
0x24e: {  	v55 =	vld [tilespmem:s11+$0x20];
	v20 =	vmul.f32 v12, v5;
	v22 =	vmul.f32 v13, v4  }
0x24f: {  	v59 =	vld [tilespmem:s11+$0x40];
	v23 =	vmul.f32 v14, v3;
	v25 =	vmul.f32 v15, v2  }
0x250: {  	v60 =	vld [tilespmem:s11+$0xFFFFFF00];
	v26 =	vmul.f32 v16, v1;
	v9 =	vmul.f32 v9, v9  }
0x251: {  	v61 =	vld [tilespmem:s11+$0x50];
	v10 =	vmul.f32 v10, v10;
	v11 =	vmul.f32 v11, v11  }
0x252: {  	v62 =	vld [tilespmem:s11+$0x60];
	v12 =	vmul.f32 v12, v12;
	v13 =	vmul.f32 v13, v13  }
0x253: {  	v21 =	vld [tilespmem:s11+$0xFFFFFF10];
	v14 =	vmul.f32 v14, v14;
	v15 =	vmul.f32 v15, v15  }
0x254: {  	v27 =	vld [tilespmem:s11+$0xFFFFFF30];
	v16 =	vmul.f32 v16, v16;
	v63 =	vmul.f32 v55, v6  }
0x255: {  	v28 =	vld [tilespmem:s11+$0xFFFFFF40];
	v48 =	vmul.f32 v60, v7;
	v40 =	vmul.f32 v60, v60  }
0x256: {  	v24 =	vld [tilespmem:s11+$0xFFFFFF20];
	v50 =	vmul.f32 v59, v4;
	v51 =	vmul.f32 v61, v3;
	v17 =	vadd.f32 v18, v17  }
0x257: {  	v52 =	vmul.f32 v62, v2;
	v19 =	vadd.f32 v20, v19;
	v20 =	vadd.f32 v23, v22  }
0x258: {  	v29 =	vld [tilespmem:s11+$0xFFFFFF50];
	v33 =	vmul.f32 v62, v62;
	v23 =	vadd.f32 v26, v25;
	v9 =	vadd.f32 v10, v9  }
0x259: {  	v11 =	vadd.f32 v12, v11;
	v12 =	vmul.f32 v21, v8;
	v13 =	vadd.f32 v14, v13  }
0x25a: {  	v18 =	vld [tilespmem:s11+$0xFFFFFF60];
	v15 =	vadd.f32 v16, v15;
	v16 =	vmul.f32 v27, v5;
	v25 =	vmul.f32 v28, v4  }
0x25b: {  	v22 =	vld [tilespmem:s11+$0xFFFFFF70];
	v17 =	vadd.f32 v19, v17;
	v20 =	vadd.f32 v23, v20;
	v23 =	vmul.f32 v24, v6  }
0x25c: {  	v14 =	vld [tilespmem:s11+$0xFFFFFFA0];
	v21 =	vmul.f32 v21, v21;
	v9 =	vadd.f32 v11, v9;
	v13 =	vadd.f32 v15, v13  }
0x25d: {  	v31 =	vld [tilespmem:s11+$0xFFFFFFD0];
	v17 =	vadd.f32 v20, v17;
	v20 =	vmul.f32 v29, v3;
	v16 =	vadd.f32 v16, v23  }
0x25e: {  	s12 =	simm.s32 $0x3;
	v10 =	vld [tilespmem:s11+$0xFFFFFF80];
	v23 =	vmul.f32 v24, v24;
	v9 =	vadd.f32 v13, v9;
	v13 =	vmul.f32 v27, v27  }
0x25f: {  	v39 =	vmov s12;
	s13 =	simm.s32 $0x0;
	v19 =	vld [tilespmem:s11+$0xFFFFFF90];
	v27 =	vmul.f32 v28, v28;
	v15 =	vmul.f32 v18, v2  }
0x260: {  	v49 =	vmov s13;
	v11 =	vld [tilespmem:s11+$0xFFFFFFC0];
	v30 =	vmul.f32 v22, v1;
	v18 =	vmul.f32 v18, v18  }
0x261: {  	v53 =	vld [tilespmem:s11+$0x10];
	v12 =	vadd.f32 v12, v48;
	v22 =	vmul.f32 v22, v22;
	v54 =	vmul.f32 v14, v6  }
0x262: {  	v26 =	vld [tilespmem:s11+$0xFFFFFFB0];
	v14 =	vmul.f32 v14, v14;
	v20 =	vadd.f32 v20, v25;
	v13 =	vadd.f32 v13, v23  }
0x263: {  	v24 =	vld [tilespmem:s11+$0xFFFFFFE0];
	v25 =	vmul.f32 v29, v29;
	(xrf2) =	vadd.scan.msk.f32 $0xffff, v17;
	v17 =	vadd.f32 v21, v40;
	v12 =	vadd.f32 v16, v12  }
0x264: {  	v28 =	vld [tilespmem:s11+$0xFFFFFFF0];
	v15 =	vadd.f32 v30, v15;
	v30 =	vmul.f32 v10, v7;
	v23 =	vmul.f32 v19, v8  }
0x265: {  	s31 =	simm.s32 $0x2;
	v56 =	vmul.f32 v11, v4;
	v22 =	vadd.f32 v22, v18;
	v18 =	vmul.f32 v31, v3  }
0x266: {  	v16 =	vmov s31;
	v10 =	vmul.f32 v10, v10;
	v19 =	vmul.f32 v19, v19  }
0x267: {  	v11 =	vmul.f32 v11, v11;
	(xrf2) =	vadd.scan.msk.f32 $0xffff, v9;
	v9 =	vmul.f32 v53, v53;
	v25 =	vadd.f32 v25, v27  }
0x268: {  	v57 =	vld [tilespmem:s11+$0x30];
	v27 =	vmul.f32 v26, v5;
	v26 =	vmul.f32 v26, v26;
	v13 =	vadd.f32 v13, v17  }
0x269: {  	v58 =	vmul.f32 v24, v2;
	v30 =	vadd.f32 v23, v30;
	v23 =	vmul.f32 v28, v1  }
0x26a: {  	v29 =	vld [tilespmem:s11+$0x0];
	v35 =	vadd.f32 v18, v56;
	v18 =	vmul.f32 v31, v31;
	v24 =	vmul.f32 v24, v24  }
0x26b: {  	v10 =	vadd.f32 v19, v10;
	v19 =	vmul.f32 v53, v8;
	v53 =	vmul.f32 v55, v55  }
0x26c: {  	v55 =	vmul.f32 v61, v61;
	v56 =	vadd.f32 v51, v50;
	v15 =	vadd.f32 v15, v20  }
0x26d: {  	v27 =	vadd.f32 v27, v54;
	v14 =	vadd.f32 v26, v14;
	v26 =	vmul.f32 v57, v5  }
0x26e: {  	v31 =	vld [tilespmem:s11+$0x70];
	v20 =	vadd.f32 v22, v25;
	v37 =	vadd.f32 v23, v58;
	v23 =	vmul.f32 v28, v28  }
0x26f: {  	v28 =	vmul.f32 v29, v7;
	v11 =	vadd.f32 v18, v11;
	v12 =	vadd.f32 v15, v12  }
0x270: {  	s12 =	simm.s32 $0x6B00;
	v29 =	vmul.f32 v29, v29;
	v22 =	vadd.f32 v27, v30;
	v60 =	vadd.f32 v14, v10  }
0x271: {  	v25 =	vld [tilespmem:s12+$0xD0];
	v10 =	vand.u32 $0xFFFFFFFE, v16;
	v15 =	vadd.f32 v20, v13;
	v54 =	vadd.f32 v23, v24  }
0x272: {  	s14 =	simm.s32 $0x1;
	v18 =	vld [tilespmem:s12+$0x90];
	v23 =	vmul.f32 v57, v57;
	v24 =	vmul.f32 v59, v59;
	v19 =	vadd.f32 v19, v28  }
0x273: {  	v27 =	vld [tilespmem:s12+$0xF0];
	v29 =	vadd.f32 v9, v29;
	v59 =	vmov s14;
	v21 =	vmul.f32 v31, v1  }
0x274: {  	v57 =	vld [tilespmem:s12+$0x80];
	v28 =	vmul.f32 v31, v31;
	v31 =	vadd.f32 v26, v63;
	v26 =	vand.u32 $0xFFFFFFFC, v49  }
0x275: {  	v35 =	vadd.f32 v37, v35;
	v10 =	vbroadcast v10, $0x0;
	v32 =	vadd.f32 v23, v53;
	v23 =	vld [tilespmem:s12+$0xB0]  }
0x276: {  	v17 =	vand.u32 $0xFFFFFFFD, v59;
	v36 =	vadd.f32 v55, v24;
	v24 =	vld [tilespmem:s12+$0xC0];
	v61 =	vadd.f32 v54, v11  }
0x277: {  	v9 =	vbroadcast v26, $0x0;
	v58 =	vadd.f32 v21, v52;
	v21 =	vld [tilespmem:s12+$0xA0];
	v33 =	vadd.f32 v28, v33;
	v26, _, _ =	vpop (xrf2)  }
0x278: {  	v11 =	vbroadcast v17, $0x0;
	v62 =	vadd.f32 v31, v19;
	v31 =	vmul.f32 v18, v8;
	[tilespmem:v39+s18+$0x0] =	vst.idx.msk vm0, v26;
	v26 =	vld [tilespmem:s12+$0xE0]  }
0x279: {  	v16 =	vld [tilespmem:s12+$0xFFFFFF10];
	v29 =	vadd.f32 v32, v29;
	v13 =	vadd.f32 v61, v60;
	v38 =	vmul.f32 v27, v1  }
0x27a: {  	v20 =	vld [tilespmem:s12+$0xFFFFFF40];
	v14, _, _ =	vpop (xrf2);
	v63 =	vadd.f32 v58, v56;
	v28 =	vmul.f32 v57, v7;
	v34 =	vadd.f32 v33, v36  }
0x27b: {  	s13 =	simm.s32 $0x8;
	v17 =	vld [tilespmem:s12+$0xFFFFFF20];
	(xrf2) =	vadd.scan.msk.f32 $0xffff, v12;
	v36 =	vmul.f32 v25, v3;
	v37 =	vmul.f32 v57, v57;
	[tilespmem:v39+s19+$0x0] =	vst.idx.msk vm0, v14  }
0x27c: {  	s30 =	sor.u32 $0x130, s28;
	s9 =	sor.u32 $0x100, s28;
	s1 =	sor.u32 $0x110, s28;
	v19 =	vld [tilespmem:s12+$0xFFFFFF30];
	v14 =	vadd.f32 v35, v22;
	v33 =	vmul.f32 v23, v5;
	v32 =	vmul.f32 v24, v4  }
0x27d: {  	s0 =	sor.u32 $0x120, s28;
	s28 =	sor.u32 $0x140, s28;
	s11 =	simm.s32 $0x4;
	v22 =	vld [tilespmem:s12+$0xFFFFFF50];
	v12 =	vadd.f32 v63, v62;
	v30 =	vmul.f32 v21, v6;
	v35 =	vmul.f32 v26, v2  }
.LBB2_7:
0x27e: {  	p1 =	slt.u32 s13, $0x40;
	v39 =	vld [tilespmem:s12+$0xFFFFFF60];
	v18 =	vmul.f32 v18, v18;
	v21 =	vmul.f32 v21, v21;
	v29 =	vadd.f32 v34, v29;
	(xrf2) =	vadd.scan.msk.f32 $0xffff, v15  }
0x27f: {  	v23 =	vmul.f32 v23, v23;
	v24 =	vmul.f32 v24, v24;
	v15 =	vld [tilespmem:s12+$0xFFFFFF70]  }
0x280: {  	v25 =	vmul.f32 v25, v25;
	v28 =	vadd.f32 v31, v28;
	v30 =	vadd.f32 v33, v30;
	v34 =	vld [tilespmem:s12+$0xFFFFFF80]  }
0x281: {  	v26 =	vmul.f32 v26, v26;
	v32 =	vadd.f32 v36, v32;
	v33 =	vadd.f32 v38, v35;
	v31 =	vld [tilespmem:s12+$0xFFFFFF90];
	(xrf2) =	vadd.scan.msk.f32 $0xffff, v14  }
0x282: {  	v27 =	vmul.f32 v27, v27;
	v18 =	vadd.f32 v18, v37;
	v21 =	vadd.f32 v23, v21;
	v14 =	vld [tilespmem:s12+$0xFFFFFFA0]  }
0x283: {  	v23 =	vmul.f32 v16, v8;
	v28 =	vadd.f32 v30, v28;
	v36 =	vadd.f32 v33, v32;
	v35 =	vld [tilespmem:s12+$0xFFFFFFB0]  }
0x284: {  	v24 =	vadd.f32 v25, v24;
	v25 =	vadd.f32 v27, v26;
	v32 =	vmul.f32 v17, v6;
	v33 =	vld [tilespmem:s12+$0xFFFFFFC0];
	(xrf2) =	vadd.scan.msk.f32 $0xffff, v13  }
0x285: {  	v26 =	vmul.f32 v20, v4;
	v28 =	vadd.f32 v36, v28;
	v13 =	vmul.f32 v19, v5;
	v27 =	vld [tilespmem:s12+$0xFFFFFFD0];
	v30, _, _ =	vpop (xrf2)  }
0x286: {  	v18 =	vadd.f32 v21, v18;
	v38 =	vadd.f32 v25, v24;
	v36 =	vmul.f32 v22, v3;
	v37 =	vld [tilespmem:s12+$0xFFFFFFE0]  }
0x287: {  	v24 =	vmul.f32 v39, v2;
	v25 =	vmul.f32 v15, v1;
	v13 =	vadd.f32 v13, v32;
	v32 =	vld [tilespmem:s12+$0xFFFFFFF0];
	(xrf2) =	vadd.scan.msk.f32 $0xffff, v28  }
0x288: {  	v16 =	vmul.f32 v16, v16;
	v17 =	vmul.f32 v17, v17;
	v18 =	vadd.f32 v38, v18;
	v28 =	vld [tilespmem:s12+$0x0];
	v21, _, _ =	vpop (xrf2)  }
0x289: {  	v20 =	vmul.f32 v20, v20;
	v19 =	vmul.f32 v19, v19;
	v26 =	vadd.f32 v36, v26;
	v36 =	vld [tilespmem:s12+$0x10]  }
0x28a: {  	v22 =	vmul.f32 v22, v22;
	v38 =	vmul.f32 v39, v39;
	v24 =	vadd.f32 v25, v24;
	v25 =	vld [tilespmem:s12+$0x20];
	(xrf2) =	vadd.scan.msk.f32 $0xffff, v18  }
0x28b: {  	v15 =	vmul.f32 v15, v15;
	v17 =	vadd.f32 v19, v17;
	v18 =	vmul.f32 v34, v7;
	v19 =	vld [tilespmem:s12+$0x30];
	v39, _, _ =	vpop (xrf2)  }
0x28c: {  	v20 =	vadd.f32 v22, v20;
	v22 =	vmul.f32 v31, v8;
	v40 =	vmul.f32 v14, v6;
	v41 =	vld [tilespmem:s12+$0x40]  }
0x28d: {  	v15 =	vadd.f32 v15, v38;
	v38 =	vmul.f32 v35, v5;
	v42 =	vmul.f32 v33, v4;
	v43 =	vld [tilespmem:s12+$0x50];
	(xrf2) =	vadd.scan.msk.f32 $0xffff, v12  }
0x28e: {  	s14 =	sadd.s32 $0x3, s11;
	v44 =	vmul.f32 v37, v2;
	v22 =	vadd.f32 v22, v18;
	v12 =	vmul.f32 v27, v3;
	v18 =	vld [tilespmem:s12+$0x60];
	v45, _, _ =	vpop (xrf2)  }
0x28f: {  	v48 =	vmov s14;
	v34 =	vmul.f32 v34, v34;
	v46 =	vmul.f32 v32, v1;
	v47 =	vld [tilespmem:s12+$0x70];
	[tilespmem:v9+s18+$0x0] =	vst.idx.msk vm0, v30  }
0x290: {  	v31 =	vmul.f32 v31, v31;
	v14 =	vmul.f32 v14, v14;
	v38 =	vadd.f32 v38, v40;
	v30 =	vld [tilespmem:s12+$0xFFFFFF00];
	(xrf2) =	vadd.scan.msk.f32 $0xffff, v29  }
0x291: {  	v33 =	vmul.f32 v33, v33;
	v12 =	vadd.f32 v12, v42;
	v29 =	vmul.f32 v35, v35;
	v35, _, _ =	vpop (xrf2)  }
0x292: {  	v37 =	vmul.f32 v37, v37;
	v27 =	vmul.f32 v27, v27;
	v40 =	vadd.f32 v46, v44  }
0x293: {  	v32 =	vmul.f32 v32, v32;
	v31 =	vadd.f32 v31, v34;
	v34 =	vmul.f32 v28, v7  }
0x294: {  	v42 =	vmul.f32 v36, v8;
	v44 =	vmul.f32 v25, v6;
	[tilespmem:v48+s18+$0x0] =	vst.idx.msk vm0, v35;
	v35, _, _ =	vpop (xrf2)  }
0x295: {  	v49 =	vmov s11;
	v46 =	vmul.f32 v30, v7;
	v30 =	vmul.f32 v30, v30;
	[tilespmem:v48+s19+$0x0] =	vst.idx.msk vm0, v35  }
0x296: {  	v14 =	vadd.f32 v29, v14;
	v29 =	vmul.f32 v19, v5;
	v35 =	vmul.f32 v41, v4  }
0x297: {  	v48 =	vmul.f32 v18, v2;
	v23 =	vadd.f32 v23, v46;
	v46 =	vmul.f32 v43, v3;
	v50, _, _ =	vpop (xrf2)  }
0x298: {  	v28 =	vmul.f32 v28, v28;
	v16 =	vadd.f32 v16, v30;
	v30 =	vmul.f32 v47, v1  }
0x299: {  	v27 =	vadd.f32 v27, v33;
	v33 =	vmul.f32 v36, v36;
	v25 =	vmul.f32 v25, v25  }
0x29a: {  	v32 =	vadd.f32 v32, v37;
	v36 =	vmul.f32 v41, v41;
	v19 =	vmul.f32 v19, v19;
	v37, _, _ =	vpop (xrf2)  }
0x29b: {  	v34 =	vadd.f32 v42, v34;
	v41 =	vmul.f32 v43, v43;
	v43 =	vmul.f32 v18, v18  }
0x29c: {  	s12 =	sadd.s32 $0x200, s12;
	v42 =	vmul.f32 v47, v47;
	v29 =	vadd.f32 v29, v44;
	v35 =	vadd.f32 v46, v35  }
0x29d: {  	s14 =	sadd.s32 $0x1, s11;
	v28 =	vadd.f32 v33, v28;
	v46 =	vand.u32 $0xFFFFFFFC, v49;
	v30 =	vadd.f32 v30, v48;
	v44 =	vld [tilespmem:s12+$0x80];
	[tilespmem:v9+s19+$0x0] =	vst.idx.msk vm0, v21  }
0x29e: {  	v33 =	vmov s14;
	s14 =	sadd.s32 $0x2, s11;
	s11 =	smov.u32 s13;
	v19 =	vadd.f32 v19, v25;
	v36 =	vadd.f32 v41, v36;
	v18 =	vld [tilespmem:s12+$0x90];
	[tilespmem:v11+s18+$0x0] =	vst.idx.msk vm0, v39  }
0x29f: {  	v41 =	vmov s14;
	v13 =	vadd.f32 v13, v23;
	v39 =	vadd.f32 v42, v43;
	v21 =	vld [tilespmem:s12+$0xA0];
	[tilespmem:v11+s19+$0x0] =	vst.idx.msk vm0, v45  }
0x2a0: {  	v9 =	vbroadcast v46, $0x0;
	v42 =	vadd.f32 v24, v26;
	v43 =	vadd.f32 v17, v16;
	v23 =	vld [tilespmem:s12+$0xB0];
	[tilespmem:v10+s18+$0x0] =	vst.idx.msk vm0, v50  }
0x2a1: {  	v15 =	vadd.f32 v15, v20;
	v20 =	vadd.f32 v38, v22;
	v11 =	vand.u32 $0xFFFFFFFD, v33;
	v24 =	vld [tilespmem:s12+$0xC0];
	[tilespmem:v10+s19+$0x0] =	vst.idx.msk vm0, v37  }
0x2a2: {  	v12 =	vadd.f32 v40, v12;
	v22 =	vadd.f32 v14, v31;
	v10 =	vand.u32 $0xFFFFFFFE, v41;
	v25 =	vld [tilespmem:s12+$0xD0]  }
0x2a3: {  	v40 =	vadd.f32 v29, v34;
	v11 =	vbroadcast v11, $0x0;
	v37 =	vadd.f32 v32, v27;
	v26 =	vld [tilespmem:s12+$0xE0]  }
0x2a4: {  	v29 =	vadd.f32 v19, v28;
	v41 =	vadd.f32 v30, v35;
	v10 =	vbroadcast v10, $0x0;
	v27 =	vld [tilespmem:s12+$0xF0]  }
.Ltmp2:
0x2a5: {  	v13 =	vadd.f32 v42, v13;
	v34 =	vadd.f32 v39, v36;
	v28 =	vmul.f32 v44, v7;
	v16 =	vld [tilespmem:s12+$0xFFFFFF10];
	(pc) =	sbr.rel @p1 .LBB2_7-.Ltmp2, $4  }
0x2a6: {  	v15 =	vadd.f32 v15, v43;
	v31 =	vmul.f32 v18, v8;
	v30 =	vmul.f32 v21, v6;
	v17 =	vld [tilespmem:s12+$0xFFFFFF20]  }
0x2a7: {  	v14 =	vadd.f32 v12, v20;
	v33 =	vmul.f32 v23, v5;
	v32 =	vmul.f32 v24, v4;
	v19 =	vld [tilespmem:s12+$0xFFFFFF30];
	(xrf2) =	vadd.scan.msk.f32 $0xffff, v13  }
0x2a8: {  	v36 =	vmul.f32 v25, v3;
	v13 =	vadd.f32 v37, v22;
	v20 =	vld [tilespmem:s12+$0xFFFFFF40];
	v35 =	vmul.f32 v26, v2  }
0x2a9: {  	s13 =	sadd.s32 $0x4, s13;
	v12 =	vadd.f32 v41, v40;
	v37 =	vmul.f32 v44, v44;
	v22 =	vld [tilespmem:s12+$0xFFFFFF50];
	v38 =	vmul.f32 v27, v1  }
0x2aa: {  	v39 =	vmul.f32 v18, v18;
	v21 =	vmul.f32 v21, v21  }
0x2ab: {  	v18 =	vadd.f32 v34, v29;
	v23 =	vmul.f32 v23, v23;
	v29 =	vld [tilespmem:s12+$0xFFFFFF60];
	v24 =	vmul.f32 v24, v24  }
0x2ac: {  	v25 =	vmul.f32 v25, v25;
	v28 =	vadd.f32 v31, v28;
	v31 =	vld [tilespmem:s12+$0xFFFFFF70];
	v30 =	vadd.f32 v33, v30  }
0x2ad: {  	v26 =	vmul.f32 v26, v26;
	v32 =	vadd.f32 v36, v32;
	v55 =	vld [tilespmem:s12+$0xFFFFFF80];
	v27 =	vmul.f32 v27, v27  }
0x2ae: {  	v54 =	vld [tilespmem:s12+$0xFFFFFF90];
	v56 =	vmul.f32 v17, v6;
	v17 =	vmul.f32 v17, v17;
	v21 =	vadd.f32 v23, v21  }
0x2af: {  	v58 =	vld [tilespmem:s12+$0xFFFFFFC0];
	v23 =	vmul.f32 v16, v8;
	v26 =	vadd.f32 v27, v26;
	v27 =	vmul.f32 v19, v5  }
0x2b0: {  	v40 =	vld [tilespmem:s12+$0xFFFFFFD0];
	v52 =	vadd.f32 v38, v35;
	v16 =	vmul.f32 v16, v16;
	v19 =	vmul.f32 v19, v19  }
0x2b1: {  	v41 =	vld [tilespmem:s12+$0xFFFFFFE0];
	v53 =	vadd.f32 v39, v37;
	v57 =	vmul.f32 v20, v4;
	v20 =	vmul.f32 v20, v20  }
0x2b2: {  	v28 =	vadd.f32 v30, v28;
	v59 =	vmul.f32 v22, v3;
	v22 =	vmul.f32 v22, v22  }
0x2b3: {  	v34 =	vld [tilespmem:s12+$0x0];
	v24 =	vadd.f32 v25, v24;
	v60 =	vmul.f32 v29, v2;
	v61 =	vmul.f32 v31, v1  }
0x2b4: {  	v63 =	vld [tilespmem:s12+$0x20];
	v32 =	vadd.f32 v52, v32;
	v62 =	vmul.f32 v55, v7;
	v42 =	vmul.f32 v54, v8  }
0x2b5: {  	v21 =	vadd.f32 v21, v53;
	v45 =	vmul.f32 v58, v4;
	v46 =	vmul.f32 v40, v3  }
0x2b6: {  	v30 =	vld [tilespmem:s12+$0xFFFFFFA0];
	v24 =	vadd.f32 v26, v24;
	v47 =	vmul.f32 v41, v2;
	v36 =	vmul.f32 v54, v54  }
0x2b7: {  	v25 =	vld [tilespmem:s12+$0xFFFFFFB0];
	v26 =	vadd.f32 v27, v56;
	v38 =	vmul.f32 v58, v58;
	v40 =	vmul.f32 v40, v40  }
0x2b8: {  	v17 =	vadd.f32 v19, v17;
	v41 =	vmul.f32 v41, v41;
	v58 =	vmul.f32 v34, v7  }
0x2b9: {  	v49 =	vld [tilespmem:s12+$0x50];
	v28 =	vadd.f32 v32, v28;
	v34 =	vmul.f32 v34, v34;
	v39 =	vmul.f32 v63, v63  }
0x2ba: {  	v27 =	vld [tilespmem:s12+$0xFFFFFFF0];
	v21 =	vadd.f32 v24, v21;
	v24 =	vmul.f32 v29, v29;
	v29 =	vmul.f32 v31, v31  }
0x2bb: {  	v19 =	vld [tilespmem:s12+$0x30];
	v31 =	vadd.f32 v59, v57;
	v20 =	vadd.f32 v22, v20;
	v43 =	vmul.f32 v30, v6  }
0x2bc: {  	v56 =	vld [tilespmem:s12+$0x70];
	v35 =	vadd.f32 v61, v60;
	v44 =	vmul.f32 v25, v5;
	v30 =	vmul.f32 v30, v30  }
0x2bd: {  	v32 =	vld [tilespmem:s12+$0x10];
	v37 =	vadd.f32 v42, v62;
	v25 =	vmul.f32 v25, v25;
	v60 =	vmul.f32 v63, v6  }
0x2be: {  	v45 =	vadd.f32 v46, v45;
	v61 =	vmul.f32 v49, v3;
	v63 =	vmul.f32 v49, v49  }
0x2bf: {  	v22 =	vld [tilespmem:s12+$0x40];
	v24 =	vadd.f32 v29, v24;
	v29 =	vmul.f32 v55, v55;
	v48 =	vmul.f32 v27, v1  }
0x2c0: {  	v27 =	vmul.f32 v27, v27;
	v25 =	vadd.f32 v25, v30;
	v30 =	vmul.f32 v19, v5  }
0x2c1: {  	v42 =	vld [tilespmem:s12+$0x60];
	v38 =	vadd.f32 v40, v38;
	v62 =	vmul.f32 v56, v1;
	v19 =	vmul.f32 v19, v19  }
0x2c2: {  	(xrf2) =	vadd.scan.msk.f32 $0xffff, v15;
	v55 =	vld [tilespmem:s12+$0xFFFFFF00];
	v43 =	vadd.f32 v44, v43;
	v15 =	vmul.f32 v56, v56;
	v59 =	vmul.f32 v32, v8  }
0x2c3: {  	v29 =	vadd.f32 v36, v29;
	v32 =	vmul.f32 v32, v32;
	v8 =	vmul.f32 v8, v8  }
0x2c4: {  	(xrf2) =	vadd.scan.msk.f32 $0xffff, v14;
	v57 =	vadd.f32 v48, v47;
	v51 =	vmul.f32 v22, v4;
	v27 =	vadd.f32 v27, v41  }
0x2c5: {  	(xrf2) =	vadd.scan.msk.f32 $0xffff, v13;
	v22 =	vmul.f32 v22, v22;
	v30 =	vadd.f32 v30, v60;
	v14 =	vadd.f32 v19, v39  }
0x2c6: {  	(xrf2) =	vadd.scan.msk.f32 $0xffff, v28;
	v52 =	vmul.f32 v42, v2;
	v49 =	vadd.f32 v59, v58;
	v42 =	vmul.f32 v42, v42  }
0x2c7: {  	(xrf2) =	vadd.scan.msk.f32 $0xffff, v21;
	v32 =	vadd.f32 v32, v34;
	v21 =	vadd.f32 v25, v29;
	v50 =	vmul.f32 v55, v7  }
0x2c8: {  	v33 =	vmul.f32 v55, v55;
	v53 =	vadd.f32 v61, v51;
	v19 =	vadd.f32 v63, v22  }
0x2c9: {  	v22 =	vadd.f32 v35, v31;
	v7 =	vmul.f32 v7, v7;
	v15 =	vadd.f32 v15, v42  }
0x2ca: {  	v23 =	vadd.f32 v23, v50;
	v16 =	vadd.f32 v16, v33  }
0x2cb: {  	v33 =	vadd.f32 v62, v52;
	v7 =	vadd.f32 v8, v7  }
0x2cc: {  	v6 =	vmul.f32 v6, v6;
	v8 =	vadd.f32 v57, v45;
	v13 =	vadd.f32 v26, v23  }
0x2cd: {  	v16 =	vadd.f32 v17, v16;
	v17 =	vadd.f32 v24, v20  }
0x2ce: {  	v5 =	vmul.f32 v5, v5;
	v20 =	vadd.f32 v43, v37;
	v6 =	vadd.f32 v6, v7  }
0x2cf: {  	v23 =	vadd.f32 v27, v38;
	v24 =	vadd.f32 v30, v49  }
0x2d0: {  	v4 =	vmul.f32 v4, v4;
	v26, _, _ =	vpop (xrf2);
	(xrf2) =	vadd.scan.msk.f32 $0xffff, v12;
	v12 =	vadd.f32 v22, v13;
	v5 =	vadd.f32 v5, v6  }
0x2d1: {  	v3 =	vmul.f32 v3, v3;
	v13 =	vadd.f32 v14, v32;
	v14 =	vadd.f32 v17, v16  }
0x2d2: {  	v1 =	vmul.f32 v1, v1;
	v25 =	vadd.f32 v33, v53;
	v6, _, _ =	vpop (xrf2);
	(xrf2) =	vadd.scan.msk.f32 $0xffff, v18;
	v4 =	vadd.f32 v4, v5  }
0x2d3: {  	v2 =	vmul.f32 v2, v2;
	v8 =	vadd.f32 v8, v20;
	v16, _, _ =	vpop (xrf2);
	(xrf2) =	vadd.scan.msk.f32 $0xffff, v12;
	v12 =	vadd.f32 v15, v19  }
0x2d4: {  	s13 =	sadd.s32 $0x3, s11;
	[tilespmem:v9+s18+$0x0] =	vst.idx.msk vm0, v26;
	v15 =	vadd.f32 v23, v21;
	v5, _, _ =	vpop (xrf2);
	(xrf2) =	vadd.scan.msk.f32 $0xffff, v14;
	v3 =	vadd.f32 v3, v4  }
0x2d5: {  	v7 =	vmov s13;
	v17 =	vadd.f32 v25, v24;
	[tilespmem:v9+s19+$0x0] =	vst.idx.msk vm0, v6;
	v14, _, _ =	vpop (xrf2);
	(xrf2) =	vadd.scan.msk.f32 $0xffff, v8  }
0x2d6: {  	v4 =	vmov s11;
	v8 =	vadd.f32 v12, v13;
	(xrf2) =	vadd.scan.msk.f32 $0xffff, v15;
	v2 =	vadd.f32 v2, v3  }
0x2d7: {  	s14 =	sadd.s32 $0x1, s11;
	[tilespmem:v11+s18+$0x0] =	vst.idx.msk vm0, v16;
	v4 =	vand.u32 $0xFFFFFFFC, v4;
	v12, _, _ =	vpop (xrf2);
	(xrf2) =	vadd.scan.msk.f32 $0xffff, v17  }
0x2d8: {  	v3 =	vmov s14;
	v4 =	vbroadcast v4, $0x0;
	(xrf2) =	vadd.scan.msk.f32 $0xffff, v8;
	v1 =	vadd.f32 v1, v2  }
0x2d9: {  	s31 =	sadd.s32 $0x2, s11;
	[tilespmem:v11+s19+$0x0] =	vst.idx.msk vm0, v5;
	v3 =	vand.u32 $0xFFFFFFFD, v3  }
0x2da: {  	[tilespmem:v7+s18+$0x0] =	vst.idx.msk vm0, v14;
	v2 =	vmov s31;
	v3 =	vbroadcast v3, $0x0  }
0x2db: {  	[tilespmem:v7+s19+$0x0] =	vst.idx.msk vm0, v12;
	v6, _, _ =	vpop (xrf2);
	v2 =	vand.u32 $0xFFFFFFFE, v2;
	(xrf2) =	vadd.scan.msk.f32 $0xffff, v1  }
0x2dc: {  	[tilespmem:v10+s18+$0x0] =	vst.idx.msk vm0, v6;
	v2 =	vbroadcast v2, $0x0;
	v1, _, _ =	vpop (xrf2)  }
0x2dd: {  	v5, _, _ =	vpop (xrf2);
	[tilespmem:v10+s19+$0x0] =	vst.idx.msk vm0, v1  }
0x2de: {  	v1, _, _ =	vpop (xrf2);
	[tilespmem:v4+s18+$0x0] =	vst.idx.msk vm0, v5  }
0x2df: {  	v5, _, _ =	vpop (xrf2);
	[tilespmem:v4+s19+$0x0] =	vst.idx.msk vm0, v1  }
0x2e0: {  	v1, _, _ =	vpop (xrf2);
	[tilespmem:v3+s18+$0x0] =	vst.idx.msk vm0, v5  }
0x2e1: {  	v4, _, _ =	vpop (xrf2);
	[tilespmem:v3+s19+$0x0] =	vst.idx.msk vm0, v1  }
0x2e2: {  	v1, _, _ =	vpop (xrf2);
	[tilespmem:v2+s18+$0x0] =	vst.idx.msk vm0, v4  }
0x2e3: {  	[tilespmem:v2+s19+$0x0] =	vst.idx.msk vm0, v1  }
0x2e4: {  	v1 =	vld [tilespmem:$0xB080]  }
0x2e5: {  	v2, _, _ =	vpop (xrf2)  }
0x2e6: {  	v2 =	vbroadcast v2, $0xF;
	_ =	sdelay $0x1  }
0x2e7: {  	v3 =	vshra.s32 v2, $0x1  }
0x2e8: {  	v2 =	vmul.f32 $5.000000000e-01, v2;
	v4 =	vshra.s32 v1, $0x1;
	v1 =	vmul.f32 $5.000000000e-01, v1  }
0x2e9: {  	v3 =	vsub.s32 $0x5F3759DF, v3;
	v4 =	vsub.s32 $0x5F3759DF, v4  }
0x2ea: {  	v5 =	vmul.f32 v3, v2;
	v6 =	vmul.f32 v4, v1;
	_ =	sdelay $0x1  }
0x2eb: {  	v5 =	vmul.f32 v3, v5;
	v6 =	vmul.f32 v4, v6;
	_ =	sdelay $0x1  }
0x2ec: {  	v5 =	vsub.f32 $1.500000000e+00, v5;
	v6 =	vsub.f32 $1.500000000e+00, v6;
	_ =	sdelay $0x1  }
0x2ed: {  	v3 =	vmul.f32 v3, v5;
	v4 =	vmul.f32 v4, v6;
	_ =	sdelay $0x1  }
0x2ee: {  	v5 =	vmul.f32 v3, v2;
	v6 =	vmul.f32 v4, v1;
	_ =	sdelay $0x1  }
0x2ef: {  	v5 =	vmul.f32 v5, v3;
	v6 =	vmul.f32 v6, v4;
	_ =	sdelay $0x1  }
0x2f0: {  	v5 =	vsub.f32 $1.500000000e+00, v5;
	v6 =	vsub.f32 $1.500000000e+00, v6;
	_ =	sdelay $0x1  }
0x2f1: {  	v3 =	vmul.f32 v5, v3;
	v4 =	vmul.f32 v6, v4;
	_ =	sdelay $0x1  }
0x2f2: {  	v2 =	vmul.f32 v3, v2;
	v1 =	vmul.f32 v4, v1;
	_ =	sdelay $0x1  }
0x2f3: {  	v2 =	vmul.f32 v2, v3;
	v1 =	vmul.f32 v1, v4  }
0x2f4: {  	v5 =	vld [tilespmem:$0xB000]  }
0x2f5: {  	v2 =	vsub.f32 $1.500000000e+00, v2;
	v1 =	vsub.f32 $1.500000000e+00, v1;
	_ =	sdelay $0x1  }
0x2f6: {  	v2 =	vmul.f32 v2, v3;
	v1 =	vmul.f32 v1, v4;
	_ =	sdelay $0x1  }
0x2f7: {  	v2 =	vmul.f32 $1.428571410e+01, v2;
	v1 =	vmul.f32 v1, v5;
	_ =	sdelay $0x1  }
0x2f8: {  	v1 =	vmul.f32 v1, v2;
	_ =	sdelay $0x1  }
0x2f9: {  	[tilespmem:s9+$0xB100] =	vst v1  }
0x2fa: {  	v1 =	vld [tilespmem:$0xB090];
	_ =	sdelay $0x4  }
0x2fb: {  	v3 =	vshra.s32 v1, $0x1;
	v1 =	vmul.f32 $5.000000000e-01, v1  }
0x2fc: {  	v3 =	vsub.s32 $0x5F3759DF, v3  }
0x2fd: {  	v4 =	vmul.f32 v3, v1;
	_ =	sdelay $0x1  }
0x2fe: {  	v4 =	vmul.f32 v3, v4;
	_ =	sdelay $0x1  }
0x2ff: {  	v4 =	vsub.f32 $1.500000000e+00, v4;
	_ =	sdelay $0x1  }
0x300: {  	v3 =	vmul.f32 v3, v4;
	_ =	sdelay $0x1  }
0x301: {  	v4 =	vmul.f32 v3, v1;
	_ =	sdelay $0x1  }
0x302: {  	v4 =	vmul.f32 v4, v3;
	_ =	sdelay $0x1  }
0x303: {  	v4 =	vsub.f32 $1.500000000e+00, v4;
	_ =	sdelay $0x1  }
0x304: {  	v3 =	vmul.f32 v4, v3;
	_ =	sdelay $0x1  }
0x305: {  	v1 =	vmul.f32 v3, v1;
	_ =	sdelay $0x1  }
0x306: {  	v1 =	vmul.f32 v1, v3  }
0x307: {  	v4 =	vld [tilespmem:$0xB010]  }
0x308: {  	v1 =	vsub.f32 $1.500000000e+00, v1;
	_ =	sdelay $0x1  }
0x309: {  	v1 =	vmul.f32 v1, v3;
	_ =	sdelay $0x1  }
0x30a: {  	v1 =	vmul.f32 v1, v4;
	_ =	sdelay $0x1  }
0x30b: {  	v1 =	vmul.f32 v1, v2;
	_ =	sdelay $0x1  }
0x30c: {  	[tilespmem:s1+$0xB100] =	vst v1  }
0x30d: {  	v1 =	vld [tilespmem:$0xB0A0];
	_ =	sdelay $0x4  }
0x30e: {  	v3 =	vshra.s32 v1, $0x1;
	v1 =	vmul.f32 $5.000000000e-01, v1  }
0x30f: {  	v3 =	vsub.s32 $0x5F3759DF, v3  }
0x310: {  	v4 =	vmul.f32 v3, v1;
	_ =	sdelay $0x1  }
0x311: {  	v4 =	vmul.f32 v3, v4;
	_ =	sdelay $0x1  }
0x312: {  	v4 =	vsub.f32 $1.500000000e+00, v4;
	_ =	sdelay $0x1  }
0x313: {  	v3 =	vmul.f32 v3, v4;
	_ =	sdelay $0x1  }
0x314: {  	v4 =	vmul.f32 v3, v1;
	_ =	sdelay $0x1  }
0x315: {  	v4 =	vmul.f32 v4, v3;
	_ =	sdelay $0x1  }
0x316: {  	v4 =	vsub.f32 $1.500000000e+00, v4;
	_ =	sdelay $0x1  }
0x317: {  	v3 =	vmul.f32 v4, v3;
	_ =	sdelay $0x1  }
0x318: {  	v1 =	vmul.f32 v3, v1;
	_ =	sdelay $0x1  }
0x319: {  	v1 =	vmul.f32 v1, v3  }
0x31a: {  	v4 =	vld [tilespmem:$0xB020]  }
0x31b: {  	v1 =	vsub.f32 $1.500000000e+00, v1;
	_ =	sdelay $0x1  }
0x31c: {  	v1 =	vmul.f32 v1, v3;
	_ =	sdelay $0x1  }
0x31d: {  	v1 =	vmul.f32 v1, v4;
	_ =	sdelay $0x1  }
0x31e: {  	v1 =	vmul.f32 v1, v2;
	_ =	sdelay $0x1  }
0x31f: {  	[tilespmem:s0+$0xB100] =	vst v1  }
0x320: {  	v1 =	vld [tilespmem:$0xB0B0];
	_ =	sdelay $0x4  }
0x321: {  	v3 =	vshra.s32 v1, $0x1;
	v1 =	vmul.f32 $5.000000000e-01, v1  }
0x322: {  	v3 =	vsub.s32 $0x5F3759DF, v3  }
0x323: {  	v4 =	vmul.f32 v3, v1;
	_ =	sdelay $0x1  }
0x324: {  	v4 =	vmul.f32 v3, v4;
	_ =	sdelay $0x1  }
0x325: {  	v4 =	vsub.f32 $1.500000000e+00, v4;
	_ =	sdelay $0x1  }
0x326: {  	v3 =	vmul.f32 v3, v4;
	_ =	sdelay $0x1  }
0x327: {  	v4 =	vmul.f32 v3, v1;
	_ =	sdelay $0x1  }
0x328: {  	v4 =	vmul.f32 v4, v3;
	_ =	sdelay $0x1  }
0x329: {  	v4 =	vsub.f32 $1.500000000e+00, v4;
	_ =	sdelay $0x1  }
0x32a: {  	v3 =	vmul.f32 v4, v3;
	_ =	sdelay $0x1  }
0x32b: {  	v1 =	vmul.f32 v3, v1;
	_ =	sdelay $0x1  }
0x32c: {  	v1 =	vmul.f32 v1, v3  }
0x32d: {  	v4 =	vld [tilespmem:$0xB030]  }
0x32e: {  	v1 =	vsub.f32 $1.500000000e+00, v1;
	_ =	sdelay $0x1  }
0x32f: {  	v1 =	vmul.f32 v1, v3;
	_ =	sdelay $0x1  }
0x330: {  	v1 =	vmul.f32 v1, v4;
	_ =	sdelay $0x1  }
0x331: {  	v1 =	vmul.f32 v1, v2;
	_ =	sdelay $0x1  }
0x332: {  	[tilespmem:s30+$0xB100] =	vst v1  }
0x333: {  	v1 =	vld [tilespmem:$0xB0C0];
	_ =	sdelay $0x4  }
0x334: {  	v3 =	vshra.s32 v1, $0x1;
	v1 =	vmul.f32 $5.000000000e-01, v1  }
0x335: {  	v3 =	vsub.s32 $0x5F3759DF, v3  }
0x336: {  	v4 =	vmul.f32 v3, v1;
	_ =	sdelay $0x1  }
0x337: {  	v4 =	vmul.f32 v3, v4;
	_ =	sdelay $0x1  }
0x338: {  	v4 =	vsub.f32 $1.500000000e+00, v4;
	_ =	sdelay $0x1  }
0x339: {  	v3 =	vmul.f32 v3, v4;
	_ =	sdelay $0x1  }
0x33a: {  	v4 =	vmul.f32 v3, v1;
	_ =	sdelay $0x1  }
0x33b: {  	v4 =	vmul.f32 v4, v3;
	_ =	sdelay $0x1  }
0x33c: {  	v4 =	vsub.f32 $1.500000000e+00, v4;
	_ =	sdelay $0x1  }
0x33d: {  	v3 =	vmul.f32 v4, v3;
	_ =	sdelay $0x1  }
0x33e: {  	v1 =	vmul.f32 v3, v1;
	_ =	sdelay $0x1  }
0x33f: {  	v1 =	vmul.f32 v1, v3  }
0x340: {  	v4 =	vld [tilespmem:$0xB040]  }
0x341: {  	v1 =	vsub.f32 $1.500000000e+00, v1;
	_ =	sdelay $0x1  }
0x342: {  	v1 =	vmul.f32 v1, v3;
	_ =	sdelay $0x1  }
0x343: {  	v1 =	vmul.f32 v1, v4;
	_ =	sdelay $0x1  }
0x344: {  	v1 =	vmul.f32 v1, v2;
	_ =	sdelay $0x1  }
0x345: {  	[tilespmem:s28+$0xB100] =	vst v1  }
0x346: {  	_ =	swait.ge [sflag:s22], $0x2200  }
0x347: {  	s9 =	simm.s32 @!p0 $0x6800;
	[sflag:s22] =	ssyncset.done $0x0  }
0x348: {  	s1 =	simm.s32 @!p0 $0x44;
	s0 =	sadd.s32 @!p0 $0x300, s29;
	[sflag:s22] =	ssyncadd.s32 $0xFFFFDE00  }
0x349: {  	[tilespmem:s9], [sflag:$0x3] =	stream.indirect.gather @!p0 [hbm4b:s2+s1], $0x80, s0, s1, $0xb8;
	[tilespmem:$0xC100] =	vst v63  }
0x34a: {  	v7 =	vld [tilespmem:s26+$0x1000]  }
0x34b: {  	v8 =	vld [tilespmem:s26+$0x1010]  }
0x34c: {  	v6 =	vld [tilespmem:s26+$0x1020]  }
0x34d: {  	v5 =	vld [tilespmem:s26+$0x1030]  }
0x34e: {  	v4 =	vld [tilespmem:s26+$0x1040]  }
0x34f: {  	v3 =	vld [tilespmem:s26+$0x1050]  }
0x350: {  	v2 =	vld [tilespmem:s26+$0x1060]  }
0x351: {  	s12 =	simm.s32 $0x8D00;
	v1 =	vld [tilespmem:s26+$0x1070]  }
0x352: {  	v9 =	vld [tilespmem:s12+$0x80]  }
0x353: {  	v10 =	vld [tilespmem:s12+$0x90]  }
0x354: {  	v11 =	vld [tilespmem:s12+$0xA0]  }
0x355: {  	v12 =	vld [tilespmem:s12+$0xB0]  }
0x356: {  	v13 =	vld [tilespmem:s12+$0xC0]  }
0x357: {  	v14 =	vld [tilespmem:s12+$0xD0]  }
0x358: {  	v15 =	vld [tilespmem:s12+$0xE0]  }
0x359: {  	v16 =	vld [tilespmem:s12+$0xF0];
	_ =	sdelay $0x1  }
0x35a: {  	v17 =	vmul.f32 v9, v7;
	v18 =	vmul.f32 v10, v8  }
0x35b: {  	v19 =	vmul.f32 v11, v6;
	v20 =	vmul.f32 v12, v5  }
0x35c: {  	v60 =	vld [tilespmem:s12+$0x40];
	v22 =	vmul.f32 v13, v4;
	v23 =	vmul.f32 v14, v3  }
0x35d: {  	v61 =	vld [tilespmem:s12+$0xFFFFFF00];
	v25 =	vmul.f32 v15, v2;
	v26 =	vmul.f32 v16, v1  }
0x35e: {  	v62 =	vld [tilespmem:s12+$0x50];
	v9 =	vmul.f32 v9, v9;
	v10 =	vmul.f32 v10, v10  }
0x35f: {  	v63 =	vld [tilespmem:s12+$0x60];
	v11 =	vmul.f32 v11, v11;
	v12 =	vmul.f32 v12, v12  }
0x360: {  	v21 =	vld [tilespmem:s12+$0xFFFFFF10];
	v13 =	vmul.f32 v13, v13;
	v14 =	vmul.f32 v14, v14  }
0x361: {  	v27 =	vld [tilespmem:s12+$0xFFFFFF30];
	v15 =	vmul.f32 v15, v15;
	v16 =	vmul.f32 v16, v16  }
0x362: {  	v28 =	vld [tilespmem:s12+$0xFFFFFF40];
	v49 =	vmul.f32 v61, v7;
	v40 =	vmul.f32 v61, v61  }
0x363: {  	v24 =	vld [tilespmem:s12+$0xFFFFFF20];
	v51 =	vmul.f32 v60, v4;
	v52 =	vmul.f32 v62, v3;
	v17 =	vadd.f32 v18, v17  }
0x364: {  	v53 =	vmul.f32 v63, v2;
	v19 =	vadd.f32 v20, v19;
	v20 =	vadd.f32 v23, v22  }
0x365: {  	v29 =	vld [tilespmem:s12+$0xFFFFFF50];
	v33 =	vmul.f32 v63, v63;
	v23 =	vadd.f32 v26, v25;
	v9 =	vadd.f32 v10, v9  }
0x366: {  	v11 =	vadd.f32 v12, v11;
	v12 =	vmul.f32 v21, v8;
	v13 =	vadd.f32 v14, v13  }
0x367: {  	v18 =	vld [tilespmem:s12+$0xFFFFFF60];
	v15 =	vadd.f32 v16, v15;
	v16 =	vmul.f32 v27, v5;
	v25 =	vmul.f32 v28, v4  }
0x368: {  	v22 =	vld [tilespmem:s12+$0xFFFFFF70];
	v17 =	vadd.f32 v19, v17;
	v20 =	vadd.f32 v23, v20;
	v23 =	vmul.f32 v24, v6  }
0x369: {  	v14 =	vld [tilespmem:s12+$0xFFFFFFA0];
	v21 =	vmul.f32 v21, v21;
	v9 =	vadd.f32 v11, v9;
	v13 =	vadd.f32 v15, v13  }
0x36a: {  	v31 =	vld [tilespmem:s12+$0xFFFFFFD0];
	v17 =	vadd.f32 v20, v17;
	v20 =	vmul.f32 v29, v3;
	v16 =	vadd.f32 v16, v23  }
0x36b: {  	s13 =	simm.s32 $0x3;
	v10 =	vld [tilespmem:s12+$0xFFFFFF80];
	v23 =	vmul.f32 v24, v24;
	v9 =	vadd.f32 v13, v9;
	v13 =	vmul.f32 v27, v27  }
0x36c: {  	v39 =	vmov s13;
	s14 =	simm.s32 $0x0;
	v19 =	vld [tilespmem:s12+$0xFFFFFF90];
	v27 =	vmul.f32 v28, v28;
	v15 =	vmul.f32 v18, v2  }
0x36d: {  	v50 =	vmov s14;
	v11 =	vld [tilespmem:s12+$0xFFFFFFC0];
	v30 =	vmul.f32 v22, v1;
	v18 =	vmul.f32 v18, v18  }
0x36e: {  	v54 =	vld [tilespmem:s12+$0x10];
	v12 =	vadd.f32 v12, v49;
	v22 =	vmul.f32 v22, v22;
	v55 =	vmul.f32 v14, v6  }
0x36f: {  	v26 =	vld [tilespmem:s12+$0xFFFFFFB0];
	v14 =	vmul.f32 v14, v14;
	v20 =	vadd.f32 v20, v25;
	v13 =	vadd.f32 v13, v23  }
0x370: {  	v24 =	vld [tilespmem:s12+$0xFFFFFFE0];
	v25 =	vmul.f32 v29, v29;
	(xrf2) =	vadd.scan.msk.f32 $0xffff, v17;
	v17 =	vadd.f32 v21, v40;
	v12 =	vadd.f32 v16, v12  }
0x371: {  	v28 =	vld [tilespmem:s12+$0xFFFFFFF0];
	v15 =	vadd.f32 v30, v15;
	v30 =	vmul.f32 v10, v7;
	v23 =	vmul.f32 v19, v8  }
0x372: {  	s31 =	simm.s32 $0x2;
	v57 =	vmul.f32 v11, v4;
	v59 =	vadd.f32 v22, v18;
	v18 =	vmul.f32 v31, v3  }
0x373: {  	v16 =	vmov s31;
	v10 =	vmul.f32 v10, v10;
	v19 =	vmul.f32 v19, v19  }
0x374: {  	v56 =	vld [tilespmem:s12+$0x20];
	v11 =	vmul.f32 v11, v11;
	(xrf2) =	vadd.scan.msk.f32 $0xffff, v9;
	v9 =	vmul.f32 v54, v54;
	v25 =	vadd.f32 v25, v27  }
0x375: {  	v58 =	vld [tilespmem:s12+$0x30];
	v27 =	vmul.f32 v26, v5;
	v26 =	vmul.f32 v26, v26;
	v13 =	vadd.f32 v13, v17  }
0x376: {  	v29 =	vld [tilespmem:s12+$0x0];
	v22 =	vmul.f32 v24, v2;
	v30 =	vadd.f32 v23, v30;
	v23 =	vmul.f32 v28, v1  }
0x377: {  	v35 =	vadd.f32 v18, v57;
	v18 =	vmul.f32 v31, v31;
	v24 =	vmul.f32 v24, v24  }
0x378: {  	v10 =	vadd.f32 v19, v10;
	v19 =	vmul.f32 v54, v8;
	v15 =	vadd.f32 v15, v20  }
0x379: {  	v54 =	vmul.f32 v56, v56;
	v27 =	vadd.f32 v27, v55;
	v14 =	vadd.f32 v26, v14  }
0x37a: {  	v26 =	vmul.f32 v58, v5;
	v48 =	vadd.f32 v23, v22;
	v22 =	vmul.f32 v28, v28  }
0x37b: {  	v20 =	vadd.f32 v59, v25;
	v23 =	vmul.f32 v29, v7;
	v28 =	vmul.f32 v56, v6  }
0x37c: {  	v31 =	vld [tilespmem:s12+$0x70];
	v29 =	vmul.f32 v29, v29;
	v11 =	vadd.f32 v18, v11;
	v12 =	vadd.f32 v15, v12  }
0x37d: {  	s11 =	simm.s32 $0x8F00;
	v56 =	vmul.f32 v62, v62;
	v59 =	vadd.f32 v27, v30;
	v15 =	vadd.f32 v20, v13  }
0x37e: {  	v57 =	vld [tilespmem:s11+$0x80];
	v55 =	vadd.f32 v22, v24;
	v22 =	vmul.f32 v58, v58;
	v24 =	vmul.f32 v60, v60  }
0x37f: {  	s30 =	simm.s32 $0x1;
	v25 =	vld [tilespmem:s11+$0xD0];
	v19 =	vadd.f32 v19, v23;
	v28 =	vadd.f32 v26, v28;
	v26 =	vand.u32 $0xFFFFFFFC, v50  }
0x380: {  	v18 =	vld [tilespmem:s11+$0x90];
	v29 =	vadd.f32 v9, v29;
	v58 =	vmov s30;
	v35 =	vadd.f32 v48, v35  }
0x381: {  	v27 =	vld [tilespmem:s11+$0xF0];
	v60 =	vadd.f32 v14, v10;
	v10 =	vand.u32 $0xFFFFFFFE, v16;
	v21 =	vmul.f32 v31, v1  }
0x382: {  	v23 =	vmul.f32 v31, v31;
	v31 =	vadd.f32 v52, v51;
	v32 =	vadd.f32 v22, v54;
	v22 =	vld [tilespmem:s11+$0xA0]  }
0x383: {  	v9 =	vbroadcast v26, $0x0;
	v17 =	vand.u32 $0xFFFFFFFD, v58;
	v36 =	vadd.f32 v56, v24;
	v24 =	vld [tilespmem:s11+$0xC0]  }
0x384: {  	v37 =	vmul.f32 v57, v57;
	v61 =	vadd.f32 v55, v11;
	v33 =	vadd.f32 v23, v33;
	v23 =	vld [tilespmem:s11+$0xB0];
	v26, _, _ =	vpop (xrf2)  }
0x385: {  	v10 =	vbroadcast v10, $0x0;
	v62 =	vadd.f32 v28, v19;
	v21 =	vadd.f32 v21, v53;
	[tilespmem:v39+s18+$0x0] =	vst.idx.msk vm0, v26;
	v26 =	vld [tilespmem:s11+$0xE0]  }
0x386: {  	v20 =	vld [tilespmem:s11+$0xFFFFFF40];
	v28 =	vmul.f32 v57, v7;
	v14, _, _ =	vpop (xrf2);
	v29 =	vadd.f32 v32, v29;
	v13 =	vadd.f32 v61, v60  }
0x387: {  	v16 =	vld [tilespmem:s11+$0xFFFFFF10];
	v11 =	vbroadcast v17, $0x0;
	v38 =	vmul.f32 v27, v1;
	[tilespmem:v39+s19+$0x0] =	vst.idx.msk vm0, v14;
	v63 =	vadd.f32 v21, v31  }
0x388: {  	v17 =	vld [tilespmem:s11+$0xFFFFFF20];
	(xrf2) =	vadd.scan.msk.f32 $0xffff, v12;
	v34 =	vadd.f32 v33, v36;
	v31 =	vmul.f32 v18, v8;
	v36 =	vmul.f32 v25, v3  }
0x389: {  	s29 =	sor.u32 $0x30, s26;
	s28 =	sor.u32 $0x40, s26;
	s1 =	sor.u32 $0x10, s26;
	v19 =	vld [tilespmem:s11+$0xFFFFFF30];
	v14 =	vadd.f32 v35, v59;
	v30 =	vmul.f32 v22, v6;
	v32 =	vmul.f32 v24, v4  }
0x38a: {  	s0 =	sor.u32 $0x20, s26;
	s9 =	simm.s32 $0x4;
	s12 =	simm.s32 $0x8;
	v21 =	vld [tilespmem:s11+$0xFFFFFF50];
	v12 =	vadd.f32 v63, v62;
	v33 =	vmul.f32 v23, v5;
	v35 =	vmul.f32 v26, v2  }
.LBB2_9:
0x38b: {  	p0 =	slt.u32 s12, $0x40;
	v39 =	vld [tilespmem:s11+$0xFFFFFF60];
	v18 =	vmul.f32 v18, v18;
	v22 =	vmul.f32 v22, v22;
	v29 =	vadd.f32 v34, v29;
	(xrf2) =	vadd.scan.msk.f32 $0xffff, v15  }
0x38c: {  	v23 =	vmul.f32 v23, v23;
	v24 =	vmul.f32 v24, v24;
	v15 =	vld [tilespmem:s11+$0xFFFFFF70]  }
0x38d: {  	v25 =	vmul.f32 v25, v25;
	v28 =	vadd.f32 v31, v28;
	v30 =	vadd.f32 v33, v30;
	v34 =	vld [tilespmem:s11+$0xFFFFFF80]  }
0x38e: {  	v26 =	vmul.f32 v26, v26;
	v32 =	vadd.f32 v36, v32;
	v33 =	vadd.f32 v38, v35;
	v31 =	vld [tilespmem:s11+$0xFFFFFF90];
	(xrf2) =	vadd.scan.msk.f32 $0xffff, v14  }
0x38f: {  	v27 =	vmul.f32 v27, v27;
	v18 =	vadd.f32 v18, v37;
	v22 =	vadd.f32 v23, v22;
	v14 =	vld [tilespmem:s11+$0xFFFFFFA0]  }
0x390: {  	v23 =	vmul.f32 v16, v8;
	v28 =	vadd.f32 v30, v28;
	v36 =	vadd.f32 v33, v32;
	v35 =	vld [tilespmem:s11+$0xFFFFFFB0]  }
0x391: {  	v24 =	vadd.f32 v25, v24;
	v25 =	vadd.f32 v27, v26;
	v32 =	vmul.f32 v17, v6;
	v33 =	vld [tilespmem:s11+$0xFFFFFFC0];
	(xrf2) =	vadd.scan.msk.f32 $0xffff, v13  }
0x392: {  	v26 =	vmul.f32 v20, v4;
	v28 =	vadd.f32 v36, v28;
	v13 =	vmul.f32 v19, v5;
	v27 =	vld [tilespmem:s11+$0xFFFFFFD0];
	v30, _, _ =	vpop (xrf2)  }
0x393: {  	v18 =	vadd.f32 v22, v18;
	v38 =	vadd.f32 v25, v24;
	v36 =	vmul.f32 v21, v3;
	v37 =	vld [tilespmem:s11+$0xFFFFFFE0]  }
0x394: {  	v24 =	vmul.f32 v39, v2;
	v25 =	vmul.f32 v15, v1;
	v13 =	vadd.f32 v13, v32;
	v32 =	vld [tilespmem:s11+$0xFFFFFFF0];
	(xrf2) =	vadd.scan.msk.f32 $0xffff, v28  }
0x395: {  	v16 =	vmul.f32 v16, v16;
	v17 =	vmul.f32 v17, v17;
	v18 =	vadd.f32 v38, v18;
	v28 =	vld [tilespmem:s11+$0x0];
	v22, _, _ =	vpop (xrf2)  }
0x396: {  	v20 =	vmul.f32 v20, v20;
	v19 =	vmul.f32 v19, v19;
	v26 =	vadd.f32 v36, v26;
	v36 =	vld [tilespmem:s11+$0x10]  }
0x397: {  	v21 =	vmul.f32 v21, v21;
	v38 =	vmul.f32 v39, v39;
	v24 =	vadd.f32 v25, v24;
	v25 =	vld [tilespmem:s11+$0x20];
	(xrf2) =	vadd.scan.msk.f32 $0xffff, v18  }
0x398: {  	v15 =	vmul.f32 v15, v15;
	v17 =	vadd.f32 v19, v17;
	v18 =	vmul.f32 v34, v7;
	v19 =	vld [tilespmem:s11+$0x30];
	v39, _, _ =	vpop (xrf2)  }
0x399: {  	v20 =	vadd.f32 v21, v20;
	v21 =	vmul.f32 v31, v8;
	v40 =	vmul.f32 v14, v6;
	v41 =	vld [tilespmem:s11+$0x40]  }
0x39a: {  	v15 =	vadd.f32 v15, v38;
	v38 =	vmul.f32 v35, v5;
	v42 =	vmul.f32 v33, v4;
	v43 =	vld [tilespmem:s11+$0x50];
	(xrf2) =	vadd.scan.msk.f32 $0xffff, v12  }
0x39b: {  	s13 =	sadd.s32 $0x3, s9;
	v44 =	vmul.f32 v37, v2;
	v21 =	vadd.f32 v21, v18;
	v12 =	vmul.f32 v27, v3;
	v18 =	vld [tilespmem:s11+$0x60];
	v45, _, _ =	vpop (xrf2)  }
0x39c: {  	v48 =	vmov s13;
	v34 =	vmul.f32 v34, v34;
	v46 =	vmul.f32 v32, v1;
	v47 =	vld [tilespmem:s11+$0x70];
	[tilespmem:v9+s18+$0x0] =	vst.idx.msk vm0, v30  }
0x39d: {  	v31 =	vmul.f32 v31, v31;
	v14 =	vmul.f32 v14, v14;
	v38 =	vadd.f32 v38, v40;
	v30 =	vld [tilespmem:s11+$0xFFFFFF00];
	(xrf2) =	vadd.scan.msk.f32 $0xffff, v29  }
0x39e: {  	v33 =	vmul.f32 v33, v33;
	v12 =	vadd.f32 v12, v42;
	v29 =	vmul.f32 v35, v35;
	v35, _, _ =	vpop (xrf2)  }
0x39f: {  	v37 =	vmul.f32 v37, v37;
	v27 =	vmul.f32 v27, v27;
	v40 =	vadd.f32 v46, v44  }
0x3a0: {  	v32 =	vmul.f32 v32, v32;
	v31 =	vadd.f32 v31, v34;
	v34 =	vmul.f32 v28, v7  }
0x3a1: {  	v42 =	vmul.f32 v36, v8;
	v44 =	vmul.f32 v25, v6;
	[tilespmem:v48+s18+$0x0] =	vst.idx.msk vm0, v35;
	v35, _, _ =	vpop (xrf2)  }
0x3a2: {  	v49 =	vmov s9;
	v46 =	vmul.f32 v30, v7;
	v30 =	vmul.f32 v30, v30;
	[tilespmem:v48+s19+$0x0] =	vst.idx.msk vm0, v35  }
0x3a3: {  	v14 =	vadd.f32 v29, v14;
	v29 =	vmul.f32 v19, v5;
	v35 =	vmul.f32 v41, v4  }
0x3a4: {  	v48 =	vmul.f32 v18, v2;
	v23 =	vadd.f32 v23, v46;
	v46 =	vmul.f32 v43, v3;
	v50, _, _ =	vpop (xrf2)  }
0x3a5: {  	v28 =	vmul.f32 v28, v28;
	v16 =	vadd.f32 v16, v30;
	v30 =	vmul.f32 v47, v1  }
0x3a6: {  	v27 =	vadd.f32 v27, v33;
	v33 =	vmul.f32 v36, v36;
	v25 =	vmul.f32 v25, v25  }
0x3a7: {  	v32 =	vadd.f32 v32, v37;
	v36 =	vmul.f32 v41, v41;
	v19 =	vmul.f32 v19, v19;
	v37, _, _ =	vpop (xrf2)  }
0x3a8: {  	v34 =	vadd.f32 v42, v34;
	v41 =	vmul.f32 v43, v43;
	v43 =	vmul.f32 v18, v18  }
0x3a9: {  	s11 =	sadd.s32 $0x200, s11;
	v42 =	vmul.f32 v47, v47;
	v29 =	vadd.f32 v29, v44;
	v35 =	vadd.f32 v46, v35  }
0x3aa: {  	s13 =	sadd.s32 $0x1, s9;
	v28 =	vadd.f32 v33, v28;
	v46 =	vand.u32 $0xFFFFFFFC, v49;
	v30 =	vadd.f32 v30, v48;
	v44 =	vld [tilespmem:s11+$0x80];
	[tilespmem:v9+s19+$0x0] =	vst.idx.msk vm0, v22  }
0x3ab: {  	v33 =	vmov s13;
	s13 =	sadd.s32 $0x2, s9;
	s9 =	smov.u32 s12;
	v19 =	vadd.f32 v19, v25;
	v36 =	vadd.f32 v41, v36;
	v18 =	vld [tilespmem:s11+$0x90];
	[tilespmem:v11+s18+$0x0] =	vst.idx.msk vm0, v39  }
0x3ac: {  	v41 =	vmov s13;
	v13 =	vadd.f32 v13, v23;
	v39 =	vadd.f32 v42, v43;
	v22 =	vld [tilespmem:s11+$0xA0];
	[tilespmem:v11+s19+$0x0] =	vst.idx.msk vm0, v45  }
0x3ad: {  	v9 =	vbroadcast v46, $0x0;
	v42 =	vadd.f32 v24, v26;
	v43 =	vadd.f32 v17, v16;
	v23 =	vld [tilespmem:s11+$0xB0];
	[tilespmem:v10+s18+$0x0] =	vst.idx.msk vm0, v50  }
0x3ae: {  	v15 =	vadd.f32 v15, v20;
	v20 =	vadd.f32 v38, v21;
	v11 =	vand.u32 $0xFFFFFFFD, v33;
	v24 =	vld [tilespmem:s11+$0xC0];
	[tilespmem:v10+s19+$0x0] =	vst.idx.msk vm0, v37  }
0x3af: {  	v12 =	vadd.f32 v40, v12;
	v21 =	vadd.f32 v14, v31;
	v10 =	vand.u32 $0xFFFFFFFE, v41;
	v25 =	vld [tilespmem:s11+$0xD0]  }
0x3b0: {  	v40 =	vadd.f32 v29, v34;
	v11 =	vbroadcast v11, $0x0;
	v37 =	vadd.f32 v32, v27;
	v26 =	vld [tilespmem:s11+$0xE0]  }
0x3b1: {  	v29 =	vadd.f32 v19, v28;
	v41 =	vadd.f32 v30, v35;
	v10 =	vbroadcast v10, $0x0;
	v27 =	vld [tilespmem:s11+$0xF0]  }
.Ltmp3:
0x3b2: {  	v13 =	vadd.f32 v42, v13;
	v34 =	vadd.f32 v39, v36;
	v28 =	vmul.f32 v44, v7;
	v16 =	vld [tilespmem:s11+$0xFFFFFF10];
	(pc) =	sbr.rel @p0 .LBB2_9-.Ltmp3, $4  }
0x3b3: {  	v15 =	vadd.f32 v15, v43;
	v31 =	vmul.f32 v18, v8;
	v30 =	vmul.f32 v22, v6;
	v17 =	vld [tilespmem:s11+$0xFFFFFF20]  }
0x3b4: {  	v14 =	vadd.f32 v12, v20;
	v33 =	vmul.f32 v23, v5;
	v32 =	vmul.f32 v24, v4;
	v19 =	vld [tilespmem:s11+$0xFFFFFF30];
	(xrf2) =	vadd.scan.msk.f32 $0xffff, v13  }
0x3b5: {  	v36 =	vmul.f32 v25, v3;
	v13 =	vadd.f32 v37, v21;
	v20 =	vld [tilespmem:s11+$0xFFFFFF40];
	v35 =	vmul.f32 v26, v2  }
0x3b6: {  	s12 =	sadd.s32 $0x4, s12;
	v12 =	vadd.f32 v41, v40;
	v37 =	vmul.f32 v44, v44;
	v21 =	vld [tilespmem:s11+$0xFFFFFF50];
	v38 =	vmul.f32 v27, v1  }
0x3b7: {  	v39 =	vmul.f32 v18, v18;
	v22 =	vmul.f32 v22, v22  }
0x3b8: {  	v18 =	vadd.f32 v34, v29;
	v23 =	vmul.f32 v23, v23;
	v24 =	vmul.f32 v24, v24  }
0x3b9: {  	v45 =	vld [tilespmem:s11+$0xFFFFFF60];
	v25 =	vmul.f32 v25, v25;
	v28 =	vadd.f32 v31, v28;
	v30 =	vadd.f32 v33, v30  }
0x3ba: {  	v46 =	vld [tilespmem:s11+$0xFFFFFF70];
	v26 =	vmul.f32 v26, v26;
	v32 =	vadd.f32 v36, v32;
	v27 =	vmul.f32 v27, v27  }
0x3bb: {  	v33 =	vld [tilespmem:s11+$0xFFFFFF80];
	v47 =	vadd.f32 v38, v35;
	v49 =	vmul.f32 v17, v6;
	v55 =	vmul.f32 v17, v17  }
0x3bc: {  	v36 =	vld [tilespmem:s11+$0xFFFFFF90];
	v22 =	vadd.f32 v23, v22;
	v23 =	vmul.f32 v16, v8;
	v50 =	vmul.f32 v19, v5  }
0x3bd: {  	v40 =	vld [tilespmem:s11+$0xFFFFFFD0];
	v48 =	vadd.f32 v39, v37;
	v16 =	vmul.f32 v16, v16;
	v56 =	vmul.f32 v19, v19  }
0x3be: {  	v41 =	vld [tilespmem:s11+$0xFFFFFFE0];
	v28 =	vadd.f32 v30, v28;
	v51 =	vmul.f32 v20, v4;
	v58 =	vmul.f32 v20, v20  }
0x3bf: {  	v57 =	vld [tilespmem:s11+$0xFFFFFFF0];
	v24 =	vadd.f32 v25, v24;
	v52 =	vmul.f32 v21, v3;
	v59 =	vmul.f32 v21, v21  }
0x3c0: {  	v26 =	vadd.f32 v27, v26;
	v53 =	vmul.f32 v45, v2;
	v54 =	vmul.f32 v46, v1  }
0x3c1: {  	v34 =	vld [tilespmem:s11+$0x0];
	v32 =	vadd.f32 v47, v32;
	v60 =	vmul.f32 v45, v45;
	v61 =	vmul.f32 v46, v46  }
0x3c2: {  	v63 =	vld [tilespmem:s11+$0x40];
	v22 =	vadd.f32 v22, v48;
	v62 =	vmul.f32 v33, v7;
	v42 =	vmul.f32 v36, v8  }
0x3c3: {  	v38 =	vld [tilespmem:s11+$0xFFFFFFC0];
	v24 =	vadd.f32 v26, v24;
	v46 =	vmul.f32 v40, v3;
	v47 =	vmul.f32 v41, v2  }
0x3c4: {  	v30 =	vld [tilespmem:s11+$0xFFFFFFA0];
	v26 =	vadd.f32 v50, v49;
	v48 =	vmul.f32 v57, v1;
	v36 =	vmul.f32 v36, v36  }
0x3c5: {  	v25 =	vld [tilespmem:s11+$0xFFFFFFB0];
	v17 =	vadd.f32 v56, v55;
	v40 =	vmul.f32 v40, v40;
	v41 =	vmul.f32 v41, v41  }
0x3c6: {  	v39 =	vld [tilespmem:s11+$0x20];
	v28 =	vadd.f32 v32, v28;
	v27 =	vmul.f32 v57, v57;
	v57 =	vmul.f32 v34, v7  }
0x3c7: {  	v19 =	vld [tilespmem:s11+$0x30];
	v34 =	vmul.f32 v34, v34;
	v21 =	vmul.f32 v63, v63;
	v22 =	vadd.f32 v24, v22  }
0x3c8: {  	v31 =	vadd.f32 v52, v51;
	v45 =	vmul.f32 v38, v4;
	v38 =	vmul.f32 v38, v38  }
0x3c9: {  	v20 =	vadd.f32 v59, v58;
	v51 =	vmul.f32 v63, v4;
	v43 =	vmul.f32 v30, v6  }
0x3ca: {  	v55 =	vld [tilespmem:s11+$0xFFFFFF00];
	v35 =	vadd.f32 v54, v53;
	v44 =	vmul.f32 v25, v5;
	v54 =	vmul.f32 v33, v33  }
0x3cb: {  	v49 =	vld [tilespmem:s11+$0x50];
	v24 =	vadd.f32 v61, v60;
	v30 =	vmul.f32 v30, v30;
	v25 =	vmul.f32 v25, v25  }
0x3cc: {  	v56 =	vld [tilespmem:s11+$0x70];
	v37 =	vadd.f32 v42, v62;
	v59 =	vmul.f32 v39, v6;
	v60 =	vmul.f32 v19, v5  }
0x3cd: {  	v32 =	vld [tilespmem:s11+$0x10];
	v27 =	vadd.f32 v27, v41;
	v39 =	vmul.f32 v39, v39;
	v45 =	vadd.f32 v46, v45  }
0x3ce: {  	v19 =	vmul.f32 v19, v19;
	v46 =	vadd.f32 v48, v47;
	v38 =	vadd.f32 v40, v38  }
0x3cf: {  	v43 =	vadd.f32 v44, v43;
	v29 =	vadd.f32 v36, v54;
	v50 =	vmul.f32 v55, v7  }
0x3d0: {  	v33 =	vmul.f32 v55, v55;
	v25 =	vadd.f32 v25, v30;
	v61 =	vmul.f32 v49, v3  }
0x3d1: {  	v62 =	vmul.f32 v56, v1;
	v63 =	vmul.f32 v49, v49;
	v30 =	vadd.f32 v60, v59  }
0x3d2: {  	v42 =	vld [tilespmem:s11+$0x60];
	v55 =	vadd.f32 v35, v31;
	v58 =	vmul.f32 v32, v8;
	v23 =	vadd.f32 v23, v50  }
0x3d3: {  	v32 =	vmul.f32 v32, v32;
	v16 =	vadd.f32 v16, v33;
	v50 =	vadd.f32 v61, v51  }
0x3d4: {  	(xrf2) =	vadd.scan.msk.f32 $0xffff, v15;
	v51 =	vmul.f32 v56, v56;
	v53 =	vadd.f32 v63, v21;
	v59 =	vadd.f32 v43, v37  }
0x3d5: {  	(xrf2) =	vadd.scan.msk.f32 $0xffff, v14;
	v56 =	vmul.f32 v7, v7;
	v61 =	vadd.f32 v46, v45;
	v63 =	vadd.f32 v27, v38  }
0x3d6: {  	(xrf2) =	vadd.scan.msk.f32 $0xffff, v13;
	v49 =	vadd.f32 v58, v57;
	v32 =	vadd.f32 v32, v34;
	v57 =	vmul.f32 v8, v8  }
0x3d7: {  	(xrf2) =	vadd.scan.msk.f32 $0xffff, v28;
	v52 =	vmul.f32 v42, v2;
	v58 =	vadd.f32 v24, v20;
	v54 =	vadd.f32 v26, v23  }
0x3d8: {  	v60 =	vmul.f32 v6, v6;
	v16 =	vadd.f32 v17, v16;
	v7 =	vadd.f32 v57, v56  }
0x3d9: {  	(xrf2) =	vadd.scan.msk.f32 $0xffff, v22;
	v42 =	vmul.f32 v42, v42;
	v8 =	vadd.f32 v61, v59;
	v33 =	vadd.f32 v62, v52  }
0x3da: {  	v28 =	vmul.f32 v5, v5;
	v52 =	vadd.f32 v19, v39;
	v6 =	vadd.f32 v60, v7  }
0x3db: {  	v15 =	vadd.f32 v51, v42;
	v62 =	vadd.f32 v25, v29  }
0x3dc: {  	v35 =	vmul.f32 v4, v4;
	v30 =	vadd.f32 v30, v49;
	v5 =	vadd.f32 v28, v6  }
0x3dd: {  	v3 =	vmul.f32 v3, v3;
	v34 =	vadd.f32 v55, v54;
	v31 =	vadd.f32 v33, v50;
	v33, _, _ =	vpop (xrf2);
	(xrf2) =	vadd.scan.msk.f32 $0xffff, v12  }
0x3de: {  	v1 =	vmul.f32 v1, v1;
	v38 =	vadd.f32 v58, v16;
	v36, _, _ =	vpop (xrf2);
	(xrf2) =	vadd.scan.msk.f32 $0xffff, v18;
	v4 =	vadd.f32 v35, v5  }
0x3df: {  	v45 =	vmov s9;
	v37 =	vadd.f32 v52, v32;
	v41 =	vadd.f32 v15, v53;
	v39, _, _ =	vpop (xrf2);
	(xrf2) =	vadd.scan.msk.f32 $0xffff, v34  }
0x3e0: {  	s14 =	sadd.s32 $0x3, s9;
	v2 =	vmul.f32 v2, v2;
	v42 =	vadd.f32 v63, v62;
	v40, _, _ =	vpop (xrf2);
	(xrf2) =	vadd.scan.msk.f32 $0xffff, v38;
	v3 =	vadd.f32 v3, v4  }
0x3e1: {  	v29 =	vmov s14;
	v44 =	vadd.f32 v31, v30;
	[tilespmem:v9+s18+$0x0] =	vst.idx.msk vm0, v33;
	v43, _, _ =	vpop (xrf2);
	(xrf2) =	vadd.scan.msk.f32 $0xffff, v8  }
0x3e2: {  	v46 =	vadd.f32 v41, v37;
	[tilespmem:v9+s19+$0x0] =	vst.idx.msk vm0, v36;
	(xrf2) =	vadd.scan.msk.f32 $0xffff, v42;
	v2 =	vadd.f32 v2, v3  }
0x3e3: {  	s30 =	sadd.s32 $0x1, s9;
	[tilespmem:v11+s18+$0x0] =	vst.idx.msk vm0, v39;
	v4 =	vand.u32 $0xFFFFFFFC, v45;
	v47, _, _ =	vpop (xrf2);
	(xrf2) =	vadd.scan.msk.f32 $0xffff, v44  }
0x3e4: {  	v4 =	vbroadcast v4, $0x0;
	v3 =	vmov s30;
	(xrf2) =	vadd.scan.msk.f32 $0xffff, v46;
	v1 =	vadd.f32 v1, v2  }
0x3e5: {  	s31 =	sadd.s32 $0x2, s9;
	[tilespmem:v11+s19+$0x0] =	vst.idx.msk vm0, v40;
	v3 =	vand.u32 $0xFFFFFFFD, v3  }
0x3e6: {  	[tilespmem:v29+s18+$0x0] =	vst.idx.msk vm0, v43;
	v2 =	vmov s31;
	v3 =	vbroadcast v3, $0x0  }
0x3e7: {  	[tilespmem:v29+s19+$0x0] =	vst.idx.msk vm0, v47;
	v2 =	vand.u32 $0xFFFFFFFE, v2;
	v48, _, _ =	vpop (xrf2);
	(xrf2) =	vadd.scan.msk.f32 $0xffff, v1  }
0x3e8: {  	v2 =	vbroadcast v2, $0x0;
	[tilespmem:v10+s18+$0x0] =	vst.idx.msk vm0, v48;
	v1, _, _ =	vpop (xrf2)  }
0x3e9: {  	v49, _, _ =	vpop (xrf2);
	[tilespmem:v10+s19+$0x0] =	vst.idx.msk vm0, v1  }
0x3ea: {  	v1, _, _ =	vpop (xrf2);
	[tilespmem:v4+s18+$0x0] =	vst.idx.msk vm0, v49  }
0x3eb: {  	v50, _, _ =	vpop (xrf2);
	[tilespmem:v4+s19+$0x0] =	vst.idx.msk vm0, v1  }
0x3ec: {  	v1, _, _ =	vpop (xrf2);
	[tilespmem:v3+s18+$0x0] =	vst.idx.msk vm0, v50  }
0x3ed: {  	v51, _, _ =	vpop (xrf2);
	[tilespmem:v3+s19+$0x0] =	vst.idx.msk vm0, v1  }
0x3ee: {  	v1, _, _ =	vpop (xrf2);
	[tilespmem:v2+s18+$0x0] =	vst.idx.msk vm0, v51  }
0x3ef: {  	[tilespmem:v2+s19+$0x0] =	vst.idx.msk vm0, v1  }
0x3f0: {  	v1 =	vld [tilespmem:$0xB080]  }
0x3f1: {  	v2, _, _ =	vpop (xrf2)  }
0x3f2: {  	v2 =	vbroadcast v2, $0xF;
	_ =	sdelay $0x1  }
0x3f3: {  	v3 =	vshra.s32 v2, $0x1  }
0x3f4: {  	v2 =	vmul.f32 $5.000000000e-01, v2;
	v52 =	vshra.s32 v1, $0x1;
	v1 =	vmul.f32 $5.000000000e-01, v1  }
0x3f5: {  	v3 =	vsub.s32 $0x5F3759DF, v3;
	v4 =	vsub.s32 $0x5F3759DF, v52  }
0x3f6: {  	v53 =	vmul.f32 v3, v2;
	v54 =	vmul.f32 v4, v1;
	_ =	sdelay $0x1  }
0x3f7: {  	v5 =	vmul.f32 v3, v53;
	v6 =	vmul.f32 v4, v54;
	_ =	sdelay $0x1  }
0x3f8: {  	v5 =	vsub.f32 $1.500000000e+00, v5;
	v6 =	vsub.f32 $1.500000000e+00, v6;
	_ =	sdelay $0x1  }
0x3f9: {  	v3 =	vmul.f32 v3, v5;
	v4 =	vmul.f32 v4, v6;
	_ =	sdelay $0x1  }
0x3fa: {  	v5 =	vmul.f32 v3, v2;
	v6 =	vmul.f32 v4, v1;
	_ =	sdelay $0x1  }
0x3fb: {  	v5 =	vmul.f32 v5, v3;
	v6 =	vmul.f32 v6, v4;
	_ =	sdelay $0x1  }
0x3fc: {  	v5 =	vsub.f32 $1.500000000e+00, v5;
	v6 =	vsub.f32 $1.500000000e+00, v6;
	_ =	sdelay $0x1  }
0x3fd: {  	v3 =	vmul.f32 v5, v3;
	v4 =	vmul.f32 v6, v4;
	_ =	sdelay $0x1  }
0x3fe: {  	v2 =	vmul.f32 v3, v2;
	v1 =	vmul.f32 v4, v1;
	_ =	sdelay $0x1  }
0x3ff: {  	v2 =	vmul.f32 v2, v3;
	v1 =	vmul.f32 v1, v4  }
0x400: {  	v55 =	vld [tilespmem:$0xB000]  }
0x401: {  	v2 =	vsub.f32 $1.500000000e+00, v2;
	v1 =	vsub.f32 $1.500000000e+00, v1;
	_ =	sdelay $0x1  }
0x402: {  	v2 =	vmul.f32 v2, v3;
	v1 =	vmul.f32 v1, v4;
	_ =	sdelay $0x1  }
0x403: {  	v2 =	vmul.f32 $1.428571410e+01, v2;
	v1 =	vmul.f32 v1, v55;
	_ =	sdelay $0x1  }
0x404: {  	v1 =	vmul.f32 v1, v2;
	_ =	sdelay $0x1  }
0x405: {  	[tilespmem:s26+$0xB100] =	vst v1  }
0x406: {  	v1 =	vld [tilespmem:$0xB090];
	_ =	sdelay $0x4  }
0x407: {  	v3 =	vshra.s32 v1, $0x1;
	v1 =	vmul.f32 $5.000000000e-01, v1  }
0x408: {  	v3 =	vsub.s32 $0x5F3759DF, v3  }
0x409: {  	v56 =	vmul.f32 v3, v1;
	_ =	sdelay $0x1  }
0x40a: {  	v4 =	vmul.f32 v3, v56;
	_ =	sdelay $0x1  }
0x40b: {  	v4 =	vsub.f32 $1.500000000e+00, v4;
	_ =	sdelay $0x1  }
0x40c: {  	v3 =	vmul.f32 v3, v4;
	_ =	sdelay $0x1  }
0x40d: {  	v4 =	vmul.f32 v3, v1;
	_ =	sdelay $0x1  }
0x40e: {  	v4 =	vmul.f32 v4, v3;
	_ =	sdelay $0x1  }
0x40f: {  	v4 =	vsub.f32 $1.500000000e+00, v4;
	_ =	sdelay $0x1  }
0x410: {  	v3 =	vmul.f32 v4, v3;
	_ =	sdelay $0x1  }
0x411: {  	v1 =	vmul.f32 v3, v1;
	_ =	sdelay $0x1  }
0x412: {  	v1 =	vmul.f32 v1, v3  }
0x413: {  	v57 =	vld [tilespmem:$0xB010]  }
0x414: {  	v1 =	vsub.f32 $1.500000000e+00, v1;
	_ =	sdelay $0x1  }
0x415: {  	v1 =	vmul.f32 v1, v3;
	_ =	sdelay $0x1  }
0x416: {  	v1 =	vmul.f32 v1, v57;
	_ =	sdelay $0x1  }
0x417: {  	v1 =	vmul.f32 v1, v2;
	_ =	sdelay $0x1  }
0x418: {  	[tilespmem:s1+$0xB100] =	vst v1  }
0x419: {  	v1 =	vld [tilespmem:$0xB0A0];
	_ =	sdelay $0x4  }
0x41a: {  	v3 =	vshra.s32 v1, $0x1;
	v1 =	vmul.f32 $5.000000000e-01, v1  }
0x41b: {  	v3 =	vsub.s32 $0x5F3759DF, v3  }
0x41c: {  	v58 =	vmul.f32 v3, v1;
	_ =	sdelay $0x1  }
0x41d: {  	v4 =	vmul.f32 v3, v58;
	_ =	sdelay $0x1  }
0x41e: {  	v4 =	vsub.f32 $1.500000000e+00, v4;
	_ =	sdelay $0x1  }
0x41f: {  	v3 =	vmul.f32 v3, v4;
	_ =	sdelay $0x1  }
0x420: {  	v4 =	vmul.f32 v3, v1;
	_ =	sdelay $0x1  }
0x421: {  	v4 =	vmul.f32 v4, v3;
	_ =	sdelay $0x1  }
0x422: {  	v4 =	vsub.f32 $1.500000000e+00, v4;
	_ =	sdelay $0x1  }
0x423: {  	v3 =	vmul.f32 v4, v3;
	_ =	sdelay $0x1  }
0x424: {  	v1 =	vmul.f32 v3, v1;
	_ =	sdelay $0x1  }
0x425: {  	v1 =	vmul.f32 v1, v3  }
0x426: {  	v59 =	vld [tilespmem:$0xB020]  }
0x427: {  	v1 =	vsub.f32 $1.500000000e+00, v1;
	_ =	sdelay $0x1  }
0x428: {  	v1 =	vmul.f32 v1, v3;
	_ =	sdelay $0x1  }
0x429: {  	v1 =	vmul.f32 v1, v59;
	_ =	sdelay $0x1  }
0x42a: {  	v1 =	vmul.f32 v1, v2;
	_ =	sdelay $0x1  }
0x42b: {  	[tilespmem:s0+$0xB100] =	vst v1  }
0x42c: {  	v1 =	vld [tilespmem:$0xB0B0];
	_ =	sdelay $0x4  }
0x42d: {  	v3 =	vshra.s32 v1, $0x1;
	v1 =	vmul.f32 $5.000000000e-01, v1  }
0x42e: {  	v3 =	vsub.s32 $0x5F3759DF, v3  }
0x42f: {  	v60 =	vmul.f32 v3, v1;
	_ =	sdelay $0x1  }
0x430: {  	v4 =	vmul.f32 v3, v60;
	_ =	sdelay $0x1  }
0x431: {  	v4 =	vsub.f32 $1.500000000e+00, v4;
	_ =	sdelay $0x1  }
0x432: {  	v3 =	vmul.f32 v3, v4;
	_ =	sdelay $0x1  }
0x433: {  	v4 =	vmul.f32 v3, v1;
	_ =	sdelay $0x1  }
0x434: {  	v4 =	vmul.f32 v4, v3;
	_ =	sdelay $0x1  }
0x435: {  	v4 =	vsub.f32 $1.500000000e+00, v4;
	_ =	sdelay $0x1  }
0x436: {  	v3 =	vmul.f32 v4, v3;
	_ =	sdelay $0x1  }
0x437: {  	v1 =	vmul.f32 v3, v1;
	_ =	sdelay $0x1  }
0x438: {  	v1 =	vmul.f32 v1, v3  }
0x439: {  	v61 =	vld [tilespmem:$0xB030]  }
0x43a: {  	v1 =	vsub.f32 $1.500000000e+00, v1;
	_ =	sdelay $0x1  }
0x43b: {  	v1 =	vmul.f32 v1, v3;
	_ =	sdelay $0x1  }
0x43c: {  	v1 =	vmul.f32 v1, v61;
	_ =	sdelay $0x1  }
0x43d: {  	v1 =	vmul.f32 v1, v2;
	_ =	sdelay $0x1  }
0x43e: {  	[tilespmem:s29+$0xB100] =	vst v1  }
0x43f: {  	v1 =	vld [tilespmem:$0xB0C0];
	_ =	sdelay $0x4  }
0x440: {  	v3 =	vshra.s32 v1, $0x1;
	v1 =	vmul.f32 $5.000000000e-01, v1  }
0x441: {  	v3 =	vsub.s32 $0x5F3759DF, v3  }
0x442: {  	v62 =	vmul.f32 v3, v1;
	_ =	sdelay $0x1  }
0x443: {  	v4 =	vmul.f32 v3, v62;
	_ =	sdelay $0x1  }
0x444: {  	v4 =	vsub.f32 $1.500000000e+00, v4;
	_ =	sdelay $0x1  }
0x445: {  	v3 =	vmul.f32 v3, v4;
	_ =	sdelay $0x1  }
0x446: {  	v4 =	vmul.f32 v3, v1;
	_ =	sdelay $0x1  }
0x447: {  	v4 =	vmul.f32 v4, v3;
	_ =	sdelay $0x1  }
0x448: {  	v4 =	vsub.f32 $1.500000000e+00, v4;
	_ =	sdelay $0x1  }
0x449: {  	v3 =	vmul.f32 v4, v3;
	_ =	sdelay $0x1  }
0x44a: {  	v1 =	vmul.f32 v3, v1;
	_ =	sdelay $0x1  }
0x44b: {  	v1 =	vmul.f32 v1, v3  }
0x44c: {  	v63 =	vld [tilespmem:$0xB040]  }
0x44d: {  	v1 =	vsub.f32 $1.500000000e+00, v1;
	_ =	sdelay $0x1  }
0x44e: {  	s25 =	sadd.s32 $0x1, s25;
	v1 =	vmul.f32 v1, v3  }
0x44f: {  	p0 =	sne.s32 s25, $0x8  }
.Ltmp4:
0x450: {  	v1 =	vmul.f32 v1, v63;
	(pc) =	sbr.rel @p0 .LBB2_2-.Ltmp4, $3  }
0x451: {  	_ = 	snop  }
0x452: {  	v1 =	vmul.f32 v1, v2;
	_ =	sdelay $0x1  }
0x453: {  	[tilespmem:s28+$0xB100] =	vst v1  }
0x454: {  	s24 =	sadd.s32 $0x1, s24  }
0x455: {  	p0 =	sne.s32 s24, s7  }
.Ltmp5:
0x456: {  	_ = 	snop;
	(pc) =	sbr.rel @p0 .LBB2_1-.Ltmp5, $4  }
0x457: {  	[hbm4b:s6+s3] =	stream.linear.scatter [tilespmem:s23], [sflag:$0x5], $0x1000, $0x38;
	[tilespmem:$0xC100] =	vst v63  }
0x458: {  	_ =	swait.ge [sflag:s8], $0x1000  }
0x459: {  	[sflag:s8] =	ssyncset.done $0x0  }
0x45a: {  	[sflag:s8] =	ssyncadd.s32 $0xFFFFF000  }
0x45b: {  	_ =	sfence.sel $0x180000  }
0x45c: {  	[bflag:$0x0] =	sbarrier.arrive $0xFFFF  }
0x45d: {  	_ =	strace $0x90000047  }
0x45e: {  	s0 =	stileid.u32;
	[bflag:$0x2] =	sbarrier.arrive $0xFFFF  }
0x45f: {  	p0 =	sne.s32 s0, $0x0;
	s0 =	rddreg [dreg:$0x3]  }
0x460: {  	s0 =	sadd.s32 @!p0 $0x100000, s0  }
0x461: {  	[sflag:s0] =	ssyncadd.tile.s32 @!p0 $0x1;
	_ =	shalt  }
.Lfunc_end2:
_tile_overlayer_lowered:
.L_overlay_start_2:
0x462: {  	(tag) =	ssettag $0x2  }
0x463: {  	s0 =	rddreg [dreg:$0x0];
	s2 =	stileid.u32  }
0x464: {  	s1 =	rddreg [dreg:$0x1];
	p0 =	sne.s32 s2, $0x0  }
0x465: {  	s3 =	rddreg [dreg:$0x2];
	[bflag:$0x3] =	sbarrier.arrive $0xFFFF;
	s2 =	simm.s32 @!p0 $0x1C05  }
0x466: {  	[timem:s3], [sflag:s2] =	dma.local @!p0 [hbm:s0], s1  }
0x467: {  	s0 =	simm.s32 @!p0 $0x5  }
0x468: {  	_ =	swait.ge @!p0 [sflag:s0], s1  }
0x469: {  	s1 =	ssub.s32 @!p0 $0x0, s1;
	[sflag:s0] =	ssyncset.done @!p0 $0x0  }
0x46a: {  	[sflag:s0] =	ssyncadd.s32 @!p0 s1  }
0x46b: {  	[bflag:$0x3] =	sbarrier.arrive $0xFFFF  }
0x46c: {  	_ =	shalt  }

</sc_bundles>
